<compile_context>
chip_gen: v7x
topology: tpu7x:2x2x1
jax: 0.10.2.dev20260603
libtpu: 0.0.44.dev20260713+nightly
codegen_flags: <defaults>
</compile_context>

<pallas_src>
import functools

import jax
import jax.numpy as jnp
from jax import lax
from jax.experimental import pallas as pl
from jax.experimental.pallas import tpu as pltpu
from jax.experimental.pallas import tpu_sc as plsc

N = 10000
E = 320000
D_IN = 128
D_HID = 128
D_CLS = 40
D_CLS_PAD = 128

NC = 2
NS = 16
NW = NC * NS
L = 16

N_PAD = 10240
RPS = N_PAD // NS
C = 128
TRIPS = 80
CHUNKS = NW * TRIPS
E_PAD = CHUNKS * C
NB = 2


def _sc_mesh():
  return plsc.VectorSubcoreMesh(
      core_axis_name="c", subcore_axis_name="s", num_cores=NC, num_subcores=NS
  )


HR = N_PAD // 128


@functools.partial(
    pl.kernel,
    out_type=jax.ShapeDtypeStruct((NC, HR, 128), jnp.float32),
    mesh=_sc_mesh(),
    compiler_params=pltpu.CompilerParams(needs_layout_passes=False),
    scratch_types=[
        pltpu.VMEM((TRIPS, C), jnp.int32),
        pltpu.VMEM((HR, 128), jnp.float32),
        pltpu.VMEM((HR,), jnp.int32),
        pltpu.VMEM_SHARED((HR, 128), jnp.float32),
    ],
)
def _sc_degree(dst_hbm, out_hbm, didx_v, hist_v, iota_v, acc_sh):
  cid = lax.axis_index("c")
  sid = lax.axis_index("s")
  wid = sid * NC + cid

  pltpu.sync_copy(dst_hbm.at[pl.ds(wid * TRIPS, TRIPS)], didx_v)

  def zbody(r, carry):
    for j in range(8):
      hist_v[r, pl.ds(j * L, L)] = jnp.zeros((L,), jnp.float32)
    return carry
  lax.fori_loop(0, HR, zbody, 0)
  for j in range(HR // L):
    iota_v[pl.ds(j * L, L)] = lax.iota(jnp.int32, L) + j * L

  @pl.when(sid == 0)
  def _():
    pltpu.sync_copy(hist_v, acc_sh)

  ones = jnp.ones((L,), jnp.float32)

  def body(i, carry):
    for k in range(C // L):
      idx = didx_v[i, pl.ds(k * L, L)]
      plsc.addupdate_scatter(hist_v, [idx >> 7, idx & 127], ones)
    return carry

  lax.fori_loop(0, TRIPS, body, 0)
  plsc.subcore_barrier()

  pltpu.sync_copy(hist_v, acc_sh.at[iota_v], add=True)
  plsc.subcore_barrier()
  @pl.when(sid == 0)
  def _():
    pltpu.sync_copy(acc_sh, out_hbm.at[cid])


BLK = 40
NBLK = TRIPS // BLK


def _make_sc_aggregate(D):
  @functools.partial(
      pl.kernel,
      out_type=jax.ShapeDtypeStruct((NC, N_PAD, D), jnp.float32),
      mesh=_sc_mesh(),
      scratch_types=[
          pltpu.VMEM((BLK, C), jnp.int32),
          pltpu.VMEM((BLK, C), jnp.int32),
          pltpu.VMEM_SHARED((N_PAD, D), jnp.float32),
      ]
      + [pltpu.VMEM((C, D), jnp.float32) for _ in range(NB)]
      + [pltpu.SemaphoreType.DMA for _ in range(NB)],
  )
  def _sc_aggregate(table_hbm, src_hbm, dst_hbm, out_hbm, sidx_v, didx_v,
                    acc_sh, *bufs_and_sems):
    rows = bufs_and_sems[:NB]
    sems = bufs_and_sems[NB:]
    cid = lax.axis_index("c")
    sid = lax.axis_index("s")
    wid = sid * NC + cid

    def zbody(r, carry):
      for j in range(D // L):
        rows[0][r, pl.ds(j * L, L)] = jnp.zeros((L,), jnp.float32)
      return carry
    lax.fori_loop(0, C, zbody, 0)
    for j in range(RPS // C):
      pltpu.sync_copy(rows[0], acc_sh.at[pl.ds(sid * RPS + j * C, C)])
    plsc.subcore_barrier()

    def gather(k, b):
      pltpu.async_copy(table_hbm.at[sidx_v.at[k]], rows[b], sems[b])

    for blk in range(NBLK):
      base = wid * TRIPS + blk * BLK
      pltpu.sync_copy(src_hbm.at[pl.ds(base, BLK)], sidx_v)
      pltpu.sync_copy(dst_hbm.at[pl.ds(base, BLK)], didx_v)
      gather(0, 0)

      def body(o, carry):
        for b in range(NB):
          k = o * NB + b
          pltpu.make_async_copy(table_hbm.at[sidx_v.at[k]], rows[b],
                                sems[b]).wait()
          @pl.when(k < BLK - 1)
          def _():
            gather(k + 1, (b + 1) % NB)
          pltpu.sync_copy(rows[b], acc_sh.at[didx_v.at[k]], add=True)
        return carry

      lax.fori_loop(0, BLK // NB, body, 0)

    plsc.subcore_barrier()
    pltpu.sync_copy(
        acc_sh.at[pl.ds(sid * RPS, RPS)],
        out_hbm.at[cid, pl.ds(sid * RPS, RPS)],
    )

  return _sc_aggregate


_sc_aggregate_128 = _make_sc_aggregate(D_HID)


_R = 512
_GRID = N_PAD // _R


def _tc_layer0(feat, w0, degp):

  def body(x_ref, w_ref, d_ref, t_ref, n_ref):
    deg = d_ref[0] + d_ref[1]
    norm = lax.rsqrt(jnp.maximum(deg, 1.0))
    n_ref[...] = norm
    y = jnp.dot(x_ref[...], w_ref[...], preferred_element_type=jnp.float32)
    t_ref[...] = y * norm

  rows = 400
  return pl.pallas_call(
      body,
      grid=(N // rows,),
      in_specs=[
          pl.BlockSpec((rows, D_IN), lambda i: (i, 0)),
          pl.BlockSpec((D_IN, D_HID), lambda i: (0, 0)),
          pl.BlockSpec((NC, rows, 1), lambda i: (0, i, 0)),
      ],
      out_specs=[
          pl.BlockSpec((rows, D_HID), lambda i: (i, 0)),
          pl.BlockSpec((rows, 1), lambda i: (i, 0)),
      ],
      out_shape=[
          jax.ShapeDtypeStruct((N_PAD, D_HID), jnp.float32),
          jax.ShapeDtypeStruct((N_PAD, 1), jnp.float32),
      ],
  )(feat, w0, degp)


def _tc_mid(parts, norm, b, w, d_out):

  def body(p_ref, n_ref, b_ref, w_ref, o_ref):
    nrm = n_ref[...]
    h = (p_ref[0] + p_ref[1]) * nrm + b_ref[...]
    h = jnp.maximum(h, 0.0)
    o_ref[...] = (
        jnp.dot(h, w_ref[...], preferred_element_type=jnp.float32) * nrm
    )

  d_in = parts.shape[-1]
  return pl.pallas_call(
      body,
      grid=(_GRID,),
      in_specs=[
          pl.BlockSpec((NC, _R, d_in), lambda i: (0, i, 0)),
          pl.BlockSpec((_R, 1), lambda i: (i, 0)),
          pl.BlockSpec((1, d_in), lambda i: (0, 0)),
          pl.BlockSpec((d_in, d_out), lambda i: (0, 0)),
      ],
      out_specs=pl.BlockSpec((_R, d_out), lambda i: (i, 0)),
      out_shape=jax.ShapeDtypeStruct((N_PAD, d_out), jnp.float32),
  )(parts, norm, b, w)


def _tc_final(parts, norm, b):
  rows = 400

  def body(p_ref, n_ref, b_ref, o_ref):
    y = (p_ref[0] + p_ref[1]) * n_ref[...] + b_ref[...]
    o_ref[...] = y[:, :D_CLS]

  return pl.pallas_call(
      body,
      grid=(N // rows,),
      in_specs=[
          pl.BlockSpec((NC, rows, D_CLS_PAD), lambda i: (0, i, 0)),
          pl.BlockSpec((rows, 1), lambda i: (i, 0)),
          pl.BlockSpec((1, D_CLS_PAD), lambda i: (0, 0)),
      ],
      out_specs=pl.BlockSpec((rows, D_CLS), lambda i: (i, 0)),
      out_shape=jax.ShapeDtypeStruct((N, D_CLS), jnp.float32),
  )(parts, norm, b)


def kernel(features, edge_index, W0, b0, W1, b1, W2, b2):
  src = edge_index[0]
  dst = edge_index[1]

  npad = E_PAD - E
  pad_ar = jnp.arange(npad, dtype=jnp.int32)
  src2 = jnp.concatenate([src, pad_ar % N]).reshape(CHUNKS, C)
  dst2 = jnp.concatenate([dst, N + (pad_ar % (N_PAD - N))]).reshape(CHUNKS, C)
  src2 = src2.reshape(TRIPS, NW, C).transpose(1, 0, 2).reshape(CHUNKS, C)
  dst2 = dst2.reshape(TRIPS, NW, C).transpose(1, 0, 2).reshape(CHUNKS, C)

  feat = features
  w2p = jnp.pad(W2, ((0, 0), (0, D_CLS_PAD - D_CLS)))
  b2p = jnp.pad(b2, (0, D_CLS_PAD - D_CLS)).reshape(1, D_CLS_PAD)
  b0r = b0.reshape(1, D_HID)
  b1r = b1.reshape(1, D_HID)

  deg = _sc_degree(dst2).reshape(NC, N_PAD, 1)
  t0, norm = _tc_layer0(feat, W0, deg)

  a0 = _sc_aggregate_128(t0, src2, dst2)
  t1 = _tc_mid(a0, norm, b0r, W1, D_HID)

  a1 = _sc_aggregate_128(t1, src2, dst2)
  t2 = _tc_mid(a1, norm, b1r, w2p, D_CLS_PAD)

  a2 = _sc_aggregate_128(t2, src2, dst2)
  return _tc_final(a2, norm, b2p)

# --- scband reference (transcript-rebuilt; emitter-appended) ---
"""Pipeline reference for scband-gcn-10969346474529 (READ-ONLY COPY).

The authoritative reference and input builder live on the scoring server;
editing this copy changes nothing except your own understanding.
"""

import jax, jax.numpy as jnp
import numpy as np

N = 10000
E = 320000
D_IN = 128
D_HID = 128
D_CLS = 40

def setup_inputs(seed: int = 0):
    key = jax.random.key(seed)
    ks = jax.random.split(key, 8)
    features = jax.random.normal(ks[0], (N, D_IN), dtype=jnp.float32)
    edge_index = jax.random.randint(ks[1], (2, E), 0, N, dtype=jnp.int32)
    W0 = jax.random.normal(ks[2], (D_IN, D_HID), dtype=jnp.float32) * (1.0 / np.sqrt(D_IN))
    b0 = jnp.zeros((D_HID,), dtype=jnp.float32)
    W1 = jax.random.normal(ks[3], (D_HID, D_HID), dtype=jnp.float32) * (1.0 / np.sqrt(D_HID))
    b1 = jnp.zeros((D_HID,), dtype=jnp.float32)
    W2 = jax.random.normal(ks[4], (D_HID, D_CLS), dtype=jnp.float32) * (1.0 / np.sqrt(D_HID))
    b2 = jnp.zeros((D_CLS,), dtype=jnp.float32)
    return {"features": features, "edge_index": edge_index,
            "W0": W0, "b0": b0, "W1": W1, "b1": b1, "W2": W2, "b2": b2}

def _norm(edge_index):
    # symmetric-ish degree normalization as in DGL GCN tutorial: norm = deg^{-1/2}
    dst = edge_index[1]
    deg = jnp.zeros((N,), dtype=jnp.float32).at[dst].add(1.0)
    deg = jnp.maximum(deg, 1.0)
    return (1.0 / jnp.sqrt(deg))[:, None]

def _gcn_layer(h, edge_index, norm, W, b, act):
    # dropout is identity in eval mode
    h = h @ W
    h = h * norm  # pre-aggregation normalization (src side)
    src = edge_index[0]
    dst = edge_index[1]
    msgs = h[src]                                  # gather
    agg = jnp.zeros_like(h).at[dst].add(msgs)      # scatter-add (copy_src + sum)
    h = agg * norm  # post-aggregation normalization (dst side)
    h = h + b
    if act:
        h = jax.nn.relu(h)
    return h

def reference(features, edge_index, W0, b0, W1, b1, W2, b2):
    norm = _norm(edge_index)
    h = _gcn_layer(features, edge_index, norm, W0, b0, True)
    h = _gcn_layer(h, edge_index, norm, W1, b1, True)
    h = _gcn_layer(h, edge_index, norm, W2, b2, False)
    return h

if __name__ == "__main__":
    import jax
    _d = setup_inputs()
    print(jax.jit(kernel)(*tuple(_d.values())))

</pallas_src>

<mosaic_0001>
#map = affine_map<(d0, d1) -> (0, 0)>
#map1 = affine_map<(d0, d1) -> (0, 0, 0)>
module attributes {stable_mosaic.version = 14 : i64} {
  func.func @_sc_aggregate(%arg0: i32, %arg1: i32, %arg2: memref<10240x128xf32, #tpu.memory_space<hbm>>, %arg3: memref<2560x128xi32, #tpu.memory_space<hbm>>, %arg4: memref<2560x128xi32, #tpu.memory_space<hbm>>, %arg5: memref<2x10240x128xf32, #tpu.memory_space<hbm>>, %arg6: memref<40x128xi32, #tpu.memory_space<vmem>>, %arg7: memref<40x128xi32, #tpu.memory_space<vmem>>, %arg8: memref<10240x128xf32, #tpu.memory_space<vmem_shared>>, %arg9: memref<128x128xf32, #tpu.memory_space<vmem>>, %arg10: memref<128x128xf32, #tpu.memory_space<vmem>>, %arg11: memref<!tpu.dma_semaphore, #tpu.memory_space<semaphore_mem>>, %arg12: memref<!tpu.dma_semaphore, #tpu.memory_space<semaphore_mem>>) attributes {dimension_semantics = [#tpu.dimension_semantics<core_parallel>, #tpu.dimension_semantics<subcore_parallel>], iteration_bounds = array<i64: 2, 16>, scalar_prefetch = 0 : i64, scratch_operands = 7 : i64, tpu.core_type = #tpu.core_type<sc_vector_subcore>, window_params = [{transform_indices = #map}, {transform_indices = #map}, {transform_indices = #map}, {transform_indices = #map1}]} {
    %mul3A = arith.constant 2 : i32
    %mul3A_0 = arith.muli %arg1, %mul3A : i32
    %add3A = arith.addi %mul3A_0, %arg0 : i32
    %scan3A = arith.constant 0 : i32
    %scan3A_1 = arith.constant 0 : i32
    %scan3A_2 = arith.constant 128 : i32
    %scan3A_3 = arith.addi %scan3A_1, %scan3A_2 : i32
    %scan3A_4 = arith.constant 1 : i32
    scf.for %scan3A_64 = %scan3A_1 to %scan3A_3 step %scan3A_4  : i32 {
      %broadcast_in_dim3A = arith.constant 0.000000e+00 : f32
      %broadcast_in_dim3A_65 = vector.broadcast %broadcast_in_dim3A : f32 to vector<16xf32>
      %swap3A = arith.index_cast %scan3A_64 : i32 to index
      %swap3A_66 = arith.constant 0 : index
      %swap3A_67 = tpu.vector_load %arg9[%swap3A, %swap3A_66] {strides = array<i32>} : memref<128x128xf32, #tpu.memory_space<vmem>>, vector<1x16xf32>,
      %swap3A_68 = vector.shape_cast %swap3A_67 : vector<1x16xf32> to vector<16xf32>
      %swap3A_69 = vector.shape_cast %broadcast_in_dim3A_65 : vector<16xf32> to vector<1x16xf32>
      tpu.vector_store %arg9[%swap3A, %swap3A_66], %swap3A_69 {strides = array<i32>} : memref<128x128xf32, #tpu.memory_space<vmem>>, vector<1x16xf32>,
      %broadcast_in_dim3A_70 = arith.constant 0.000000e+00 : f32
      %broadcast_in_dim3A_71 = vector.broadcast %broadcast_in_dim3A_70 : f32 to vector<16xf32>
      %swap3A_72 = arith.index_cast %scan3A_64 : i32 to index
      %swap3A_73 = arith.constant 16 : index
      %swap3A_74 = tpu.vector_load %arg9[%swap3A_72, %swap3A_73] {strides = array<i32>} : memref<128x128xf32, #tpu.memory_space<vmem>>, vector<1x16xf32>,
      %swap3A_75 = vector.shape_cast %swap3A_74 : vector<1x16xf32> to vector<16xf32>
      %swap3A_76 = vector.shape_cast %broadcast_in_dim3A_71 : vector<16xf32> to vector<1x16xf32>
      tpu.vector_store %arg9[%swap3A_72, %swap3A_73], %swap3A_76 {strides = array<i32>} : memref<128x128xf32, #tpu.memory_space<vmem>>, vector<1x16xf32>,
      %broadcast_in_dim3A_77 = arith.constant 0.000000e+00 : f32
      %broadcast_in_dim3A_78 = vector.broadcast %broadcast_in_dim3A_77 : f32 to vector<16xf32>
      %swap3A_79 = arith.index_cast %scan3A_64 : i32 to index
      %swap3A_80 = arith.constant 32 : index
      %swap3A_81 = tpu.vector_load %arg9[%swap3A_79, %swap3A_80] {strides = array<i32>} : memref<128x128xf32, #tpu.memory_space<vmem>>, vector<1x16xf32>,
      %swap3A_82 = vector.shape_cast %swap3A_81 : vector<1x16xf32> to vector<16xf32>
      %swap3A_83 = vector.shape_cast %broadcast_in_dim3A_78 : vector<16xf32> to vector<1x16xf32>
      tpu.vector_store %arg9[%swap3A_79, %swap3A_80], %swap3A_83 {strides = array<i32>} : memref<128x128xf32, #tpu.memory_space<vmem>>, vector<1x16xf32>,
      %broadcast_in_dim3A_84 = arith.constant 0.000000e+00 : f32
      %broadcast_in_dim3A_85 = vector.broadcast %broadcast_in_dim3A_84 : f32 to vector<16xf32>
      %swap3A_86 = arith.index_cast %scan3A_64 : i32 to index
      %swap3A_87 = arith.constant 48 : index
      %swap3A_88 = tpu.vector_load %arg9[%swap3A_86, %swap3A_87] {strides = array<i32>} : memref<128x128xf32, #tpu.memory_space<vmem>>, vector<1x16xf32>,
      %swap3A_89 = vector.shape_cast %swap3A_88 : vector<1x16xf32> to vector<16xf32>
      %swap3A_90 = vector.shape_cast %broadcast_in_dim3A_85 : vector<16xf32> to vector<1x16xf32>
      tpu.vector_store %arg9[%swap3A_86, %swap3A_87], %swap3A_90 {strides = array<i32>} : memref<128x128xf32, #tpu.memory_space<vmem>>, vector<1x16xf32>,
      %broadcast_in_dim3A_91 = arith.constant 0.000000e+00 : f32
      %broadcast_in_dim3A_92 = vector.broadcast %broadcast_in_dim3A_91 : f32 to vector<16xf32>
      %swap3A_93 = arith.index_cast %scan3A_64 : i32 to index
      %swap3A_94 = arith.constant 64 : index
      %swap3A_95 = tpu.vector_load %arg9[%swap3A_93, %swap3A_94] {strides = array<i32>} : memref<128x128xf32, #tpu.memory_space<vmem>>, vector<1x16xf32>,
      %swap3A_96 = vector.shape_cast %swap3A_95 : vector<1x16xf32> to vector<16xf32>
      %swap3A_97 = vector.shape_cast %broadcast_in_dim3A_92 : vector<16xf32> to vector<1x16xf32>
      tpu.vector_store %arg9[%swap3A_93, %swap3A_94], %swap3A_97 {strides = array<i32>} : memref<128x128xf32, #tpu.memory_space<vmem>>, vector<1x16xf32>,
      %broadcast_in_dim3A_98 = arith.constant 0.000000e+00 : f32
      %broadcast_in_dim3A_99 = vector.broadcast %broadcast_in_dim3A_98 : f32 to vector<16xf32>
      %swap3A_100 = arith.index_cast %scan3A_64 : i32 to index
      %swap3A_101 = arith.constant 80 : index
      %swap3A_102 = tpu.vector_load %arg9[%swap3A_100, %swap3A_101] {strides = array<i32>} : memref<128x128xf32, #tpu.memory_space<vmem>>, vector<1x16xf32>,
      %swap3A_103 = vector.shape_cast %swap3A_102 : vector<1x16xf32> to vector<16xf32>
      %swap3A_104 = vector.shape_cast %broadcast_in_dim3A_99 : vector<16xf32> to vector<1x16xf32>
      tpu.vector_store %arg9[%swap3A_100, %swap3A_101], %swap3A_104 {strides = array<i32>} : memref<128x128xf32, #tpu.memory_space<vmem>>, vector<1x16xf32>,
      %broadcast_in_dim3A_105 = arith.constant 0.000000e+00 : f32
      %broadcast_in_dim3A_106 = vector.broadcast %broadcast_in_dim3A_105 : f32 to vector<16xf32>
      %swap3A_107 = arith.index_cast %scan3A_64 : i32 to index
      %swap3A_108 = arith.constant 96 : index
      %swap3A_109 = tpu.vector_load %arg9[%swap3A_107, %swap3A_108] {strides = array<i32>} : memref<128x128xf32, #tpu.memory_space<vmem>>, vector<1x16xf32>,
      %swap3A_110 = vector.shape_cast %swap3A_109 : vector<1x16xf32> to vector<16xf32>
      %swap3A_111 = vector.shape_cast %broadcast_in_dim3A_106 : vector<16xf32> to vector<1x16xf32>
      tpu.vector_store %arg9[%swap3A_107, %swap3A_108], %swap3A_111 {strides = array<i32>} : memref<128x128xf32, #tpu.memory_space<vmem>>, vector<1x16xf32>,
      %broadcast_in_dim3A_112 = arith.constant 0.000000e+00 : f32
      %broadcast_in_dim3A_113 = vector.broadcast %broadcast_in_dim3A_112 : f32 to vector<16xf32>
      %swap3A_114 = arith.index_cast %scan3A_64 : i32 to index
      %swap3A_115 = arith.constant 112 : index
      %swap3A_116 = tpu.vector_load %arg9[%swap3A_114, %swap3A_115] {strides = array<i32>} : memref<128x128xf32, #tpu.memory_space<vmem>>, vector<1x16xf32>,
      %swap3A_117 = vector.shape_cast %swap3A_116 : vector<1x16xf32> to vector<16xf32>
      %swap3A_118 = vector.shape_cast %broadcast_in_dim3A_113 : vector<16xf32> to vector<1x16xf32>
      tpu.vector_store %arg9[%swap3A_114, %swap3A_115], %swap3A_118 {strides = array<i32>} : memref<128x128xf32, #tpu.memory_space<vmem>>, vector<1x16xf32>,
    }
    %scan3A_5 = arith.constant 128 : i32
    %mul3A_6 = arith.constant 640 : i32
    %mul3A_7 = arith.muli %arg1, %mul3A_6 : i32
    %add3A_8 = arith.constant 0 : i32
    %add3A_9 = arith.addi %mul3A_7, %add3A_8 : i32
    "tpu.region"() ({
      %run_scoped3A = tpu.sem_alloc : memref<!tpu.dma_semaphore, #tpu.memory_space<semaphore_mem>>
      %dma_start3A_64 = arith.constant 0 : i32
      %dma_start3A_65 = tpu.memref_slice %arg8[%add3A_9, %dma_start3A_64] : memref<10240x128xf32, #tpu.memory_space<vmem_shared>> -> memref<128x128xf32, #tpu.memory_space<vmem_shared>>
      %dma_start3A_66 = arith.constant 0 : i32
      %dma_start3A_67 = tpu.memref_slice %arg8[%add3A_9, %dma_start3A_66] : memref<10240x128xf32, #tpu.memory_space<vmem_shared>> -> memref<128x128xf32, #tpu.memory_space<vmem_shared>>
      tpu.enqueue_dma source(%arg9 : memref<128x128xf32, #tpu.memory_space<vmem>>) target(%dma_start3A_67 : memref<128x128xf32, #tpu.memory_space<vmem_shared>>) target_semaphore(%run_scoped3A : memref<!tpu.dma_semaphore, #tpu.memory_space<semaphore_mem>>)
      %dma_wait3A = arith.constant 0 : i32
      %dma_wait3A_68 = tpu.memref_slice %arg8[%add3A_9, %dma_wait3A] : memref<10240x128xf32, #tpu.memory_space<vmem_shared>> -> memref<128x128xf32, #tpu.memory_space<vmem_shared>>
      %dma_wait3A_69 = arith.constant 0 : i32
      %dma_wait3A_70 = tpu.memref_slice %arg8[%add3A_9, %dma_wait3A_69] : memref<10240x128xf32, #tpu.memory_space<vmem_shared>> -> memref<128x128xf32, #tpu.memory_space<vmem_shared>>
      tpu.wait_dma2 semaphore(%run_scoped3A : memref<!tpu.dma_semaphore, #tpu.memory_space<semaphore_mem>>) src(%arg9 : memref<128x128xf32, #tpu.memory_space<vmem>>) dst(%dma_wait3A_70 : memref<128x128xf32, #tpu.memory_space<vmem_shared>>)
      tpu.yield
    }) : () -> ()
    %mul3A_10 = arith.constant 640 : i32
    %mul3A_11 = arith.muli %arg1, %mul3A_10 : i32
    %add3A_12 = arith.constant 128 : i32
    %add3A_13 = arith.addi %mul3A_11, %add3A_12 : i32
    "tpu.region"() ({
      %run_scoped3A = tpu.sem_alloc : memref<!tpu.dma_semaphore, #tpu.memory_space<semaphore_mem>>
      %dma_start3A_64 = arith.constant 0 : i32
      %dma_start3A_65 = tpu.memref_slice %arg8[%add3A_13, %dma_start3A_64] : memref<10240x128xf32, #tpu.memory_space<vmem_shared>> -> memref<128x128xf32, #tpu.memory_space<vmem_shared>>
      %dma_start3A_66 = arith.constant 0 : i32
      %dma_start3A_67 = tpu.memref_slice %arg8[%add3A_13, %dma_start3A_66] : memref<10240x128xf32, #tpu.memory_space<vmem_shared>> -> memref<128x128xf32, #tpu.memory_space<vmem_shared>>
      tpu.enqueue_dma source(%arg9 : memref<128x128xf32, #tpu.memory_space<vmem>>) target(%dma_start3A_67 : memref<128x128xf32, #tpu.memory_space<vmem_shared>>) target_semaphore(%run_scoped3A : memref<!tpu.dma_semaphore, #tpu.memory_space<semaphore_mem>>)
      %dma_wait3A = arith.constant 0 : i32
      %dma_wait3A_68 = tpu.memref_slice %arg8[%add3A_13, %dma_wait3A] : memref<10240x128xf32, #tpu.memory_space<vmem_shared>> -> memref<128x128xf32, #tpu.memory_space<vmem_shared>>
      %dma_wait3A_69 = arith.constant 0 : i32
      %dma_wait3A_70 = tpu.memref_slice %arg8[%add3A_13, %dma_wait3A_69] : memref<10240x128xf32, #tpu.memory_space<vmem_shared>> -> memref<128x128xf32, #tpu.memory_space<vmem_shared>>
      tpu.wait_dma2 semaphore(%run_scoped3A : memref<!tpu.dma_semaphore, #tpu.memory_space<semaphore_mem>>) src(%arg9 : memref<128x128xf32, #tpu.memory_space<vmem>>) dst(%dma_wait3A_70 : memref<128x128xf32, #tpu.memory_space<vmem_shared>>)
      tpu.yield
    }) : () -> ()
    %mul3A_14 = arith.constant 640 : i32
    %mul3A_15 = arith.muli %arg1, %mul3A_14 : i32
    %add3A_16 = arith.constant 256 : i32
    %add3A_17 = arith.addi %mul3A_15, %add3A_16 : i32
    "tpu.region"() ({
      %run_scoped3A = tpu.sem_alloc : memref<!tpu.dma_semaphore, #tpu.memory_space<semaphore_mem>>
      %dma_start3A_64 = arith.constant 0 : i32
      %dma_start3A_65 = tpu.memref_slice %arg8[%add3A_17, %dma_start3A_64] : memref<10240x128xf32, #tpu.memory_space<vmem_shared>> -> memref<128x128xf32, #tpu.memory_space<vmem_shared>>
      %dma_start3A_66 = arith.constant 0 : i32
      %dma_start3A_67 = tpu.memref_slice %arg8[%add3A_17, %dma_start3A_66] : memref<10240x128xf32, #tpu.memory_space<vmem_shared>> -> memref<128x128xf32, #tpu.memory_space<vmem_shared>>
      tpu.enqueue_dma source(%arg9 : memref<128x128xf32, #tpu.memory_space<vmem>>) target(%dma_start3A_67 : memref<128x128xf32, #tpu.memory_space<vmem_shared>>) target_semaphore(%run_scoped3A : memref<!tpu.dma_semaphore, #tpu.memory_space<semaphore_mem>>)
      %dma_wait3A = arith.constant 0 : i32
      %dma_wait3A_68 = tpu.memref_slice %arg8[%add3A_17, %dma_wait3A] : memref<10240x128xf32, #tpu.memory_space<vmem_shared>> -> memref<128x128xf32, #tpu.memory_space<vmem_shared>>
      %dma_wait3A_69 = arith.constant 0 : i32
      %dma_wait3A_70 = tpu.memref_slice %arg8[%add3A_17, %dma_wait3A_69] : memref<10240x128xf32, #tpu.memory_space<vmem_shared>> -> memref<128x128xf32, #tpu.memory_space<vmem_shared>>
      tpu.wait_dma2 semaphore(%run_scoped3A : memref<!tpu.dma_semaphore, #tpu.memory_space<semaphore_mem>>) src(%arg9 : memref<128x128xf32, #tpu.memory_space<vmem>>) dst(%dma_wait3A_70 : memref<128x128xf32, #tpu.memory_space<vmem_shared>>)
      tpu.yield
    }) : () -> ()
    %mul3A_18 = arith.constant 640 : i32
    %mul3A_19 = arith.muli %arg1, %mul3A_18 : i32
    %add3A_20 = arith.constant 384 : i32
    %add3A_21 = arith.addi %mul3A_19, %add3A_20 : i32
    "tpu.region"() ({
      %run_scoped3A = tpu.sem_alloc : memref<!tpu.dma_semaphore, #tpu.memory_space<semaphore_mem>>
      %dma_start3A_64 = arith.constant 0 : i32
      %dma_start3A_65 = tpu.memref_slice %arg8[%add3A_21, %dma_start3A_64] : memref<10240x128xf32, #tpu.memory_space<vmem_shared>> -> memref<128x128xf32, #tpu.memory_space<vmem_shared>>
      %dma_start3A_66 = arith.constant 0 : i32
      %dma_start3A_67 = tpu.memref_slice %arg8[%add3A_21, %dma_start3A_66] : memref<10240x128xf32, #tpu.memory_space<vmem_shared>> -> memref<128x128xf32, #tpu.memory_space<vmem_shared>>
      tpu.enqueue_dma source(%arg9 : memref<128x128xf32, #tpu.memory_space<vmem>>) target(%dma_start3A_67 : memref<128x128xf32, #tpu.memory_space<vmem_shared>>) target_semaphore(%run_scoped3A : memref<!tpu.dma_semaphore, #tpu.memory_space<semaphore_mem>>)
      %dma_wait3A = arith.constant 0 : i32
      %dma_wait3A_68 = tpu.memref_slice %arg8[%add3A_21, %dma_wait3A] : memref<10240x128xf32, #tpu.memory_space<vmem_shared>> -> memref<128x128xf32, #tpu.memory_space<vmem_shared>>
      %dma_wait3A_69 = arith.constant 0 : i32
      %dma_wait3A_70 = tpu.memref_slice %arg8[%add3A_21, %dma_wait3A_69] : memref<10240x128xf32, #tpu.memory_space<vmem_shared>> -> memref<128x128xf32, #tpu.memory_space<vmem_shared>>
      tpu.wait_dma2 semaphore(%run_scoped3A : memref<!tpu.dma_semaphore, #tpu.memory_space<semaphore_mem>>) src(%arg9 : memref<128x128xf32, #tpu.memory_space<vmem>>) dst(%dma_wait3A_70 : memref<128x128xf32, #tpu.memory_space<vmem_shared>>)
      tpu.yield
    }) : () -> ()
    %mul3A_22 = arith.constant 640 : i32
    %mul3A_23 = arith.muli %arg1, %mul3A_22 : i32
    %add3A_24 = arith.constant 512 : i32
    %add3A_25 = arith.addi %mul3A_23, %add3A_24 : i32
    "tpu.region"() ({
      %run_scoped3A = tpu.sem_alloc : memref<!tpu.dma_semaphore, #tpu.memory_space<semaphore_mem>>
      %dma_start3A_64 = arith.constant 0 : i32
      %dma_start3A_65 = tpu.memref_slice %arg8[%add3A_25, %dma_start3A_64] : memref<10240x128xf32, #tpu.memory_space<vmem_shared>> -> memref<128x128xf32, #tpu.memory_space<vmem_shared>>
      %dma_start3A_66 = arith.constant 0 : i32
      %dma_start3A_67 = tpu.memref_slice %arg8[%add3A_25, %dma_start3A_66] : memref<10240x128xf32, #tpu.memory_space<vmem_shared>> -> memref<128x128xf32, #tpu.memory_space<vmem_shared>>
      tpu.enqueue_dma source(%arg9 : memref<128x128xf32, #tpu.memory_space<vmem>>) target(%dma_start3A_67 : memref<128x128xf32, #tpu.memory_space<vmem_shared>>) target_semaphore(%run_scoped3A : memref<!tpu.dma_semaphore, #tpu.memory_space<semaphore_mem>>)
      %dma_wait3A = arith.constant 0 : i32
      %dma_wait3A_68 = tpu.memref_slice %arg8[%add3A_25, %dma_wait3A] : memref<10240x128xf32, #tpu.memory_space<vmem_shared>> -> memref<128x128xf32, #tpu.memory_space<vmem_shared>>
      %dma_wait3A_69 = arith.constant 0 : i32
      %dma_wait3A_70 = tpu.memref_slice %arg8[%add3A_25, %dma_wait3A_69] : memref<10240x128xf32, #tpu.memory_space<vmem_shared>> -> memref<128x128xf32, #tpu.memory_space<vmem_shared>>
      tpu.wait_dma2 semaphore(%run_scoped3A : memref<!tpu.dma_semaphore, #tpu.memory_space<semaphore_mem>>) src(%arg9 : memref<128x128xf32, #tpu.memory_space<vmem>>) dst(%dma_wait3A_70 : memref<128x128xf32, #tpu.memory_space<vmem_shared>>)
      tpu.yield
    }) : () -> ()
    %barrier3A = arith.constant 0 : index
    tpu.barrier barrier_id(%barrier3A)
    %mul3A_26 = arith.constant 80 : i32
    %mul3A_27 = arith.muli %add3A, %mul3A_26 : i32
    %add3A_28 = arith.constant 0 : i32
    %add3A_29 = arith.addi %mul3A_27, %add3A_28 : i32
    "tpu.region"() ({
      %run_scoped3A = tpu.sem_alloc : memref<!tpu.dma_semaphore, #tpu.memory_space<semaphore_mem>>
      %dma_start3A_64 = arith.constant 0 : i32
      %dma_start3A_65 = tpu.memref_slice %arg3[%add3A_29, %dma_start3A_64] : memref<2560x128xi32, #tpu.memory_space<hbm>> -> memref<40x128xi32, #tpu.memory_space<hbm>>
      %dma_start3A_66 = arith.constant 0 : i32
      %dma_start3A_67 = tpu.memref_slice %arg3[%add3A_29, %dma_start3A_66] : memref<2560x128xi32, #tpu.memory_space<hbm>> -> memref<40x128xi32, #tpu.memory_space<hbm>>
      tpu.enqueue_dma source(%dma_start3A_67 : memref<40x128xi32, #tpu.memory_space<hbm>>) target(%arg6 : memref<40x128xi32, #tpu.memory_space<vmem>>) target_semaphore(%run_scoped3A : memref<!tpu.dma_semaphore, #tpu.memory_space<semaphore_mem>>)
      %dma_wait3A = arith.constant 0 : i32
      %dma_wait3A_68 = tpu.memref_slice %arg3[%add3A_29, %dma_wait3A] : memref<2560x128xi32, #tpu.memory_space<hbm>> -> memref<40x128xi32, #tpu.memory_space<hbm>>
      %dma_wait3A_69 = arith.constant 0 : i32
      %dma_wait3A_70 = tpu.memref_slice %arg3[%add3A_29, %dma_wait3A_69] : memref<2560x128xi32, #tpu.memory_space<hbm>> -> memref<40x128xi32, #tpu.memory_space<hbm>>
      tpu.wait_dma2 semaphore(%run_scoped3A : memref<!tpu.dma_semaphore, #tpu.memory_space<semaphore_mem>>) src(%dma_wait3A_70 : memref<40x128xi32, #tpu.memory_space<hbm>>) dst(%arg6 : memref<40x128xi32, #tpu.memory_space<vmem>>)
      tpu.yield
    }) : () -> ()
    "tpu.region"() ({
      %run_scoped3A = tpu.sem_alloc : memref<!tpu.dma_semaphore, #tpu.memory_space<semaphore_mem>>
      %dma_start3A_64 = arith.constant 0 : i32
      %dma_start3A_65 = tpu.memref_slice %arg4[%add3A_29, %dma_start3A_64] : memref<2560x128xi32, #tpu.memory_space<hbm>> -> memref<40x128xi32, #tpu.memory_space<hbm>>
      %dma_start3A_66 = arith.constant 0 : i32
      %dma_start3A_67 = tpu.memref_slice %arg4[%add3A_29, %dma_start3A_66] : memref<2560x128xi32, #tpu.memory_space<hbm>> -> memref<40x128xi32, #tpu.memory_space<hbm>>
      tpu.enqueue_dma source(%dma_start3A_67 : memref<40x128xi32, #tpu.memory_space<hbm>>) target(%arg7 : memref<40x128xi32, #tpu.memory_space<vmem>>) target_semaphore(%run_scoped3A : memref<!tpu.dma_semaphore, #tpu.memory_space<semaphore_mem>>)
      %dma_wait3A = arith.constant 0 : i32
      %dma_wait3A_68 = tpu.memref_slice %arg4[%add3A_29, %dma_wait3A] : memref<2560x128xi32, #tpu.memory_space<hbm>> -> memref<40x128xi32, #tpu.memory_space<hbm>>
      %dma_wait3A_69 = arith.constant 0 : i32
      %dma_wait3A_70 = tpu.memref_slice %arg4[%add3A_29, %dma_wait3A_69] : memref<2560x128xi32, #tpu.memory_space<hbm>> -> memref<40x128xi32, #tpu.memory_space<hbm>>
      tpu.wait_dma2 semaphore(%run_scoped3A : memref<!tpu.dma_semaphore, #tpu.memory_space<semaphore_mem>>) src(%dma_wait3A_70 : memref<40x128xi32, #tpu.memory_space<hbm>>) dst(%arg7 : memref<40x128xi32, #tpu.memory_space<vmem>>)
      tpu.yield
    }) : () -> ()
    %dma_start3A = arith.constant 0 : i32
    %dma_start3A_30 = arith.constant 0 : i32
    %dma_start3A_31 = tpu.memref_slice %arg6[%dma_start3A, %dma_start3A_30] : memref<40x128xi32, #tpu.memory_space<vmem>> -> memref<1x128xi32, #tpu.memory_space<vmem>>
    %dma_start3A_32 = tpu.memref_squeeze %dma_start3A_31 : memref<1x128xi32, #tpu.memory_space<vmem>> -> memref<128xi32, #tpu.memory_space<vmem>>
    %dma_start3A_33 = arith.constant 0 : i32
    %dma_start3A_34 = arith.constant 0 : i32
    %dma_start3A_35 = tpu.memref_slice %arg2[%dma_start3A_33, %dma_start3A_34] : memref<10240x128xf32, #tpu.memory_space<hbm>> -> memref<10240x128xf32, #tpu.memory_space<hbm>>
    tpu.enqueue_indirect_dma source(%dma_start3A_35 : memref<10240x128xf32, #tpu.memory_space<hbm>>) target(%arg9 : memref<128x128xf32, #tpu.memory_space<vmem>>) offsets(%dma_start3A_32 : memref<128xi32, #tpu.memory_space<vmem>>) semaphore(%arg11 : memref<!tpu.dma_semaphore, #tpu.memory_space<semaphore_mem>>)
    %scan3A_36 = arith.constant 0 : i32
    %scan3A_37 = arith.constant 0 : i32
    %scan3A_38 = arith.constant 20 : i32
    %scan3A_39 = arith.addi %scan3A_37, %scan3A_38 : i32
    %scan3A_40 = arith.constant 1 : i32
    scf.for %scan3A_64 = %scan3A_37 to %scan3A_39 step %scan3A_40  : i32 {
      %mul3A_65 = arith.constant 2 : i32
      %mul3A_66 = arith.muli %scan3A_64, %mul3A_65 : i32
      %add3A_67 = arith.constant 0 : i32
      %add3A_68 = arith.addi %mul3A_66, %add3A_67 : i32
      %dma_wait3A = arith.constant 0 : i32
      %dma_wait3A_69 = tpu.memref_slice %arg6[%add3A_68, %dma_wait3A] : memref<40x128xi32, #tpu.memory_space<vmem>> -> memref<1x128xi32, #tpu.memory_space<vmem>>
      %dma_wait3A_70 = tpu.memref_squeeze %dma_wait3A_69 : memref<1x128xi32, #tpu.memory_space<vmem>> -> memref<128xi32, #tpu.memory_space<vmem>>
      %dma_wait3A_71 = arith.constant 0 : i32
      %dma_wait3A_72 = arith.constant 0 : i32
      %dma_wait3A_73 = tpu.memref_slice %arg2[%dma_wait3A_71, %dma_wait3A_72] : memref<10240x128xf32, #tpu.memory_space<hbm>> -> memref<10240x128xf32, #tpu.memory_space<hbm>>
      tpu.wait_indirect_dma semaphore(%arg11 : memref<!tpu.dma_semaphore, #tpu.memory_space<semaphore_mem>>) src(%dma_wait3A_73 : memref<10240x128xf32, #tpu.memory_space<hbm>>) dst(%arg9 : memref<128x128xf32, #tpu.memory_space<vmem>>)
      %lt3A = arith.constant 39 : i32
      %lt3A_74 = arith.cmpi slt, %add3A_68, %lt3A : i32
      %convert_element_type3A = arith.extui %lt3A_74 : i1 to i32
      %cond3A = arith.constant 0 : i32
      %cond3A_75 = arith.cmpi ne, %convert_element_type3A, %cond3A : i32
      scf.if %cond3A_75 {
        %add3A_91 = arith.constant 1 : i32
        %add3A_92 = arith.addi %add3A_68, %add3A_91 : i32
        %dma_start3A_93 = arith.constant 0 : i32
        %dma_start3A_94 = tpu.memref_slice %arg6[%add3A_92, %dma_start3A_93] : memref<40x128xi32, #tpu.memory_space<vmem>> -> memref<1x128xi32, #tpu.memory_space<vmem>>
        %dma_start3A_95 = tpu.memref_squeeze %dma_start3A_94 : memref<1x128xi32, #tpu.memory_space<vmem>> -> memref<128xi32, #tpu.memory_space<vmem>>
        %dma_start3A_96 = arith.constant 0 : i32
        %dma_start3A_97 = arith.constant 0 : i32
        %dma_start3A_98 = tpu.memref_slice %arg2[%dma_start3A_96, %dma_start3A_97] : memref<10240x128xf32, #tpu.memory_space<hbm>> -> memref<10240x128xf32, #tpu.memory_space<hbm>>
        tpu.enqueue_indirect_dma source(%dma_start3A_98 : memref<10240x128xf32, #tpu.memory_space<hbm>>) target(%arg10 : memref<128x128xf32, #tpu.memory_space<vmem>>) offsets(%dma_start3A_95 : memref<128xi32, #tpu.memory_space<vmem>>) semaphore(%arg12 : memref<!tpu.dma_semaphore, #tpu.memory_space<semaphore_mem>>)
      } else {
      }
      "tpu.region"() ({
        %run_scoped3A = tpu.sem_alloc : memref<!tpu.dma_semaphore, #tpu.memory_space<semaphore_mem>>
        %dma_start3A_91 = arith.constant 0 : i32
        %dma_start3A_92 = tpu.memref_slice %arg7[%add3A_68, %dma_start3A_91] : memref<40x128xi32, #tpu.memory_space<vmem>> -> memref<1x128xi32, #tpu.memory_space<vmem>>
        %dma_start3A_93 = tpu.memref_squeeze %dma_start3A_92 : memref<1x128xi32, #tpu.memory_space<vmem>> -> memref<128xi32, #tpu.memory_space<vmem>>
        %dma_start3A_94 = arith.constant 0 : i32
        %dma_start3A_95 = arith.constant 0 : i32
        %dma_start3A_96 = tpu.memref_slice %arg8[%dma_start3A_94, %dma_start3A_95] : memref<10240x128xf32, #tpu.memory_space<vmem_shared>> -> memref<10240x128xf32, #tpu.memory_space<vmem_shared>>
        tpu.enqueue_indirect_dma source(%arg9 : memref<128x128xf32, #tpu.memory_space<vmem>>) target(%dma_start3A_96 : memref<10240x128xf32, #tpu.memory_space<vmem_shared>>) offsets(%dma_start3A_93 : memref<128xi32, #tpu.memory_space<vmem>>) semaphore(%run_scoped3A : memref<!tpu.dma_semaphore, #tpu.memory_space<semaphore_mem>>) {add = true}
        %dma_wait3A_97 = arith.constant 0 : i32
        %dma_wait3A_98 = tpu.memref_slice %arg7[%add3A_68, %dma_wait3A_97] : memref<40x128xi32, #tpu.memory_space<vmem>> -> memref<1x128xi32, #tpu.memory_space<vmem>>
        %dma_wait3A_99 = tpu.memref_squeeze %dma_wait3A_98 : memref<1x128xi32, #tpu.memory_space<vmem>> -> memref<128xi32, #tpu.memory_space<vmem>>
        %dma_wait3A_100 = arith.constant 0 : i32
        %dma_wait3A_101 = arith.constant 0 : i32
        %dma_wait3A_102 = tpu.memref_slice %arg8[%dma_wait3A_100, %dma_wait3A_101] : memref<10240x128xf32, #tpu.memory_space<vmem_shared>> -> memref<10240x128xf32, #tpu.memory_space<vmem_shared>>
        tpu.wait_indirect_dma semaphore(%run_scoped3A : memref<!tpu.dma_semaphore, #tpu.memory_space<semaphore_mem>>) src(%arg9 : memref<128x128xf32, #tpu.memory_space<vmem>>) dst(%dma_wait3A_102 : memref<10240x128xf32, #tpu.memory_space<vmem_shared>>)
        tpu.yield
      }) : () -> ()
      %mul3A_76 = arith.constant 2 : i32
      %mul3A_77 = arith.muli %scan3A_64, %mul3A_76 : i32
      %add3A_78 = arith.constant 1 : i32
      %add3A_79 = arith.addi %mul3A_77, %add3A_78 : i32
      %dma_wait3A_80 = arith.constant 0 : i32
      %dma_wait3A_81 = tpu.memref_slice %arg6[%add3A_79, %dma_wait3A_80] : memref<40x128xi32, #tpu.memory_space<vmem>> -> memref<1x128xi32, #tpu.memory_space<vmem>>
      %dma_wait3A_82 = tpu.memref_squeeze %dma_wait3A_81 : memref<1x128xi32, #tpu.memory_space<vmem>> -> memref<128xi32, #tpu.memory_space<vmem>>
      %dma_wait3A_83 = arith.constant 0 : i32
      %dma_wait3A_84 = arith.constant 0 : i32
      %dma_wait3A_85 = tpu.memref_slice %arg2[%dma_wait3A_83, %dma_wait3A_84] : memref<10240x128xf32, #tpu.memory_space<hbm>> -> memref<10240x128xf32, #tpu.memory_space<hbm>>
      tpu.wait_indirect_dma semaphore(%arg12 : memref<!tpu.dma_semaphore, #tpu.memory_space<semaphore_mem>>) src(%dma_wait3A_85 : memref<10240x128xf32, #tpu.memory_space<hbm>>) dst(%arg10 : memref<128x128xf32, #tpu.memory_space<vmem>>)
      %lt3A_86 = arith.constant 39 : i32
      %lt3A_87 = arith.cmpi slt, %add3A_79, %lt3A_86 : i32
      %convert_element_type3A_88 = arith.extui %lt3A_87 : i1 to i32
      %cond3A_89 = arith.constant 0 : i32
      %cond3A_90 = arith.cmpi ne, %convert_element_type3A_88, %cond3A_89 : i32
      scf.if %cond3A_90 {
        %add3A_91 = arith.constant 1 : i32
        %add3A_92 = arith.addi %add3A_79, %add3A_91 : i32
        %dma_start3A_93 = arith.constant 0 : i32
        %dma_start3A_94 = tpu.memref_slice %arg6[%add3A_92, %dma_start3A_93] : memref<40x128xi32, #tpu.memory_space<vmem>> -> memref<1x128xi32, #tpu.memory_space<vmem>>
        %dma_start3A_95 = tpu.memref_squeeze %dma_start3A_94 : memref<1x128xi32, #tpu.memory_space<vmem>> -> memref<128xi32, #tpu.memory_space<vmem>>
        %dma_start3A_96 = arith.constant 0 : i32
        %dma_start3A_97 = arith.constant 0 : i32
        %dma_start3A_98 = tpu.memref_slice %arg2[%dma_start3A_96, %dma_start3A_97] : memref<10240x128xf32, #tpu.memory_space<hbm>> -> memref<10240x128xf32, #tpu.memory_space<hbm>>
        tpu.enqueue_indirect_dma source(%dma_start3A_98 : memref<10240x128xf32, #tpu.memory_space<hbm>>) target(%arg9 : memref<128x128xf32, #tpu.memory_space<vmem>>) offsets(%dma_start3A_95 : memref<128xi32, #tpu.memory_space<vmem>>) semaphore(%arg11 : memref<!tpu.dma_semaphore, #tpu.memory_space<semaphore_mem>>)
      } else {
      }
      "tpu.region"() ({
        %run_scoped3A = tpu.sem_alloc : memref<!tpu.dma_semaphore, #tpu.memory_space<semaphore_mem>>
        %dma_start3A_91 = arith.constant 0 : i32
        %dma_start3A_92 = tpu.memref_slice %arg7[%add3A_79, %dma_start3A_91] : memref<40x128xi32, #tpu.memory_space<vmem>> -> memref<1x128xi32, #tpu.memory_space<vmem>>
        %dma_start3A_93 = tpu.memref_squeeze %dma_start3A_92 : memref<1x128xi32, #tpu.memory_space<vmem>> -> memref<128xi32, #tpu.memory_space<vmem>>
        %dma_start3A_94 = arith.constant 0 : i32
        %dma_start3A_95 = arith.constant 0 : i32
        %dma_start3A_96 = tpu.memref_slice %arg8[%dma_start3A_94, %dma_start3A_95] : memref<10240x128xf32, #tpu.memory_space<vmem_shared>> -> memref<10240x128xf32, #tpu.memory_space<vmem_shared>>
        tpu.enqueue_indirect_dma source(%arg10 : memref<128x128xf32, #tpu.memory_space<vmem>>) target(%dma_start3A_96 : memref<10240x128xf32, #tpu.memory_space<vmem_shared>>) offsets(%dma_start3A_93 : memref<128xi32, #tpu.memory_space<vmem>>) semaphore(%run_scoped3A : memref<!tpu.dma_semaphore, #tpu.memory_space<semaphore_mem>>) {add = true}
        %dma_wait3A_97 = arith.constant 0 : i32
        %dma_wait3A_98 = tpu.memref_slice %arg7[%add3A_79, %dma_wait3A_97] : memref<40x128xi32, #tpu.memory_space<vmem>> -> memref<1x128xi32, #tpu.memory_space<vmem>>
        %dma_wait3A_99 = tpu.memref_squeeze %dma_wait3A_98 : memref<1x128xi32, #tpu.memory_space<vmem>> -> memref<128xi32, #tpu.memory_space<vmem>>
        %dma_wait3A_100 = arith.constant 0 : i32
        %dma_wait3A_101 = arith.constant 0 : i32
        %dma_wait3A_102 = tpu.memref_slice %arg8[%dma_wait3A_100, %dma_wait3A_101] : memref<10240x128xf32, #tpu.memory_space<vmem_shared>> -> memref<10240x128xf32, #tpu.memory_space<vmem_shared>>
        tpu.wait_indirect_dma semaphore(%run_scoped3A : memref<!tpu.dma_semaphore, #tpu.memory_space<semaphore_mem>>) src(%arg10 : memref<128x128xf32, #tpu.memory_space<vmem>>) dst(%dma_wait3A_102 : memref<10240x128xf32, #tpu.memory_space<vmem_shared>>)
        tpu.yield
      }) : () -> ()
    }
    %scan3A_41 = arith.constant 20 : i32
    %mul3A_42 = arith.constant 80 : i32
    %mul3A_43 = arith.muli %add3A, %mul3A_42 : i32
    %add3A_44 = arith.constant 40 : i32
    %add3A_45 = arith.addi %mul3A_43, %add3A_44 : i32
    "tpu.region"() ({
      %run_scoped3A = tpu.sem_alloc : memref<!tpu.dma_semaphore, #tpu.memory_space<semaphore_mem>>
      %dma_start3A_64 = arith.constant 0 : i32
      %dma_start3A_65 = tpu.memref_slice %arg3[%add3A_45, %dma_start3A_64] : memref<2560x128xi32, #tpu.memory_space<hbm>> -> memref<40x128xi32, #tpu.memory_space<hbm>>
      %dma_start3A_66 = arith.constant 0 : i32
      %dma_start3A_67 = tpu.memref_slice %arg3[%add3A_45, %dma_start3A_66] : memref<2560x128xi32, #tpu.memory_space<hbm>> -> memref<40x128xi32, #tpu.memory_space<hbm>>
      tpu.enqueue_dma source(%dma_start3A_67 : memref<40x128xi32, #tpu.memory_space<hbm>>) target(%arg6 : memref<40x128xi32, #tpu.memory_space<vmem>>) target_semaphore(%run_scoped3A : memref<!tpu.dma_semaphore, #tpu.memory_space<semaphore_mem>>)
      %dma_wait3A = arith.constant 0 : i32
      %dma_wait3A_68 = tpu.memref_slice %arg3[%add3A_45, %dma_wait3A] : memref<2560x128xi32, #tpu.memory_space<hbm>> -> memref<40x128xi32, #tpu.memory_space<hbm>>
      %dma_wait3A_69 = arith.constant 0 : i32
      %dma_wait3A_70 = tpu.memref_slice %arg3[%add3A_45, %dma_wait3A_69] : memref<2560x128xi32, #tpu.memory_space<hbm>> -> memref<40x128xi32, #tpu.memory_space<hbm>>
      tpu.wait_dma2 semaphore(%run_scoped3A : memref<!tpu.dma_semaphore, #tpu.memory_space<semaphore_mem>>) src(%dma_wait3A_70 : memref<40x128xi32, #tpu.memory_space<hbm>>) dst(%arg6 : memref<40x128xi32, #tpu.memory_space<vmem>>)
      tpu.yield
    }) : () -> ()
    "tpu.region"() ({
      %run_scoped3A = tpu.sem_alloc : memref<!tpu.dma_semaphore, #tpu.memory_space<semaphore_mem>>
      %dma_start3A_64 = arith.constant 0 : i32
      %dma_start3A_65 = tpu.memref_slice %arg4[%add3A_45, %dma_start3A_64] : memref<2560x128xi32, #tpu.memory_space<hbm>> -> memref<40x128xi32, #tpu.memory_space<hbm>>
      %dma_start3A_66 = arith.constant 0 : i32
      %dma_start3A_67 = tpu.memref_slice %arg4[%add3A_45, %dma_start3A_66] : memref<2560x128xi32, #tpu.memory_space<hbm>> -> memref<40x128xi32, #tpu.memory_space<hbm>>
      tpu.enqueue_dma source(%dma_start3A_67 : memref<40x128xi32, #tpu.memory_space<hbm>>) target(%arg7 : memref<40x128xi32, #tpu.memory_space<vmem>>) target_semaphore(%run_scoped3A : memref<!tpu.dma_semaphore, #tpu.memory_space<semaphore_mem>>)
      %dma_wait3A = arith.constant 0 : i32
      %dma_wait3A_68 = tpu.memref_slice %arg4[%add3A_45, %dma_wait3A] : memref<2560x128xi32, #tpu.memory_space<hbm>> -> memref<40x128xi32, #tpu.memory_space<hbm>>
      %dma_wait3A_69 = arith.constant 0 : i32
      %dma_wait3A_70 = tpu.memref_slice %arg4[%add3A_45, %dma_wait3A_69] : memref<2560x128xi32, #tpu.memory_space<hbm>> -> memref<40x128xi32, #tpu.memory_space<hbm>>
      tpu.wait_dma2 semaphore(%run_scoped3A : memref<!tpu.dma_semaphore, #tpu.memory_space<semaphore_mem>>) src(%dma_wait3A_70 : memref<40x128xi32, #tpu.memory_space<hbm>>) dst(%arg7 : memref<40x128xi32, #tpu.memory_space<vmem>>)
      tpu.yield
    }) : () -> ()
    %dma_start3A_46 = arith.constant 0 : i32
    %dma_start3A_47 = arith.constant 0 : i32
    %dma_start3A_48 = tpu.memref_slice %arg6[%dma_start3A_46, %dma_start3A_47] : memref<40x128xi32, #tpu.memory_space<vmem>> -> memref<1x128xi32, #tpu.memory_space<vmem>>
    %dma_start3A_49 = tpu.memref_squeeze %dma_start3A_48 : memref<1x128xi32, #tpu.memory_space<vmem>> -> memref<128xi32, #tpu.memory_space<vmem>>
    %dma_start3A_50 = arith.constant 0 : i32
    %dma_start3A_51 = arith.constant 0 : i32
    %dma_start3A_52 = tpu.memref_slice %arg2[%dma_start3A_50, %dma_start3A_51] : memref<10240x128xf32, #tpu.memory_space<hbm>> -> memref<10240x128xf32, #tpu.memory_space<hbm>>
    tpu.enqueue_indirect_dma source(%dma_start3A_52 : memref<10240x128xf32, #tpu.memory_space<hbm>>) target(%arg9 : memref<128x128xf32, #tpu.memory_space<vmem>>) offsets(%dma_start3A_49 : memref<128xi32, #tpu.memory_space<vmem>>) semaphore(%arg11 : memref<!tpu.dma_semaphore, #tpu.memory_space<semaphore_mem>>)
    %scan3A_53 = arith.constant 0 : i32
    %scan3A_54 = arith.constant 0 : i32
    %scan3A_55 = arith.constant 20 : i32
    %scan3A_56 = arith.addi %scan3A_54, %scan3A_55 : i32
    %scan3A_57 = arith.constant 1 : i32
    scf.for %scan3A_64 = %scan3A_54 to %scan3A_56 step %scan3A_57  : i32 {
      %mul3A_65 = arith.constant 2 : i32
      %mul3A_66 = arith.muli %scan3A_64, %mul3A_65 : i32
      %add3A_67 = arith.constant 0 : i32
      %add3A_68 = arith.addi %mul3A_66, %add3A_67 : i32
      %dma_wait3A = arith.constant 0 : i32
      %dma_wait3A_69 = tpu.memref_slice %arg6[%add3A_68, %dma_wait3A] : memref<40x128xi32, #tpu.memory_space<vmem>> -> memref<1x128xi32, #tpu.memory_space<vmem>>
      %dma_wait3A_70 = tpu.memref_squeeze %dma_wait3A_69 : memref<1x128xi32, #tpu.memory_space<vmem>> -> memref<128xi32, #tpu.memory_space<vmem>>
      %dma_wait3A_71 = arith.constant 0 : i32
      %dma_wait3A_72 = arith.constant 0 : i32
      %dma_wait3A_73 = tpu.memref_slice %arg2[%dma_wait3A_71, %dma_wait3A_72] : memref<10240x128xf32, #tpu.memory_space<hbm>> -> memref<10240x128xf32, #tpu.memory_space<hbm>>
      tpu.wait_indirect_dma semaphore(%arg11 : memref<!tpu.dma_semaphore, #tpu.memory_space<semaphore_mem>>) src(%dma_wait3A_73 : memref<10240x128xf32, #tpu.memory_space<hbm>>) dst(%arg9 : memref<128x128xf32, #tpu.memory_space<vmem>>)
      %lt3A = arith.constant 39 : i32
      %lt3A_74 = arith.cmpi slt, %add3A_68, %lt3A : i32
      %convert_element_type3A = arith.extui %lt3A_74 : i1 to i32
      %cond3A = arith.constant 0 : i32
      %cond3A_75 = arith.cmpi ne, %convert_element_type3A, %cond3A : i32
      scf.if %cond3A_75 {
        %add3A_91 = arith.constant 1 : i32
        %add3A_92 = arith.addi %add3A_68, %add3A_91 : i32
        %dma_start3A_93 = arith.constant 0 : i32
        %dma_start3A_94 = tpu.memref_slice %arg6[%add3A_92, %dma_start3A_93] : memref<40x128xi32, #tpu.memory_space<vmem>> -> memref<1x128xi32, #tpu.memory_space<vmem>>
        %dma_start3A_95 = tpu.memref_squeeze %dma_start3A_94 : memref<1x128xi32, #tpu.memory_space<vmem>> -> memref<128xi32, #tpu.memory_space<vmem>>
        %dma_start3A_96 = arith.constant 0 : i32
        %dma_start3A_97 = arith.constant 0 : i32
        %dma_start3A_98 = tpu.memref_slice %arg2[%dma_start3A_96, %dma_start3A_97] : memref<10240x128xf32, #tpu.memory_space<hbm>> -> memref<10240x128xf32, #tpu.memory_space<hbm>>
        tpu.enqueue_indirect_dma source(%dma_start3A_98 : memref<10240x128xf32, #tpu.memory_space<hbm>>) target(%arg10 : memref<128x128xf32, #tpu.memory_space<vmem>>) offsets(%dma_start3A_95 : memref<128xi32, #tpu.memory_space<vmem>>) semaphore(%arg12 : memref<!tpu.dma_semaphore, #tpu.memory_space<semaphore_mem>>)
      } else {
      }
      "tpu.region"() ({
        %run_scoped3A = tpu.sem_alloc : memref<!tpu.dma_semaphore, #tpu.memory_space<semaphore_mem>>
        %dma_start3A_91 = arith.constant 0 : i32
        %dma_start3A_92 = tpu.memref_slice %arg7[%add3A_68, %dma_start3A_91] : memref<40x128xi32, #tpu.memory_space<vmem>> -> memref<1x128xi32, #tpu.memory_space<vmem>>
        %dma_start3A_93 = tpu.memref_squeeze %dma_start3A_92 : memref<1x128xi32, #tpu.memory_space<vmem>> -> memref<128xi32, #tpu.memory_space<vmem>>
        %dma_start3A_94 = arith.constant 0 : i32
        %dma_start3A_95 = arith.constant 0 : i32
        %dma_start3A_96 = tpu.memref_slice %arg8[%dma_start3A_94, %dma_start3A_95] : memref<10240x128xf32, #tpu.memory_space<vmem_shared>> -> memref<10240x128xf32, #tpu.memory_space<vmem_shared>>
        tpu.enqueue_indirect_dma source(%arg9 : memref<128x128xf32, #tpu.memory_space<vmem>>) target(%dma_start3A_96 : memref<10240x128xf32, #tpu.memory_space<vmem_shared>>) offsets(%dma_start3A_93 : memref<128xi32, #tpu.memory_space<vmem>>) semaphore(%run_scoped3A : memref<!tpu.dma_semaphore, #tpu.memory_space<semaphore_mem>>) {add = true}
        %dma_wait3A_97 = arith.constant 0 : i32
        %dma_wait3A_98 = tpu.memref_slice %arg7[%add3A_68, %dma_wait3A_97] : memref<40x128xi32, #tpu.memory_space<vmem>> -> memref<1x128xi32, #tpu.memory_space<vmem>>
        %dma_wait3A_99 = tpu.memref_squeeze %dma_wait3A_98 : memref<1x128xi32, #tpu.memory_space<vmem>> -> memref<128xi32, #tpu.memory_space<vmem>>
        %dma_wait3A_100 = arith.constant 0 : i32
        %dma_wait3A_101 = arith.constant 0 : i32
        %dma_wait3A_102 = tpu.memref_slice %arg8[%dma_wait3A_100, %dma_wait3A_101] : memref<10240x128xf32, #tpu.memory_space<vmem_shared>> -> memref<10240x128xf32, #tpu.memory_space<vmem_shared>>
        tpu.wait_indirect_dma semaphore(%run_scoped3A : memref<!tpu.dma_semaphore, #tpu.memory_space<semaphore_mem>>) src(%arg9 : memref<128x128xf32, #tpu.memory_space<vmem>>) dst(%dma_wait3A_102 : memref<10240x128xf32, #tpu.memory_space<vmem_shared>>)
        tpu.yield
      }) : () -> ()
      %mul3A_76 = arith.constant 2 : i32
      %mul3A_77 = arith.muli %scan3A_64, %mul3A_76 : i32
      %add3A_78 = arith.constant 1 : i32
      %add3A_79 = arith.addi %mul3A_77, %add3A_78 : i32
      %dma_wait3A_80 = arith.constant 0 : i32
      %dma_wait3A_81 = tpu.memref_slice %arg6[%add3A_79, %dma_wait3A_80] : memref<40x128xi32, #tpu.memory_space<vmem>> -> memref<1x128xi32, #tpu.memory_space<vmem>>
      %dma_wait3A_82 = tpu.memref_squeeze %dma_wait3A_81 : memref<1x128xi32, #tpu.memory_space<vmem>> -> memref<128xi32, #tpu.memory_space<vmem>>
      %dma_wait3A_83 = arith.constant 0 : i32
      %dma_wait3A_84 = arith.constant 0 : i32
      %dma_wait3A_85 = tpu.memref_slice %arg2[%dma_wait3A_83, %dma_wait3A_84] : memref<10240x128xf32, #tpu.memory_space<hbm>> -> memref<10240x128xf32, #tpu.memory_space<hbm>>
      tpu.wait_indirect_dma semaphore(%arg12 : memref<!tpu.dma_semaphore, #tpu.memory_space<semaphore_mem>>) src(%dma_wait3A_85 : memref<10240x128xf32, #tpu.memory_space<hbm>>) dst(%arg10 : memref<128x128xf32, #tpu.memory_space<vmem>>)
      %lt3A_86 = arith.constant 39 : i32
      %lt3A_87 = arith.cmpi slt, %add3A_79, %lt3A_86 : i32
      %convert_element_type3A_88 = arith.extui %lt3A_87 : i1 to i32
      %cond3A_89 = arith.constant 0 : i32
      %cond3A_90 = arith.cmpi ne, %convert_element_type3A_88, %cond3A_89 : i32
      scf.if %cond3A_90 {
        %add3A_91 = arith.constant 1 : i32
        %add3A_92 = arith.addi %add3A_79, %add3A_91 : i32
        %dma_start3A_93 = arith.constant 0 : i32
        %dma_start3A_94 = tpu.memref_slice %arg6[%add3A_92, %dma_start3A_93] : memref<40x128xi32, #tpu.memory_space<vmem>> -> memref<1x128xi32, #tpu.memory_space<vmem>>
        %dma_start3A_95 = tpu.memref_squeeze %dma_start3A_94 : memref<1x128xi32, #tpu.memory_space<vmem>> -> memref<128xi32, #tpu.memory_space<vmem>>
        %dma_start3A_96 = arith.constant 0 : i32
        %dma_start3A_97 = arith.constant 0 : i32
        %dma_start3A_98 = tpu.memref_slice %arg2[%dma_start3A_96, %dma_start3A_97] : memref<10240x128xf32, #tpu.memory_space<hbm>> -> memref<10240x128xf32, #tpu.memory_space<hbm>>
        tpu.enqueue_indirect_dma source(%dma_start3A_98 : memref<10240x128xf32, #tpu.memory_space<hbm>>) target(%arg9 : memref<128x128xf32, #tpu.memory_space<vmem>>) offsets(%dma_start3A_95 : memref<128xi32, #tpu.memory_space<vmem>>) semaphore(%arg11 : memref<!tpu.dma_semaphore, #tpu.memory_space<semaphore_mem>>)
      } else {
      }
      "tpu.region"() ({
        %run_scoped3A = tpu.sem_alloc : memref<!tpu.dma_semaphore, #tpu.memory_space<semaphore_mem>>
        %dma_start3A_91 = arith.constant 0 : i32
        %dma_start3A_92 = tpu.memref_slice %arg7[%add3A_79, %dma_start3A_91] : memref<40x128xi32, #tpu.memory_space<vmem>> -> memref<1x128xi32, #tpu.memory_space<vmem>>
        %dma_start3A_93 = tpu.memref_squeeze %dma_start3A_92 : memref<1x128xi32, #tpu.memory_space<vmem>> -> memref<128xi32, #tpu.memory_space<vmem>>
        %dma_start3A_94 = arith.constant 0 : i32
        %dma_start3A_95 = arith.constant 0 : i32
        %dma_start3A_96 = tpu.memref_slice %arg8[%dma_start3A_94, %dma_start3A_95] : memref<10240x128xf32, #tpu.memory_space<vmem_shared>> -> memref<10240x128xf32, #tpu.memory_space<vmem_shared>>
        tpu.enqueue_indirect_dma source(%arg10 : memref<128x128xf32, #tpu.memory_space<vmem>>) target(%dma_start3A_96 : memref<10240x128xf32, #tpu.memory_space<vmem_shared>>) offsets(%dma_start3A_93 : memref<128xi32, #tpu.memory_space<vmem>>) semaphore(%run_scoped3A : memref<!tpu.dma_semaphore, #tpu.memory_space<semaphore_mem>>) {add = true}
        %dma_wait3A_97 = arith.constant 0 : i32
        %dma_wait3A_98 = tpu.memref_slice %arg7[%add3A_79, %dma_wait3A_97] : memref<40x128xi32, #tpu.memory_space<vmem>> -> memref<1x128xi32, #tpu.memory_space<vmem>>
        %dma_wait3A_99 = tpu.memref_squeeze %dma_wait3A_98 : memref<1x128xi32, #tpu.memory_space<vmem>> -> memref<128xi32, #tpu.memory_space<vmem>>
        %dma_wait3A_100 = arith.constant 0 : i32
        %dma_wait3A_101 = arith.constant 0 : i32
        %dma_wait3A_102 = tpu.memref_slice %arg8[%dma_wait3A_100, %dma_wait3A_101] : memref<10240x128xf32, #tpu.memory_space<vmem_shared>> -> memref<10240x128xf32, #tpu.memory_space<vmem_shared>>
        tpu.wait_indirect_dma semaphore(%run_scoped3A : memref<!tpu.dma_semaphore, #tpu.memory_space<semaphore_mem>>) src(%arg10 : memref<128x128xf32, #tpu.memory_space<vmem>>) dst(%dma_wait3A_102 : memref<10240x128xf32, #tpu.memory_space<vmem_shared>>)
        tpu.yield
      }) : () -> ()
    }
    %scan3A_58 = arith.constant 20 : i32
    %barrier3A_59 = arith.constant 0 : index
    tpu.barrier barrier_id(%barrier3A_59)
    %mul3A_60 = arith.constant 640 : i32
    %mul3A_61 = arith.muli %arg1, %mul3A_60 : i32
    %mul3A_62 = arith.constant 640 : i32
    %mul3A_63 = arith.muli %arg1, %mul3A_62 : i32
    "tpu.region"() ({
      %run_scoped3A = tpu.sem_alloc : memref<!tpu.dma_semaphore, #tpu.memory_space<semaphore_mem>>
      %dma_start3A_64 = arith.constant 0 : i32
      %dma_start3A_65 = tpu.memref_slice %arg5[%arg0, %mul3A_63, %dma_start3A_64] : memref<2x10240x128xf32, #tpu.memory_space<hbm>> -> memref<1x640x128xf32, #tpu.memory_space<hbm>>
      %dma_start3A_66 = tpu.memref_squeeze %dma_start3A_65 : memref<1x640x128xf32, #tpu.memory_space<hbm>> -> memref<640x128xf32, #tpu.memory_space<hbm>>
      %dma_start3A_67 = arith.constant 0 : i32
      %dma_start3A_68 = tpu.memref_slice %arg8[%mul3A_61, %dma_start3A_67] : memref<10240x128xf32, #tpu.memory_space<vmem_shared>> -> memref<640x128xf32, #tpu.memory_space<vmem_shared>>
      tpu.enqueue_dma source(%dma_start3A_68 : memref<640x128xf32, #tpu.memory_space<vmem_shared>>) target(%dma_start3A_66 : memref<640x128xf32, #tpu.memory_space<hbm>>) target_semaphore(%run_scoped3A : memref<!tpu.dma_semaphore, #tpu.memory_space<semaphore_mem>>)
      %dma_wait3A = arith.constant 0 : i32
      %dma_wait3A_69 = tpu.memref_slice %arg5[%arg0, %mul3A_63, %dma_wait3A] : memref<2x10240x128xf32, #tpu.memory_space<hbm>> -> memref<1x640x128xf32, #tpu.memory_space<hbm>>
      %dma_wait3A_70 = tpu.memref_squeeze %dma_wait3A_69 : memref<1x640x128xf32, #tpu.memory_space<hbm>> -> memref<640x128xf32, #tpu.memory_space<hbm>>
      %dma_wait3A_71 = arith.constant 0 : i32
      %dma_wait3A_72 = tpu.memref_slice %arg8[%mul3A_61, %dma_wait3A_71] : memref<10240x128xf32, #tpu.memory_space<vmem_shared>> -> memref<640x128xf32, #tpu.memory_space<vmem_shared>>
      tpu.wait_dma2 semaphore(%run_scoped3A : memref<!tpu.dma_semaphore, #tpu.memory_space<semaphore_mem>>) src(%dma_wait3A_72 : memref<640x128xf32, #tpu.memory_space<vmem_shared>>) dst(%dma_wait3A_70 : memref<640x128xf32, #tpu.memory_space<hbm>>)
      tpu.yield
    }) : () -> ()
    return
  }
}

#map = affine_map<(d0, d1) -> (0, 0)>
#map1 = affine_map<(d0, d1) -> (0, 0, 0)>
module attributes {stable_mosaic.version = 14 : i64} {
  func.func @_sc_aggregate(%arg0: i32, %arg1: i32, %arg2: memref<10240x128xf32, #tpu.memory_space<hbm>>, %arg3: memref<2560x128xi32, #tpu.memory_space<hbm>>, %arg4: memref<2560x128xi32, #tpu.memory_space<hbm>>, %arg5: memref<2x10240x128xf32, #tpu.memory_space<hbm>>, %arg6: memref<40x128xi32, #tpu.memory_space<vmem>>, %arg7: memref<40x128xi32, #tpu.memory_space<vmem>>, %arg8: memref<10240x128xf32, #tpu.memory_space<vmem_shared>>, %arg9: memref<128x128xf32, #tpu.memory_space<vmem>>, %arg10: memref<128x128xf32, #tpu.memory_space<vmem>>, %arg11: memref<!tpu.dma_semaphore, #tpu.memory_space<semaphore_mem>>, %arg12: memref<!tpu.dma_semaphore, #tpu.memory_space<semaphore_mem>>) attributes {dimension_semantics = [#tpu.dimension_semantics<core_parallel>, #tpu.dimension_semantics<subcore_parallel>], iteration_bounds = array<i64: 2, 16>, scalar_prefetch = 0 : i64, scratch_operands = 7 : i64, tpu.core_type = #tpu.core_type<sc_vector_subcore>, window_params = [{transform_indices = #map}, {transform_indices = #map}, {transform_indices = #map}, {transform_indices = #map1}]} {
    %mul3A = arith.constant 2 : i32
    %mul3A_0 = arith.muli %arg1, %mul3A : i32
    %add3A = arith.addi %mul3A_0, %arg0 : i32
    %scan3A = arith.constant 0 : i32
    %scan3A_1 = arith.constant 0 : i32
    %scan3A_2 = arith.constant 128 : i32
    %scan3A_3 = arith.addi %scan3A_1, %scan3A_2 : i32
    %scan3A_4 = arith.constant 1 : i32
    scf.for %scan3A_64 = %scan3A_1 to %scan3A_3 step %scan3A_4  : i32 {
      %broadcast_in_dim3A = arith.constant 0.000000e+00 : f32
      %broadcast_in_dim3A_65 = vector.broadcast %broadcast_in_dim3A : f32 to vector<16xf32>
      %swap3A = arith.index_cast %scan3A_64 : i32 to index
      %swap3A_66 = arith.constant 0 : index
      %swap3A_67 = tpu.vector_load %arg9[%swap3A, %swap3A_66] {strides = array<i32>} : memref<128x128xf32, #tpu.memory_space<vmem>>, vector<1x16xf32>,
      %swap3A_68 = vector.shape_cast %swap3A_67 : vector<1x16xf32> to vector<16xf32>
      %swap3A_69 = vector.shape_cast %broadcast_in_dim3A_65 : vector<16xf32> to vector<1x16xf32>
      tpu.vector_store %arg9[%swap3A, %swap3A_66], %swap3A_69 {strides = array<i32>} : memref<128x128xf32, #tpu.memory_space<vmem>>, vector<1x16xf32>,
      %broadcast_in_dim3A_70 = arith.constant 0.000000e+00 : f32
      %broadcast_in_dim3A_71 = vector.broadcast %broadcast_in_dim3A_70 : f32 to vector<16xf32>
      %swap3A_72 = arith.index_cast %scan3A_64 : i32 to index
      %swap3A_73 = arith.constant 16 : index
      %swap3A_74 = tpu.vector_load %arg9[%swap3A_72, %swap3A_73] {strides = array<i32>} : memref<128x128xf32, #tpu.memory_space<vmem>>, vector<1x16xf32>,
      %swap3A_75 = vector.shape_cast %swap3A_74 : vector<1x16xf32> to vector<16xf32>
      %swap3A_76 = vector.shape_cast %broadcast_in_dim3A_71 : vector<16xf32> to vector<1x16xf32>
      tpu.vector_store %arg9[%swap3A_72, %swap3A_73], %swap3A_76 {strides = array<i32>} : memref<128x128xf32, #tpu.memory_space<vmem>>, vector<1x16xf32>,
      %broadcast_in_dim3A_77 = arith.constant 0.000000e+00 : f32
      %broadcast_in_dim3A_78 = vector.broadcast %broadcast_in_dim3A_77 : f32 to vector<16xf32>
      %swap3A_79 = arith.index_cast %scan3A_64 : i32 to index
      %swap3A_80 = arith.constant 32 : index
      %swap3A_81 = tpu.vector_load %arg9[%swap3A_79, %swap3A_80] {strides = array<i32>} : memref<128x128xf32, #tpu.memory_space<vmem>>, vector<1x16xf32>,
      %swap3A_82 = vector.shape_cast %swap3A_81 : vector<1x16xf32> to vector<16xf32>
      %swap3A_83 = vector.shape_cast %broadcast_in_dim3A_78 : vector<16xf32> to vector<1x16xf32>
      tpu.vector_store %arg9[%swap3A_79, %swap3A_80], %swap3A_83 {strides = array<i32>} : memref<128x128xf32, #tpu.memory_space<vmem>>, vector<1x16xf32>,
      %broadcast_in_dim3A_84 = arith.constant 0.000000e+00 : f32
      %broadcast_in_dim3A_85 = vector.broadcast %broadcast_in_dim3A_84 : f32 to vector<16xf32>
      %swap3A_86 = arith.index_cast %scan3A_64 : i32 to index
      %swap3A_87 = arith.constant 48 : index
      %swap3A_88 = tpu.vector_load %arg9[%swap3A_86, %swap3A_87] {strides = array<i32>} : memref<128x128xf32, #tpu.memory_space<vmem>>, vector<1x16xf32>,
      %swap3A_89 = vector.shape_cast %swap3A_88 : vector<1x16xf32> to vector<16xf32>
      %swap3A_90 = vector.shape_cast %broadcast_in_dim3A_85 : vector<16xf32> to vector<1x16xf32>
      tpu.vector_store %arg9[%swap3A_86, %swap3A_87], %swap3A_90 {strides = array<i32>} : memref<128x128xf32, #tpu.memory_space<vmem>>, vector<1x16xf32>,
      %broadcast_in_dim3A_91 = arith.constant 0.000000e+00 : f32
      %broadcast_in_dim3A_92 = vector.broadcast %broadcast_in_dim3A_91 : f32 to vector<16xf32>
      %swap3A_93 = arith.index_cast %scan3A_64 : i32 to index
      %swap3A_94 = arith.constant 64 : index
      %swap3A_95 = tpu.vector_load %arg9[%swap3A_93, %swap3A_94] {strides = array<i32>} : memref<128x128xf32, #tpu.memory_space<vmem>>, vector<1x16xf32>,
      %swap3A_96 = vector.shape_cast %swap3A_95 : vector<1x16xf32> to vector<16xf32>
      %swap3A_97 = vector.shape_cast %broadcast_in_dim3A_92 : vector<16xf32> to vector<1x16xf32>
      tpu.vector_store %arg9[%swap3A_93, %swap3A_94], %swap3A_97 {strides = array<i32>} : memref<128x128xf32, #tpu.memory_space<vmem>>, vector<1x16xf32>,
      %broadcast_in_dim3A_98 = arith.constant 0.000000e+00 : f32
      %broadcast_in_dim3A_99 = vector.broadcast %broadcast_in_dim3A_98 : f32 to vector<16xf32>
      %swap3A_100 = arith.index_cast %scan3A_64 : i32 to index
      %swap3A_101 = arith.constant 80 : index
      %swap3A_102 = tpu.vector_load %arg9[%swap3A_100, %swap3A_101] {strides = array<i32>} : memref<128x128xf32, #tpu.memory_space<vmem>>, vector<1x16xf32>,
      %swap3A_103 = vector.shape_cast %swap3A_102 : vector<1x16xf32> to vector<16xf32>
      %swap3A_104 = vector.shape_cast %broadcast_in_dim3A_99 : vector<16xf32> to vector<1x16xf32>
      tpu.vector_store %arg9[%swap3A_100, %swap3A_101], %swap3A_104 {strides = array<i32>} : memref<128x128xf32, #tpu.memory_space<vmem>>, vector<1x16xf32>,
      %broadcast_in_dim3A_105 = arith.constant 0.000000e+00 : f32
      %broadcast_in_dim3A_106 = vector.broadcast %broadcast_in_dim3A_105 : f32 to vector<16xf32>
      %swap3A_107 = arith.index_cast %scan3A_64 : i32 to index
      %swap3A_108 = arith.constant 96 : index
      %swap3A_109 = tpu.vector_load %arg9[%swap3A_107, %swap3A_108] {strides = array<i32>} : memref<128x128xf32, #tpu.memory_space<vmem>>, vector<1x16xf32>,
      %swap3A_110 = vector.shape_cast %swap3A_109 : vector<1x16xf32> to vector<16xf32>
      %swap3A_111 = vector.shape_cast %broadcast_in_dim3A_106 : vector<16xf32> to vector<1x16xf32>
      tpu.vector_store %arg9[%swap3A_107, %swap3A_108], %swap3A_111 {strides = array<i32>} : memref<128x128xf32, #tpu.memory_space<vmem>>, vector<1x16xf32>,
      %broadcast_in_dim3A_112 = arith.constant 0.000000e+00 : f32
      %broadcast_in_dim3A_113 = vector.broadcast %broadcast_in_dim3A_112 : f32 to vector<16xf32>
      %swap3A_114 = arith.index_cast %scan3A_64 : i32 to index
      %swap3A_115 = arith.constant 112 : index
      %swap3A_116 = tpu.vector_load %arg9[%swap3A_114, %swap3A_115] {strides = array<i32>} : memref<128x128xf32, #tpu.memory_space<vmem>>, vector<1x16xf32>,
      %swap3A_117 = vector.shape_cast %swap3A_116 : vector<1x16xf32> to vector<16xf32>
      %swap3A_118 = vector.shape_cast %broadcast_in_dim3A_113 : vector<16xf32> to vector<1x16xf32>
      tpu.vector_store %arg9[%swap3A_114, %swap3A_115], %swap3A_118 {strides = array<i32>} : memref<128x128xf32, #tpu.memory_space<vmem>>, vector<1x16xf32>,
    }
    %scan3A_5 = arith.constant 128 : i32
    %mul3A_6 = arith.constant 640 : i32
    %mul3A_7 = arith.muli %arg1, %mul3A_6 : i32
    %add3A_8 = arith.constant 0 : i32
    %add3A_9 = arith.addi %mul3A_7, %add3A_8 : i32
    "tpu.region"() ({
      %run_scoped3A = tpu.sem_alloc : memref<!tpu.dma_semaphore, #tpu.memory_space<semaphore_mem>>
      %dma_start3A_64 = arith.constant 0 : i32
      %dma_start3A_65 = tpu.memref_slice %arg8[%add3A_9, %dma_start3A_64] : memref<10240x128xf32, #tpu.memory_space<vmem_shared>> -> memref<128x128xf32, #tpu.memory_space<vmem_shared>>
      %dma_start3A_66 = arith.constant 0 : i32
      %dma_start3A_67 = tpu.memref_slice %arg8[%add3A_9, %dma_start3A_66] : memref<10240x128xf32, #tpu.memory_space<vmem_shared>> -> memref<128x128xf32, #tpu.memory_space<vmem_shared>>
      tpu.enqueue_dma source(%arg9 : memref<128x128xf32, #tpu.memory_space<vmem>>) target(%dma_start3A_67 : memref<128x128xf32, #tpu.memory_space<vmem_shared>>) target_semaphore(%run_scoped3A : memref<!tpu.dma_semaphore, #tpu.memory_space<semaphore_mem>>)
      %dma_wait3A = arith.constant 0 : i32
      %dma_wait3A_68 = tpu.memref_slice %arg8[%add3A_9, %dma_wait3A] : memref<10240x128xf32, #tpu.memory_space<vmem_shared>> -> memref<128x128xf32, #tpu.memory_space<vmem_shared>>
      %dma_wait3A_69 = arith.constant 0 : i32
      %dma_wait3A_70 = tpu.memref_slice %arg8[%add3A_9, %dma_wait3A_69] : memref<10240x128xf32, #tpu.memory_space<vmem_shared>> -> memref<128x128xf32, #tpu.memory_space<vmem_shared>>
      tpu.wait_dma2 semaphore(%run_scoped3A : memref<!tpu.dma_semaphore, #tpu.memory_space<semaphore_mem>>) src(%arg9 : memref<128x128xf32, #tpu.memory_space<vmem>>) dst(%dma_wait3A_70 : memref<128x128xf32, #tpu.memory_space<vmem_shared>>)
      tpu.yield
    }) : () -> ()
    %mul3A_10 = arith.constant 640 : i32
    %mul3A_11 = arith.muli %arg1, %mul3A_10 : i32
    %add3A_12 = arith.constant 128 : i32
    %add3A_13 = arith.addi %mul3A_11, %add3A_12 : i32
    "tpu.region"() ({
      %run_scoped3A = tpu.sem_alloc : memref<!tpu.dma_semaphore, #tpu.memory_space<semaphore_mem>>
      %dma_start3A_64 = arith.constant 0 : i32
      %dma_start3A_65 = tpu.memref_slice %arg8[%add3A_13, %dma_start3A_64] : memref<10240x128xf32, #tpu.memory_space<vmem_shared>> -> memref<128x128xf32, #tpu.memory_space<vmem_shared>>
      %dma_start3A_66 = arith.constant 0 : i32
      %dma_start3A_67 = tpu.memref_slice %arg8[%add3A_13, %dma_start3A_66] : memref<10240x128xf32, #tpu.memory_space<vmem_shared>> -> memref<128x128xf32, #tpu.memory_space<vmem_shared>>
      tpu.enqueue_dma source(%arg9 : memref<128x128xf32, #tpu.memory_space<vmem>>) target(%dma_start3A_67 : memref<128x128xf32, #tpu.memory_space<vmem_shared>>) target_semaphore(%run_scoped3A : memref<!tpu.dma_semaphore, #tpu.memory_space<semaphore_mem>>)
      %dma_wait3A = arith.constant 0 : i32
      %dma_wait3A_68 = tpu.memref_slice %arg8[%add3A_13, %dma_wait3A] : memref<10240x128xf32, #tpu.memory_space<vmem_shared>> -> memref<128x128xf32, #tpu.memory_space<vmem_shared>>
      %dma_wait3A_69 = arith.constant 0 : i32
      %dma_wait3A_70 = tpu.memref_slice %arg8[%add3A_13, %dma_wait3A_69] : memref<10240x128xf32, #tpu.memory_space<vmem_shared>> -> memref<128x128xf32, #tpu.memory_space<vmem_shared>>
      tpu.wait_dma2 semaphore(%run_scoped3A : memref<!tpu.dma_semaphore, #tpu.memory_space<semaphore_mem>>) src(%arg9 : memref<128x128xf32, #tpu.memory_space<vmem>>) dst(%dma_wait3A_70 : memref<128x128xf32, #tpu.memory_space<vmem_shared>>)
      tpu.yield
    }) : () -> ()
    %mul3A_14 = arith.constant 640 : i32
    %mul3A_15 = arith.muli %arg1, %mul3A_14 : i32
    %add3A_16 = arith.constant 256 : i32
    %add3A_17 = arith.addi %mul3A_15, %add3A_16 : i32
    "tpu.region"() ({
      %run_scoped3A = tpu.sem_alloc : memref<!tpu.dma_semaphore, #tpu.memory_space<semaphore_mem>>
      %dma_start3A_64 = arith.constant 0 : i32
      %dma_start3A_65 = tpu.memref_slice %arg8[%add3A_17, %dma_start3A_64] : memref<10240x128xf32, #tpu.memory_space<vmem_shared>> -> memref<128x128xf32, #tpu.memory_space<vmem_shared>>
      %dma_start3A_66 = arith.constant 0 : i32
      %dma_start3A_67 = tpu.memref_slice %arg8[%add3A_17, %dma_start3A_66] : memref<10240x128xf32, #tpu.memory_space<vmem_shared>> -> memref<128x128xf32, #tpu.memory_space<vmem_shared>>
      tpu.enqueue_dma source(%arg9 : memref<128x128xf32, #tpu.memory_space<vmem>>) target(%dma_start3A_67 : memref<128x128xf32, #tpu.memory_space<vmem_shared>>) target_semaphore(%run_scoped3A : memref<!tpu.dma_semaphore, #tpu.memory_space<semaphore_mem>>)
      %dma_wait3A = arith.constant 0 : i32
      %dma_wait3A_68 = tpu.memref_slice %arg8[%add3A_17, %dma_wait3A] : memref<10240x128xf32, #tpu.memory_space<vmem_shared>> -> memref<128x128xf32, #tpu.memory_space<vmem_shared>>
      %dma_wait3A_69 = arith.constant 0 : i32
      %dma_wait3A_70 = tpu.memref_slice %arg8[%add3A_17, %dma_wait3A_69] : memref<10240x128xf32, #tpu.memory_space<vmem_shared>> -> memref<128x128xf32, #tpu.memory_space<vmem_shared>>
      tpu.wait_dma2 semaphore(%run_scoped3A : memref<!tpu.dma_semaphore, #tpu.memory_space<semaphore_mem>>) src(%arg9 : memref<128x128xf32, #tpu.memory_space<vmem>>) dst(%dma_wait3A_70 : memref<128x128xf32, #tpu.memory_space<vmem_shared>>)
      tpu.yield
    }) : () -> ()
    %mul3A_18 = arith.constant 640 : i32
    %mul3A_19 = arith.muli %arg1, %mul3A_18 : i32
    %add3A_20 = arith.constant 384 : i32
    %add3A_21 = arith.addi %mul3A_19, %add3A_20 : i32
    "tpu.region"() ({
      %run_scoped3A = tpu.sem_alloc : memref<!tpu.dma_semaphore, #tpu.memory_space<semaphore_mem>>
      %dma_start3A_64 = arith.constant 0 : i32
      %dma_start3A_65 = tpu.memref_slice %arg8[%add3A_21, %dma_start3A_64] : memref<10240x128xf32, #tpu.memory_space<vmem_shared>> -> memref<128x128xf32, #tpu.memory_space<vmem_shared>>
      %dma_start3A_66 = arith.constant 0 : i32
      %dma_start3A_67 = tpu.memref_slice %arg8[%add3A_21, %dma_start3A_66] : memref<10240x128xf32, #tpu.memory_space<vmem_shared>> -> memref<128x128xf32, #tpu.memory_space<vmem_shared>>
      tpu.enqueue_dma source(%arg9 : memref<128x128xf32, #tpu.memory_space<vmem>>) target(%dma_start3A_67 : memref<128x128xf32, #tpu.memory_space<vmem_shared>>) target_semaphore(%run_scoped3A : memref<!tpu.dma_semaphore, #tpu.memory_space<semaphore_mem>>)
      %dma_wait3A = arith.constant 0 : i32
      %dma_wait3A_68 = tpu.memref_slice %arg8[%add3A_21, %dma_wait3A] : memref<10240x128xf32, #tpu.memory_space<vmem_shared>> -> memref<128x128xf32, #tpu.memory_space<vmem_shared>>
      %dma_wait3A_69 = arith.constant 0 : i32
      %dma_wait3A_70 = tpu.memref_slice %arg8[%add3A_21, %dma_wait3A_69] : memref<10240x128xf32, #tpu.memory_space<vmem_shared>> -> memref<128x128xf32, #tpu.memory_space<vmem_shared>>
      tpu.wait_dma2 semaphore(%run_scoped3A : memref<!tpu.dma_semaphore, #tpu.memory_space<semaphore_mem>>) src(%arg9 : memref<128x128xf32, #tpu.memory_space<vmem>>) dst(%dma_wait3A_70 : memref<128x128xf32, #tpu.memory_space<vmem_shared>>)
      tpu.yield
    }) : () -> ()
    %mul3A_22 = arith.constant 640 : i32
    %mul3A_23 = arith.muli %arg1, %mul3A_22 : i32
    %add3A_24 = arith.constant 512 : i32
    %add3A_25 = arith.addi %mul3A_23, %add3A_24 : i32
    "tpu.region"() ({
      %run_scoped3A = tpu.sem_alloc : memref<!tpu.dma_semaphore, #tpu.memory_space<semaphore_mem>>
      %dma_start3A_64 = arith.constant 0 : i32
      %dma_start3A_65 = tpu.memref_slice %arg8[%add3A_25, %dma_start3A_64] : memref<10240x128xf32, #tpu.memory_space<vmem_shared>> -> memref<128x128xf32, #tpu.memory_space<vmem_shared>>
      %dma_start3A_66 = arith.constant 0 : i32
      %dma_start3A_67 = tpu.memref_slice %arg8[%add3A_25, %dma_start3A_66] : memref<10240x128xf32, #tpu.memory_space<vmem_shared>> -> memref<128x128xf32, #tpu.memory_space<vmem_shared>>
      tpu.enqueue_dma source(%arg9 : memref<128x128xf32, #tpu.memory_space<vmem>>) target(%dma_start3A_67 : memref<128x128xf32, #tpu.memory_space<vmem_shared>>) target_semaphore(%run_scoped3A : memref<!tpu.dma_semaphore, #tpu.memory_space<semaphore_mem>>)
      %dma_wait3A = arith.constant 0 : i32
      %dma_wait3A_68 = tpu.memref_slice %arg8[%add3A_25, %dma_wait3A] : memref<10240x128xf32, #tpu.memory_space<vmem_shared>> -> memref<128x128xf32, #tpu.memory_space<vmem_shared>>
      %dma_wait3A_69 = arith.constant 0 : i32
      %dma_wait3A_70 = tpu.memref_slice %arg8[%add3A_25, %dma_wait3A_69] : memref<10240x128xf32, #tpu.memory_space<vmem_shared>> -> memref<128x128xf32, #tpu.memory_space<vmem_shared>>
      tpu.wait_dma2 semaphore(%run_scoped3A : memref<!tpu.dma_semaphore, #tpu.memory_space<semaphore_mem>>) src(%arg9 : memref<128x128xf32, #tpu.memory_space<vmem>>) dst(%dma_wait3A_70 : memref<128x128xf32, #tpu.memory_space<vmem_shared>>)
      tpu.yield
    }) : () -> ()
    %barrier3A = arith.constant 0 : index
    tpu.barrier barrier_id(%barrier3A)
    %mul3A_26 = arith.constant 80 : i32
    %mul3A_27 = arith.muli %add3A, %mul3A_26 : i32
    %add3A_28 = arith.constant 0 : i32
    %add3A_29 = arith.addi %mul3A_27, %add3A_28 : i32
    "tpu.region"() ({
      %run_scoped3A = tpu.sem_alloc : memref<!tpu.dma_semaphore, #tpu.memory_space<semaphore_mem>>
      %dma_start3A_64 = arith.constant 0 : i32
      %dma_start3A_65 = tpu.memref_slice %arg3[%add3A_29, %dma_start3A_64] : memref<2560x128xi32, #tpu.memory_space<hbm>> -> memref<40x128xi32, #tpu.memory_space<hbm>>
      %dma_start3A_66 = arith.constant 0 : i32
      %dma_start3A_67 = tpu.memref_slice %arg3[%add3A_29, %dma_start3A_66] : memref<2560x128xi32, #tpu.memory_space<hbm>> -> memref<40x128xi32, #tpu.memory_space<hbm>>
      tpu.enqueue_dma source(%dma_start3A_67 : memref<40x128xi32, #tpu.memory_space<hbm>>) target(%arg6 : memref<40x128xi32, #tpu.memory_space<vmem>>) target_semaphore(%run_scoped3A : memref<!tpu.dma_semaphore, #tpu.memory_space<semaphore_mem>>)
      %dma_wait3A = arith.constant 0 : i32
      %dma_wait3A_68 = tpu.memref_slice %arg3[%add3A_29, %dma_wait3A] : memref<2560x128xi32, #tpu.memory_space<hbm>> -> memref<40x128xi32, #tpu.memory_space<hbm>>
      %dma_wait3A_69 = arith.constant 0 : i32
      %dma_wait3A_70 = tpu.memref_slice %arg3[%add3A_29, %dma_wait3A_69] : memref<2560x128xi32, #tpu.memory_space<hbm>> -> memref<40x128xi32, #tpu.memory_space<hbm>>
      tpu.wait_dma2 semaphore(%run_scoped3A : memref<!tpu.dma_semaphore, #tpu.memory_space<semaphore_mem>>) src(%dma_wait3A_70 : memref<40x128xi32, #tpu.memory_space<hbm>>) dst(%arg6 : memref<40x128xi32, #tpu.memory_space<vmem>>)
      tpu.yield
    }) : () -> ()
    "tpu.region"() ({
      %run_scoped3A = tpu.sem_alloc : memref<!tpu.dma_semaphore, #tpu.memory_space<semaphore_mem>>
      %dma_start3A_64 = arith.constant 0 : i32
      %dma_start3A_65 = tpu.memref_slice %arg4[%add3A_29, %dma_start3A_64] : memref<2560x128xi32, #tpu.memory_space<hbm>> -> memref<40x128xi32, #tpu.memory_space<hbm>>
      %dma_start3A_66 = arith.constant 0 : i32
      %dma_start3A_67 = tpu.memref_slice %arg4[%add3A_29, %dma_start3A_66] : memref<2560x128xi32, #tpu.memory_space<hbm>> -> memref<40x128xi32, #tpu.memory_space<hbm>>
      tpu.enqueue_dma source(%dma_start3A_67 : memref<40x128xi32, #tpu.memory_space<hbm>>) target(%arg7 : memref<40x128xi32, #tpu.memory_space<vmem>>) target_semaphore(%run_scoped3A : memref<!tpu.dma_semaphore, #tpu.memory_space<semaphore_mem>>)
      %dma_wait3A = arith.constant 0 : i32
      %dma_wait3A_68 = tpu.memref_slice %arg4[%add3A_29, %dma_wait3A] : memref<2560x128xi32, #tpu.memory_space<hbm>> -> memref<40x128xi32, #tpu.memory_space<hbm>>
      %dma_wait3A_69 = arith.constant 0 : i32
      %dma_wait3A_70 = tpu.memref_slice %arg4[%add3A_29, %dma_wait3A_69] : memref<2560x128xi32, #tpu.memory_space<hbm>> -> memref<40x128xi32, #tpu.memory_space<hbm>>
      tpu.wait_dma2 semaphore(%run_scoped3A : memref<!tpu.dma_semaphore, #tpu.memory_space<semaphore_mem>>) src(%dma_wait3A_70 : memref<40x128xi32, #tpu.memory_space<hbm>>) dst(%arg7 : memref<40x128xi32, #tpu.memory_space<vmem>>)
      tpu.yield
    }) : () -> ()
    %dma_start3A = arith.constant 0 : i32
    %dma_start3A_30 = arith.constant 0 : i32
    %dma_start3A_31 = tpu.memref_slice %arg6[%dma_start3A, %dma_start3A_30] : memref<40x128xi32, #tpu.memory_space<vmem>> -> memref<1x128xi32, #tpu.memory_space<vmem>>
    %dma_start3A_32 = tpu.memref_squeeze %dma_start3A_31 : memref<1x128xi32, #tpu.memory_space<vmem>> -> memref<128xi32, #tpu.memory_space<vmem>>
    %dma_start3A_33 = arith.constant 0 : i32
    %dma_start3A_34 = arith.constant 0 : i32
    %dma_start3A_35 = tpu.memref_slice %arg2[%dma_start3A_33, %dma_start3A_34] : memref<10240x128xf32, #tpu.memory_space<hbm>> -> memref<10240x128xf32, #tpu.memory_space<hbm>>
    tpu.enqueue_indirect_dma source(%dma_start3A_35 : memref<10240x128xf32, #tpu.memory_space<hbm>>) target(%arg9 : memref<128x128xf32, #tpu.memory_space<vmem>>) offsets(%dma_start3A_32 : memref<128xi32, #tpu.memory_space<vmem>>) semaphore(%arg11 : memref<!tpu.dma_semaphore, #tpu.memory_space<semaphore_mem>>)
    %scan3A_36 = arith.constant 0 : i32
    %scan3A_37 = arith.constant 0 : i32
    %scan3A_38 = arith.constant 20 : i32
    %scan3A_39 = arith.addi %scan3A_37, %scan3A_38 : i32
    %scan3A_40 = arith.constant 1 : i32
    scf.for %scan3A_64 = %scan3A_37 to %scan3A_39 step %scan3A_40  : i32 {
      %mul3A_65 = arith.constant 2 : i32
      %mul3A_66 = arith.muli %scan3A_64, %mul3A_65 : i32
      %add3A_67 = arith.constant 0 : i32
      %add3A_68 = arith.addi %mul3A_66, %add3A_67 : i32
      %dma_wait3A = arith.constant 0 : i32
      %dma_wait3A_69 = tpu.memref_slice %arg6[%add3A_68, %dma_wait3A] : memref<40x128xi32, #tpu.memory_space<vmem>> -> memref<1x128xi32, #tpu.memory_space<vmem>>
      %dma_wait3A_70 = tpu.memref_squeeze %dma_wait3A_69 : memref<1x128xi32, #tpu.memory_space<vmem>> -> memref<128xi32, #tpu.memory_space<vmem>>
      %dma_wait3A_71 = arith.constant 0 : i32
      %dma_wait3A_72 = arith.constant 0 : i32
      %dma_wait3A_73 = tpu.memref_slice %arg2[%dma_wait3A_71, %dma_wait3A_72] : memref<10240x128xf32, #tpu.memory_space<hbm>> -> memref<10240x128xf32, #tpu.memory_space<hbm>>
      tpu.wait_indirect_dma semaphore(%arg11 : memref<!tpu.dma_semaphore, #tpu.memory_space<semaphore_mem>>) src(%dma_wait3A_73 : memref<10240x128xf32, #tpu.memory_space<hbm>>) dst(%arg9 : memref<128x128xf32, #tpu.memory_space<vmem>>)
      %lt3A = arith.constant 39 : i32
      %lt3A_74 = arith.cmpi slt, %add3A_68, %lt3A : i32
      %convert_element_type3A = arith.extui %lt3A_74 : i1 to i32
      %cond3A = arith.constant 0 : i32
      %cond3A_75 = arith.cmpi ne, %convert_element_type3A, %cond3A : i32
      scf.if %cond3A_75 {
        %add3A_91 = arith.constant 1 : i32
        %add3A_92 = arith.addi %add3A_68, %add3A_91 : i32
        %dma_start3A_93 = arith.constant 0 : i32
        %dma_start3A_94 = tpu.memref_slice %arg6[%add3A_92, %dma_start3A_93] : memref<40x128xi32, #tpu.memory_space<vmem>> -> memref<1x128xi32, #tpu.memory_space<vmem>>
        %dma_start3A_95 = tpu.memref_squeeze %dma_start3A_94 : memref<1x128xi32, #tpu.memory_space<vmem>> -> memref<128xi32, #tpu.memory_space<vmem>>
        %dma_start3A_96 = arith.constant 0 : i32
        %dma_start3A_97 = arith.constant 0 : i32
        %dma_start3A_98 = tpu.memref_slice %arg2[%dma_start3A_96, %dma_start3A_97] : memref<10240x128xf32, #tpu.memory_space<hbm>> -> memref<10240x128xf32, #tpu.memory_space<hbm>>
        tpu.enqueue_indirect_dma source(%dma_start3A_98 : memref<10240x128xf32, #tpu.memory_space<hbm>>) target(%arg10 : memref<128x128xf32, #tpu.memory_space<vmem>>) offsets(%dma_start3A_95 : memref<128xi32, #tpu.memory_space<vmem>>) semaphore(%arg12 : memref<!tpu.dma_semaphore, #tpu.memory_space<semaphore_mem>>)
      } else {
      }
      "tpu.region"() ({
        %run_scoped3A = tpu.sem_alloc : memref<!tpu.dma_semaphore, #tpu.memory_space<semaphore_mem>>
        %dma_start3A_91 = arith.constant 0 : i32
        %dma_start3A_92 = tpu.memref_slice %arg7[%add3A_68, %dma_start3A_91] : memref<40x128xi32, #tpu.memory_space<vmem>> -> memref<1x128xi32, #tpu.memory_space<vmem>>
        %dma_start3A_93 = tpu.memref_squeeze %dma_start3A_92 : memref<1x128xi32, #tpu.memory_space<vmem>> -> memref<128xi32, #tpu.memory_space<vmem>>
        %dma_start3A_94 = arith.constant 0 : i32
        %dma_start3A_95 = arith.constant 0 : i32
        %dma_start3A_96 = tpu.memref_slice %arg8[%dma_start3A_94, %dma_start3A_95] : memref<10240x128xf32, #tpu.memory_space<vmem_shared>> -> memref<10240x128xf32, #tpu.memory_space<vmem_shared>>
        tpu.enqueue_indirect_dma source(%arg9 : memref<128x128xf32, #tpu.memory_space<vmem>>) target(%dma_start3A_96 : memref<10240x128xf32, #tpu.memory_space<vmem_shared>>) offsets(%dma_start3A_93 : memref<128xi32, #tpu.memory_space<vmem>>) semaphore(%run_scoped3A : memref<!tpu.dma_semaphore, #tpu.memory_space<semaphore_mem>>) {add = true}
        %dma_wait3A_97 = arith.constant 0 : i32
        %dma_wait3A_98 = tpu.memref_slice %arg7[%add3A_68, %dma_wait3A_97] : memref<40x128xi32, #tpu.memory_space<vmem>> -> memref<1x128xi32, #tpu.memory_space<vmem>>
        %dma_wait3A_99 = tpu.memref_squeeze %dma_wait3A_98 : memref<1x128xi32, #tpu.memory_space<vmem>> -> memref<128xi32, #tpu.memory_space<vmem>>
        %dma_wait3A_100 = arith.constant 0 : i32
        %dma_wait3A_101 = arith.constant 0 : i32
        %dma_wait3A_102 = tpu.memref_slice %arg8[%dma_wait3A_100, %dma_wait3A_101] : memref<10240x128xf32, #tpu.memory_space<vmem_shared>> -> memref<10240x128xf32, #tpu.memory_space<vmem_shared>>
        tpu.wait_indirect_dma semaphore(%run_scoped3A : memref<!tpu.dma_semaphore, #tpu.memory_space<semaphore_mem>>) src(%arg9 : memref<128x128xf32, #tpu.memory_space<vmem>>) dst(%dma_wait3A_102 : memref<10240x128xf32, #tpu.memory_space<vmem_shared>>)
        tpu.yield
      }) : () -> ()
      %mul3A_76 = arith.constant 2 : i32
      %mul3A_77 = arith.muli %scan3A_64, %mul3A_76 : i32
      %add3A_78 = arith.constant 1 : i32
      %add3A_79 = arith.addi %mul3A_77, %add3A_78 : i32
      %dma_wait3A_80 = arith.constant 0 : i32
      %dma_wait3A_81 = tpu.memref_slice %arg6[%add3A_79, %dma_wait3A_80] : memref<40x128xi32, #tpu.memory_space<vmem>> -> memref<1x128xi32, #tpu.memory_space<vmem>>
      %dma_wait3A_82 = tpu.memref_squeeze %dma_wait3A_81 : memref<1x128xi32, #tpu.memory_space<vmem>> -> memref<128xi32, #tpu.memory_space<vmem>>
      %dma_wait3A_83 = arith.constant 0 : i32
      %dma_wait3A_84 = arith.constant 0 : i32
      %dma_wait3A_85 = tpu.memref_slice %arg2[%dma_wait3A_83, %dma_wait3A_84] : memref<10240x128xf32, #tpu.memory_space<hbm>> -> memref<10240x128xf32, #tpu.memory_space<hbm>>
      tpu.wait_indirect_dma semaphore(%arg12 : memref<!tpu.dma_semaphore, #tpu.memory_space<semaphore_mem>>) src(%dma_wait3A_85 : memref<10240x128xf32, #tpu.memory_space<hbm>>) dst(%arg10 : memref<128x128xf32, #tpu.memory_space<vmem>>)
      %lt3A_86 = arith.constant 39 : i32
      %lt3A_87 = arith.cmpi slt, %add3A_79, %lt3A_86 : i32
      %convert_element_type3A_88 = arith.extui %lt3A_87 : i1 to i32
      %cond3A_89 = arith.constant 0 : i32
      %cond3A_90 = arith.cmpi ne, %convert_element_type3A_88, %cond3A_89 : i32
      scf.if %cond3A_90 {
        %add3A_91 = arith.constant 1 : i32
        %add3A_92 = arith.addi %add3A_79, %add3A_91 : i32
        %dma_start3A_93 = arith.constant 0 : i32
        %dma_start3A_94 = tpu.memref_slice %arg6[%add3A_92, %dma_start3A_93] : memref<40x128xi32, #tpu.memory_space<vmem>> -> memref<1x128xi32, #tpu.memory_space<vmem>>
        %dma_start3A_95 = tpu.memref_squeeze %dma_start3A_94 : memref<1x128xi32, #tpu.memory_space<vmem>> -> memref<128xi32, #tpu.memory_space<vmem>>
        %dma_start3A_96 = arith.constant 0 : i32
        %dma_start3A_97 = arith.constant 0 : i32
        %dma_start3A_98 = tpu.memref_slice %arg2[%dma_start3A_96, %dma_start3A_97] : memref<10240x128xf32, #tpu.memory_space<hbm>> -> memref<10240x128xf32, #tpu.memory_space<hbm>>
        tpu.enqueue_indirect_dma source(%dma_start3A_98 : memref<10240x128xf32, #tpu.memory_space<hbm>>) target(%arg9 : memref<128x128xf32, #tpu.memory_space<vmem>>) offsets(%dma_start3A_95 : memref<128xi32, #tpu.memory_space<vmem>>) semaphore(%arg11 : memref<!tpu.dma_semaphore, #tpu.memory_space<semaphore_mem>>)
      } else {
      }
      "tpu.region"() ({
        %run_scoped3A = tpu.sem_alloc : memref<!tpu.dma_semaphore, #tpu.memory_space<semaphore_mem>>
        %dma_start3A_91 = arith.constant 0 : i32
        %dma_start3A_92 = tpu.memref_slice %arg7[%add3A_79, %dma_start3A_91] : memref<40x128xi32, #tpu.memory_space<vmem>> -> memref<1x128xi32, #tpu.memory_space<vmem>>
        %dma_start3A_93 = tpu.memref_squeeze %dma_start3A_92 : memref<1x128xi32, #tpu.memory_space<vmem>> -> memref<128xi32, #tpu.memory_space<vmem>>
        %dma_start3A_94 = arith.constant 0 : i32
        %dma_start3A_95 = arith.constant 0 : i32
        %dma_start3A_96 = tpu.memref_slice %arg8[%dma_start3A_94, %dma_start3A_95] : memref<10240x128xf32, #tpu.memory_space<vmem_shared>> -> memref<10240x128xf32, #tpu.memory_space<vmem_shared>>
        tpu.enqueue_indirect_dma source(%arg10 : memref<128x128xf32, #tpu.memory_space<vmem>>) target(%dma_start3A_96 : memref<10240x128xf32, #tpu.memory_space<vmem_shared>>) offsets(%dma_start3A_93 : memref<128xi32, #tpu.memory_space<vmem>>) semaphore(%run_scoped3A : memref<!tpu.dma_semaphore, #tpu.memory_space<semaphore_mem>>) {add = true}
        %dma_wait3A_97 = arith.constant 0 : i32
        %dma_wait3A_98 = tpu.memref_slice %arg7[%add3A_79, %dma_wait3A_97] : memref<40x128xi32, #tpu.memory_space<vmem>> -> memref<1x128xi32, #tpu.memory_space<vmem>>
        %dma_wait3A_99 = tpu.memref_squeeze %dma_wait3A_98 : memref<1x128xi32, #tpu.memory_space<vmem>> -> memref<128xi32, #tpu.memory_space<vmem>>
        %dma_wait3A_100 = arith.constant 0 : i32
        %dma_wait3A_101 = arith.constant 0 : i32
        %dma_wait3A_102 = tpu.memref_slice %arg8[%dma_wait3A_100, %dma_wait3A_101] : memref<10240x128xf32, #tpu.memory_space<vmem_shared>> -> memref<10240x128xf32, #tpu.memory_space<vmem_shared>>
        tpu.wait_indirect_dma semaphore(%run_scoped3A : memref<!tpu.dma_semaphore, #tpu.memory_space<semaphore_mem>>) src(%arg10 : memref<128x128xf32, #tpu.memory_space<vmem>>) dst(%dma_wait3A_102 : memref<10240x128xf32, #tpu.memory_space<vmem_shared>>)
        tpu.yield
      }) : () -> ()
    }
    %scan3A_41 = arith.constant 20 : i32
    %mul3A_42 = arith.constant 80 : i32
    %mul3A_43 = arith.muli %add3A, %mul3A_42 : i32
    %add3A_44 = arith.constant 40 : i32
    %add3A_45 = arith.addi %mul3A_43, %add3A_44 : i32
    "tpu.region"() ({
      %run_scoped3A = tpu.sem_alloc : memref<!tpu.dma_semaphore, #tpu.memory_space<semaphore_mem>>
      %dma_start3A_64 = arith.constant 0 : i32
      %dma_start3A_65 = tpu.memref_slice %arg3[%add3A_45, %dma_start3A_64] : memref<2560x128xi32, #tpu.memory_space<hbm>> -> memref<40x128xi32, #tpu.memory_space<hbm>>
      %dma_start3A_66 = arith.constant 0 : i32
      %dma_start3A_67 = tpu.memref_slice %arg3[%add3A_45, %dma_start3A_66] : memref<2560x128xi32, #tpu.memory_space<hbm>> -> memref<40x128xi32, #tpu.memory_space<hbm>>
      tpu.enqueue_dma source(%dma_start3A_67 : memref<40x128xi32, #tpu.memory_space<hbm>>) target(%arg6 : memref<40x128xi32, #tpu.memory_space<vmem>>) target_semaphore(%run_scoped3A : memref<!tpu.dma_semaphore, #tpu.memory_space<semaphore_mem>>)
      %dma_wait3A = arith.constant 0 : i32
      %dma_wait3A_68 = tpu.memref_slice %arg3[%add3A_45, %dma_wait3A] : memref<2560x128xi32, #tpu.memory_space<hbm>> -> memref<40x128xi32, #tpu.memory_space<hbm>>
      %dma_wait3A_69 = arith.constant 0 : i32
      %dma_wait3A_70 = tpu.memref_slice %arg3[%add3A_45, %dma_wait3A_69] : memref<2560x128xi32, #tpu.memory_space<hbm>> -> memref<40x128xi32, #tpu.memory_space<hbm>>
      tpu.wait_dma2 semaphore(%run_scoped3A : memref<!tpu.dma_semaphore, #tpu.memory_space<semaphore_mem>>) src(%dma_wait3A_70 : memref<40x128xi32, #tpu.memory_space<hbm>>) dst(%arg6 : memref<40x128xi32, #tpu.memory_space<vmem>>)
      tpu.yield
    }) : () -> ()
    "tpu.region"() ({
      %run_scoped3A = tpu.sem_alloc : memref<!tpu.dma_semaphore, #tpu.memory_space<semaphore_mem>>
      %dma_start3A_64 = arith.constant 0 : i32
      %dma_start3A_65 = tpu.memref_slice %arg4[%add3A_45, %dma_start3A_64] : memref<2560x128xi32, #tpu.memory_space<hbm>> -> memref<40x128xi32, #tpu.memory_space<hbm>>
      %dma_start3A_66 = arith.constant 0 : i32
      %dma_start3A_67 = tpu.memref_slice %arg4[%add3A_45, %dma_start3A_66] : memref<2560x128xi32, #tpu.memory_space<hbm>> -> memref<40x128xi32, #tpu.memory_space<hbm>>
      tpu.enqueue_dma source(%dma_start3A_67 : memref<40x128xi32, #tpu.memory_space<hbm>>) target(%arg7 : memref<40x128xi32, #tpu.memory_space<vmem>>) target_semaphore(%run_scoped3A : memref<!tpu.dma_semaphore, #tpu.memory_space<semaphore_mem>>)
      %dma_wait3A = arith.constant 0 : i32
      %dma_wait3A_68 = tpu.memref_slice %arg4[%add3A_45, %dma_wait3A] : memref<2560x128xi32, #tpu.memory_space<hbm>> -> memref<40x128xi32, #tpu.memory_space<hbm>>
      %dma_wait3A_69 = arith.constant 0 : i32
      %dma_wait3A_70 = tpu.memref_slice %arg4[%add3A_45, %dma_wait3A_69] : memref<2560x128xi32, #tpu.memory_space<hbm>> -> memref<40x128xi32, #tpu.memory_space<hbm>>
      tpu.wait_dma2 semaphore(%run_scoped3A : memref<!tpu.dma_semaphore, #tpu.memory_space<semaphore_mem>>) src(%dma_wait3A_70 : memref<40x128xi32, #tpu.memory_space<hbm>>) dst(%arg7 : memref<40x128xi32, #tpu.memory_space<vmem>>)
      tpu.yield
    }) : () -> ()
    %dma_start3A_46 = arith.constant 0 : i32
    %dma_start3A_47 = arith.constant 0 : i32
    %dma_start3A_48 = tpu.memref_slice %arg6[%dma_start3A_46, %dma_start3A_47] : memref<40x128xi32, #tpu.memory_space<vmem>> -> memref<1x128xi32, #tpu.memory_space<vmem>>
    %dma_start3A_49 = tpu.memref_squeeze %dma_start3A_48 : memref<1x128xi32, #tpu.memory_space<vmem>> -> memref<128xi32, #tpu.memory_space<vmem>>
    %dma_start3A_50 = arith.constant 0 : i32
    %dma_start3A_51 = arith.constant 0 : i32
    %dma_start3A_52 = tpu.memref_slice %arg2[%dma_start3A_50, %dma_start3A_51] : memref<10240x128xf32, #tpu.memory_space<hbm>> -> memref<10240x128xf32, #tpu.memory_space<hbm>>
    tpu.enqueue_indirect_dma source(%dma_start3A_52 : memref<10240x128xf32, #tpu.memory_space<hbm>>) target(%arg9 : memref<128x128xf32, #tpu.memory_space<vmem>>) offsets(%dma_start3A_49 : memref<128xi32, #tpu.memory_space<vmem>>) semaphore(%arg11 : memref<!tpu.dma_semaphore, #tpu.memory_space<semaphore_mem>>)
    %scan3A_53 = arith.constant 0 : i32
    %scan3A_54 = arith.constant 0 : i32
    %scan3A_55 = arith.constant 20 : i32
    %scan3A_56 = arith.addi %scan3A_54, %scan3A_55 : i32
    %scan3A_57 = arith.constant 1 : i32
    scf.for %scan3A_64 = %scan3A_54 to %scan3A_56 step %scan3A_57  : i32 {
      %mul3A_65 = arith.constant 2 : i32
      %mul3A_66 = arith.muli %scan3A_64, %mul3A_65 : i32
      %add3A_67 = arith.constant 0 : i32
      %add3A_68 = arith.addi %mul3A_66, %add3A_67 : i32
      %dma_wait3A = arith.constant 0 : i32
      %dma_wait3A_69 = tpu.memref_slice %arg6[%add3A_68, %dma_wait3A] : memref<40x128xi32, #tpu.memory_space<vmem>> -> memref<1x128xi32, #tpu.memory_space<vmem>>
      %dma_wait3A_70 = tpu.memref_squeeze %dma_wait3A_69 : memref<1x128xi32, #tpu.memory_space<vmem>> -> memref<128xi32, #tpu.memory_space<vmem>>
      %dma_wait3A_71 = arith.constant 0 : i32
      %dma_wait3A_72 = arith.constant 0 : i32
      %dma_wait3A_73 = tpu.memref_slice %arg2[%dma_wait3A_71, %dma_wait3A_72] : memref<10240x128xf32, #tpu.memory_space<hbm>> -> memref<10240x128xf32, #tpu.memory_space<hbm>>
      tpu.wait_indirect_dma semaphore(%arg11 : memref<!tpu.dma_semaphore, #tpu.memory_space<semaphore_mem>>) src(%dma_wait3A_73 : memref<10240x128xf32, #tpu.memory_space<hbm>>) dst(%arg9 : memref<128x128xf32, #tpu.memory_space<vmem>>)
      %lt3A = arith.constant 39 : i32
      %lt3A_74 = arith.cmpi slt, %add3A_68, %lt3A : i32
      %convert_element_type3A = arith.extui %lt3A_74 : i1 to i32
      %cond3A = arith.constant 0 : i32
      %cond3A_75 = arith.cmpi ne, %convert_element_type3A, %cond3A : i32
      scf.if %cond3A_75 {
        %add3A_91 = arith.constant 1 : i32
        %add3A_92 = arith.addi %add3A_68, %add3A_91 : i32
        %dma_start3A_93 = arith.constant 0 : i32
        %dma_start3A_94 = tpu.memref_slice %arg6[%add3A_92, %dma_start3A_93] : memref<40x128xi32, #tpu.memory_space<vmem>> -> memref<1x128xi32, #tpu.memory_space<vmem>>
        %dma_start3A_95 = tpu.memref_squeeze %dma_start3A_94 : memref<1x128xi32, #tpu.memory_space<vmem>> -> memref<128xi32, #tpu.memory_space<vmem>>
        %dma_start3A_96 = arith.constant 0 : i32
        %dma_start3A_97 = arith.constant 0 : i32
        %dma_start3A_98 = tpu.memref_slice %arg2[%dma_start3A_96, %dma_start3A_97] : memref<10240x128xf32, #tpu.memory_space<hbm>> -> memref<10240x128xf32, #tpu.memory_space<hbm>>
        tpu.enqueue_indirect_dma source(%dma_start3A_98 : memref<10240x128xf32, #tpu.memory_space<hbm>>) target(%arg10 : memref<128x128xf32, #tpu.memory_space<vmem>>) offsets(%dma_start3A_95 : memref<128xi32, #tpu.memory_space<vmem>>) semaphore(%arg12 : memref<!tpu.dma_semaphore, #tpu.memory_space<semaphore_mem>>)
      } else {
      }
      "tpu.region"() ({
        %run_scoped3A = tpu.sem_alloc : memref<!tpu.dma_semaphore, #tpu.memory_space<semaphore_mem>>
        %dma_start3A_91 = arith.constant 0 : i32
        %dma_start3A_92 = tpu.memref_slice %arg7[%add3A_68, %dma_start3A_91] : memref<40x128xi32, #tpu.memory_space<vmem>> -> memref<1x128xi32, #tpu.memory_space<vmem>>
        %dma_start3A_93 = tpu.memref_squeeze %dma_start3A_92 : memref<1x128xi32, #tpu.memory_space<vmem>> -> memref<128xi32, #tpu.memory_space<vmem>>
        %dma_start3A_94 = arith.constant 0 : i32
        %dma_start3A_95 = arith.constant 0 : i32
        %dma_start3A_96 = tpu.memref_slice %arg8[%dma_start3A_94, %dma_start3A_95] : memref<10240x128xf32, #tpu.memory_space<vmem_shared>> -> memref<10240x128xf32, #tpu.memory_space<vmem_shared>>
        tpu.enqueue_indirect_dma source(%arg9 : memref<128x128xf32, #tpu.memory_space<vmem>>) target(%dma_start3A_96 : memref<10240x128xf32, #tpu.memory_space<vmem_shared>>) offsets(%dma_start3A_93 : memref<128xi32, #tpu.memory_space<vmem>>) semaphore(%run_scoped3A : memref<!tpu.dma_semaphore, #tpu.memory_space<semaphore_mem>>) {add = true}
        %dma_wait3A_97 = arith.constant 0 : i32
        %dma_wait3A_98 = tpu.memref_slice %arg7[%add3A_68, %dma_wait3A_97] : memref<40x128xi32, #tpu.memory_space<vmem>> -> memref<1x128xi32, #tpu.memory_space<vmem>>
        %dma_wait3A_99 = tpu.memref_squeeze %dma_wait3A_98 : memref<1x128xi32, #tpu.memory_space<vmem>> -> memref<128xi32, #tpu.memory_space<vmem>>
        %dma_wait3A_100 = arith.constant 0 : i32
        %dma_wait3A_101 = arith.constant 0 : i32
        %dma_wait3A_102 = tpu.memref_slice %arg8[%dma_wait3A_100, %dma_wait3A_101] : memref<10240x128xf32, #tpu.memory_space<vmem_shared>> -> memref<10240x128xf32, #tpu.memory_space<vmem_shared>>
        tpu.wait_indirect_dma semaphore(%run_scoped3A : memref<!tpu.dma_semaphore, #tpu.memory_space<semaphore_mem>>) src(%arg9 : memref<128x128xf32, #tpu.memory_space<vmem>>) dst(%dma_wait3A_102 : memref<10240x128xf32, #tpu.memory_space<vmem_shared>>)
        tpu.yield
      }) : () -> ()
      %mul3A_76 = arith.constant 2 : i32
      %mul3A_77 = arith.muli %scan3A_64, %mul3A_76 : i32
      %add3A_78 = arith.constant 1 : i32
      %add3A_79 = arith.addi %mul3A_77, %add3A_78 : i32
      %dma_wait3A_80 = arith.constant 0 : i32
      %dma_wait3A_81 = tpu.memref_slice %arg6[%add3A_79, %dma_wait3A_80] : memref<40x128xi32, #tpu.memory_space<vmem>> -> memref<1x128xi32, #tpu.memory_space<vmem>>
      %dma_wait3A_82 = tpu.memref_squeeze %dma_wait3A_81 : memref<1x128xi32, #tpu.memory_space<vmem>> -> memref<128xi32, #tpu.memory_space<vmem>>
      %dma_wait3A_83 = arith.constant 0 : i32
      %dma_wait3A_84 = arith.constant 0 : i32
      %dma_wait3A_85 = tpu.memref_slice %arg2[%dma_wait3A_83, %dma_wait3A_84] : memref<10240x128xf32, #tpu.memory_space<hbm>> -> memref<10240x128xf32, #tpu.memory_space<hbm>>
      tpu.wait_indirect_dma semaphore(%arg12 : memref<!tpu.dma_semaphore, #tpu.memory_space<semaphore_mem>>) src(%dma_wait3A_85 : memref<10240x128xf32, #tpu.memory_space<hbm>>) dst(%arg10 : memref<128x128xf32, #tpu.memory_space<vmem>>)
      %lt3A_86 = arith.constant 39 : i32
      %lt3A_87 = arith.cmpi slt, %add3A_79, %lt3A_86 : i32
      %convert_element_type3A_88 = arith.extui %lt3A_87 : i1 to i32
      %cond3A_89 = arith.constant 0 : i32
      %cond3A_90 = arith.cmpi ne, %convert_element_type3A_88, %cond3A_89 : i32
      scf.if %cond3A_90 {
        %add3A_91 = arith.constant 1 : i32
        %add3A_92 = arith.addi %add3A_79, %add3A_91 : i32
        %dma_start3A_93 = arith.constant 0 : i32
        %dma_start3A_94 = tpu.memref_slice %arg6[%add3A_92, %dma_start3A_93] : memref<40x128xi32, #tpu.memory_space<vmem>> -> memref<1x128xi32, #tpu.memory_space<vmem>>
        %dma_start3A_95 = tpu.memref_squeeze %dma_start3A_94 : memref<1x128xi32, #tpu.memory_space<vmem>> -> memref<128xi32, #tpu.memory_space<vmem>>
        %dma_start3A_96 = arith.constant 0 : i32
        %dma_start3A_97 = arith.constant 0 : i32
        %dma_start3A_98 = tpu.memref_slice %arg2[%dma_start3A_96, %dma_start3A_97] : memref<10240x128xf32, #tpu.memory_space<hbm>> -> memref<10240x128xf32, #tpu.memory_space<hbm>>
        tpu.enqueue_indirect_dma source(%dma_start3A_98 : memref<10240x128xf32, #tpu.memory_space<hbm>>) target(%arg9 : memref<128x128xf32, #tpu.memory_space<vmem>>) offsets(%dma_start3A_95 : memref<128xi32, #tpu.memory_space<vmem>>) semaphore(%arg11 : memref<!tpu.dma_semaphore, #tpu.memory_space<semaphore_mem>>)
      } else {
      }
      "tpu.region"() ({
        %run_scoped3A = tpu.sem_alloc : memref<!tpu.dma_semaphore, #tpu.memory_space<semaphore_mem>>
        %dma_start3A_91 = arith.constant 0 : i32
        %dma_start3A_92 = tpu.memref_slice %arg7[%add3A_79, %dma_start3A_91] : memref<40x128xi32, #tpu.memory_space<vmem>> -> memref<1x128xi32, #tpu.memory_space<vmem>>
        %dma_start3A_93 = tpu.memref_squeeze %dma_start3A_92 : memref<1x128xi32, #tpu.memory_space<vmem>> -> memref<128xi32, #tpu.memory_space<vmem>>
        %dma_start3A_94 = arith.constant 0 : i32
        %dma_start3A_95 = arith.constant 0 : i32
        %dma_start3A_96 = tpu.memref_slice %arg8[%dma_start3A_94, %dma_start3A_95] : memref<10240x128xf32, #tpu.memory_space<vmem_shared>> -> memref<10240x128xf32, #tpu.memory_space<vmem_shared>>
        tpu.enqueue_indirect_dma source(%arg10 : memref<128x128xf32, #tpu.memory_space<vmem>>) target(%dma_start3A_96 : memref<10240x128xf32, #tpu.memory_space<vmem_shared>>) offsets(%dma_start3A_93 : memref<128xi32, #tpu.memory_space<vmem>>) semaphore(%run_scoped3A : memref<!tpu.dma_semaphore, #tpu.memory_space<semaphore_mem>>) {add = true}
        %dma_wait3A_97 = arith.constant 0 : i32
        %dma_wait3A_98 = tpu.memref_slice %arg7[%add3A_79, %dma_wait3A_97] : memref<40x128xi32, #tpu.memory_space<vmem>> -> memref<1x128xi32, #tpu.memory_space<vmem>>
        %dma_wait3A_99 = tpu.memref_squeeze %dma_wait3A_98 : memref<1x128xi32, #tpu.memory_space<vmem>> -> memref<128xi32, #tpu.memory_space<vmem>>
        %dma_wait3A_100 = arith.constant 0 : i32
        %dma_wait3A_101 = arith.constant 0 : i32
        %dma_wait3A_102 = tpu.memref_slice %arg8[%dma_wait3A_100, %dma_wait3A_101] : memref<10240x128xf32, #tpu.memory_space<vmem_shared>> -> memref<10240x128xf32, #tpu.memory_space<vmem_shared>>
        tpu.wait_indirect_dma semaphore(%run_scoped3A : memref<!tpu.dma_semaphore, #tpu.memory_space<semaphore_mem>>) src(%arg10 : memref<128x128xf32, #tpu.memory_space<vmem>>) dst(%dma_wait3A_102 : memref<10240x128xf32, #tpu.memory_space<vmem_shared>>)
        tpu.yield
      }) : () -> ()
    }
    %scan3A_58 = arith.constant 20 : i32
    %barrier3A_59 = arith.constant 0 : index
    tpu.barrier barrier_id(%barrier3A_59)
    %mul3A_60 = arith.constant 640 : i32
    %mul3A_61 = arith.muli %arg1, %mul3A_60 : i32
    %mul3A_62 = arith.constant 640 : i32
    %mul3A_63 = arith.muli %arg1, %mul3A_62 : i32
    "tpu.region"() ({
      %run_scoped3A = tpu.sem_alloc : memref<!tpu.dma_semaphore, #tpu.memory_space<semaphore_mem>>
      %dma_start3A_64 = arith.constant 0 : i32
      %dma_start3A_65 = tpu.memref_slice %arg5[%arg0, %mul3A_63, %dma_start3A_64] : memref<2x10240x128xf32, #tpu.memory_space<hbm>> -> memref<1x640x128xf32, #tpu.memory_space<hbm>>
      %dma_start3A_66 = tpu.memref_squeeze %dma_start3A_65 : memref<1x640x128xf32, #tpu.memory_space<hbm>> -> memref<640x128xf32, #tpu.memory_space<hbm>>
      %dma_start3A_67 = arith.constant 0 : i32
      %dma_start3A_68 = tpu.memref_slice %arg8[%mul3A_61, %dma_start3A_67] : memref<10240x128xf32, #tpu.memory_space<vmem_shared>> -> memref<640x128xf32, #tpu.memory_space<vmem_shared>>
      tpu.enqueue_dma source(%dma_start3A_68 : memref<640x128xf32, #tpu.memory_space<vmem_shared>>) target(%dma_start3A_66 : memref<640x128xf32, #tpu.memory_space<hbm>>) target_semaphore(%run_scoped3A : memref<!tpu.dma_semaphore, #tpu.memory_space<semaphore_mem>>)
      %dma_wait3A = arith.constant 0 : i32
      %dma_wait3A_69 = tpu.memref_slice %arg5[%arg0, %mul3A_63, %dma_wait3A] : memref<2x10240x128xf32, #tpu.memory_space<hbm>> -> memref<1x640x128xf32, #tpu.memory_space<hbm>>
      %dma_wait3A_70 = tpu.memref_squeeze %dma_wait3A_69 : memref<1x640x128xf32, #tpu.memory_space<hbm>> -> memref<640x128xf32, #tpu.memory_space<hbm>>
      %dma_wait3A_71 = arith.constant 0 : i32
      %dma_wait3A_72 = tpu.memref_slice %arg8[%mul3A_61, %dma_wait3A_71] : memref<10240x128xf32, #tpu.memory_space<vmem_shared>> -> memref<640x128xf32, #tpu.memory_space<vmem_shared>>
      tpu.wait_dma2 semaphore(%run_scoped3A : memref<!tpu.dma_semaphore, #tpu.memory_space<semaphore_mem>>) src(%dma_wait3A_72 : memref<640x128xf32, #tpu.memory_space<vmem_shared>>) dst(%dma_wait3A_70 : memref<640x128xf32, #tpu.memory_space<hbm>>)
      tpu.yield
    }) : () -> ()
    return
  }
}

#map = affine_map<(d0, d1) -> (0, 0)>
#map1 = affine_map<(d0, d1) -> (0, 0, 0)>
module attributes {stable_mosaic.version = 14 : i64} {
  func.func @_sc_degree(%arg0: i32, %arg1: i32, %arg2: memref<2560x128xi32, #tpu.memory_space<hbm>>, %arg3: memref<2x80x128xf32, #tpu.memory_space<hbm>>, %arg4: memref<80x128xi32, #tpu.memory_space<vmem>>, %arg5: memref<80x128xf32, #tpu.memory_space<vmem>>, %arg6: memref<80xi32, #tpu.memory_space<vmem>>, %arg7: memref<80x128xf32, #tpu.memory_space<vmem_shared>>) attributes {dimension_semantics = [#tpu.dimension_semantics<core_parallel>, #tpu.dimension_semantics<subcore_parallel>], iteration_bounds = array<i64: 2, 16>, scalar_prefetch = 0 : i64, scratch_operands = 4 : i64, tpu.core_type = #tpu.core_type<sc_vector_subcore>, window_params = [{transform_indices = #map}, {transform_indices = #map1}]} {
    %mul3A = arith.constant 2 : i32
    %mul3A_0 = arith.muli %arg1, %mul3A : i32
    %add3A = arith.addi %mul3A_0, %arg0 : i32
    %mul3A_1 = arith.constant 80 : i32
    %mul3A_2 = arith.muli %add3A, %mul3A_1 : i32
    "tpu.region"() ({
      %run_scoped3A = tpu.sem_alloc : memref<!tpu.dma_semaphore, #tpu.memory_space<semaphore_mem>>
      %dma_start3A = arith.constant 0 : i32
      %dma_start3A_51 = tpu.memref_slice %arg2[%mul3A_2, %dma_start3A] : memref<2560x128xi32, #tpu.memory_space<hbm>> -> memref<80x128xi32, #tpu.memory_space<hbm>>
      %dma_start3A_52 = arith.constant 0 : i32
      %dma_start3A_53 = tpu.memref_slice %arg2[%mul3A_2, %dma_start3A_52] : memref<2560x128xi32, #tpu.memory_space<hbm>> -> memref<80x128xi32, #tpu.memory_space<hbm>>
      tpu.enqueue_dma source(%dma_start3A_53 : memref<80x128xi32, #tpu.memory_space<hbm>>) target(%arg4 : memref<80x128xi32, #tpu.memory_space<vmem>>) target_semaphore(%run_scoped3A : memref<!tpu.dma_semaphore, #tpu.memory_space<semaphore_mem>>)
      %dma_wait3A = arith.constant 0 : i32
      %dma_wait3A_54 = tpu.memref_slice %arg2[%mul3A_2, %dma_wait3A] : memref<2560x128xi32, #tpu.memory_space<hbm>> -> memref<80x128xi32, #tpu.memory_space<hbm>>
      %dma_wait3A_55 = arith.constant 0 : i32
      %dma_wait3A_56 = tpu.memref_slice %arg2[%mul3A_2, %dma_wait3A_55] : memref<2560x128xi32, #tpu.memory_space<hbm>> -> memref<80x128xi32, #tpu.memory_space<hbm>>
      tpu.wait_dma2 semaphore(%run_scoped3A : memref<!tpu.dma_semaphore, #tpu.memory_space<semaphore_mem>>) src(%dma_wait3A_56 : memref<80x128xi32, #tpu.memory_space<hbm>>) dst(%arg4 : memref<80x128xi32, #tpu.memory_space<vmem>>)
      tpu.yield
    }) : () -> ()
    %scan3A = arith.constant 0 : i32
    %scan3A_3 = arith.constant 0 : i32
    %scan3A_4 = arith.constant 80 : i32
    %scan3A_5 = arith.addi %scan3A_3, %scan3A_4 : i32
    %scan3A_6 = arith.constant 1 : i32
    scf.for %scan3A_51 = %scan3A_3 to %scan3A_5 step %scan3A_6  : i32 {
      %broadcast_in_dim3A_52 = arith.constant 0.000000e+00 : f32
      %broadcast_in_dim3A_53 = vector.broadcast %broadcast_in_dim3A_52 : f32 to vector<16xf32>
      %swap3A_54 = arith.index_cast %scan3A_51 : i32 to index
      %swap3A_55 = arith.constant 0 : index
      %swap3A_56 = tpu.vector_load %arg5[%swap3A_54, %swap3A_55] {strides = array<i32>} : memref<80x128xf32, #tpu.memory_space<vmem>>, vector<16xf32>,
      tpu.vector_store %arg5[%swap3A_54, %swap3A_55], %broadcast_in_dim3A_53 {strides = array<i32>} : memref<80x128xf32, #tpu.memory_space<vmem>>, vector<16xf32>,
      %broadcast_in_dim3A_57 = arith.constant 0.000000e+00 : f32
      %broadcast_in_dim3A_58 = vector.broadcast %broadcast_in_dim3A_57 : f32 to vector<16xf32>
      %swap3A_59 = arith.index_cast %scan3A_51 : i32 to index
      %swap3A_60 = arith.constant 16 : index
      %swap3A_61 = tpu.vector_load %arg5[%swap3A_59, %swap3A_60] {strides = array<i32>} : memref<80x128xf32, #tpu.memory_space<vmem>>, vector<16xf32>,
      tpu.vector_store %arg5[%swap3A_59, %swap3A_60], %broadcast_in_dim3A_58 {strides = array<i32>} : memref<80x128xf32, #tpu.memory_space<vmem>>, vector<16xf32>,
      %broadcast_in_dim3A_62 = arith.constant 0.000000e+00 : f32
      %broadcast_in_dim3A_63 = vector.broadcast %broadcast_in_dim3A_62 : f32 to vector<16xf32>
      %swap3A_64 = arith.index_cast %scan3A_51 : i32 to index
      %swap3A_65 = arith.constant 32 : index
      %swap3A_66 = tpu.vector_load %arg5[%swap3A_64, %swap3A_65] {strides = array<i32>} : memref<80x128xf32, #tpu.memory_space<vmem>>, vector<16xf32>,
      tpu.vector_store %arg5[%swap3A_64, %swap3A_65], %broadcast_in_dim3A_63 {strides = array<i32>} : memref<80x128xf32, #tpu.memory_space<vmem>>, vector<16xf32>,
      %broadcast_in_dim3A_67 = arith.constant 0.000000e+00 : f32
      %broadcast_in_dim3A_68 = vector.broadcast %broadcast_in_dim3A_67 : f32 to vector<16xf32>
      %swap3A_69 = arith.index_cast %scan3A_51 : i32 to index
      %swap3A_70 = arith.constant 48 : index
      %swap3A_71 = tpu.vector_load %arg5[%swap3A_69, %swap3A_70] {strides = array<i32>} : memref<80x128xf32, #tpu.memory_space<vmem>>, vector<16xf32>,
      tpu.vector_store %arg5[%swap3A_69, %swap3A_70], %broadcast_in_dim3A_68 {strides = array<i32>} : memref<80x128xf32, #tpu.memory_space<vmem>>, vector<16xf32>,
      %broadcast_in_dim3A_72 = arith.constant 0.000000e+00 : f32
      %broadcast_in_dim3A_73 = vector.broadcast %broadcast_in_dim3A_72 : f32 to vector<16xf32>
      %swap3A_74 = arith.index_cast %scan3A_51 : i32 to index
      %swap3A_75 = arith.constant 64 : index
      %swap3A_76 = tpu.vector_load %arg5[%swap3A_74, %swap3A_75] {strides = array<i32>} : memref<80x128xf32, #tpu.memory_space<vmem>>, vector<16xf32>,
      tpu.vector_store %arg5[%swap3A_74, %swap3A_75], %broadcast_in_dim3A_73 {strides = array<i32>} : memref<80x128xf32, #tpu.memory_space<vmem>>, vector<16xf32>,
      %broadcast_in_dim3A_77 = arith.constant 0.000000e+00 : f32
      %broadcast_in_dim3A_78 = vector.broadcast %broadcast_in_dim3A_77 : f32 to vector<16xf32>
      %swap3A_79 = arith.index_cast %scan3A_51 : i32 to index
      %swap3A_80 = arith.constant 80 : index
      %swap3A_81 = tpu.vector_load %arg5[%swap3A_79, %swap3A_80] {strides = array<i32>} : memref<80x128xf32, #tpu.memory_space<vmem>>, vector<16xf32>,
      tpu.vector_store %arg5[%swap3A_79, %swap3A_80], %broadcast_in_dim3A_78 {strides = array<i32>} : memref<80x128xf32, #tpu.memory_space<vmem>>, vector<16xf32>,
      %broadcast_in_dim3A_82 = arith.constant 0.000000e+00 : f32
      %broadcast_in_dim3A_83 = vector.broadcast %broadcast_in_dim3A_82 : f32 to vector<16xf32>
      %swap3A_84 = arith.index_cast %scan3A_51 : i32 to index
      %swap3A_85 = arith.constant 96 : index
      %swap3A_86 = tpu.vector_load %arg5[%swap3A_84, %swap3A_85] {strides = array<i32>} : memref<80x128xf32, #tpu.memory_space<vmem>>, vector<16xf32>,
      tpu.vector_store %arg5[%swap3A_84, %swap3A_85], %broadcast_in_dim3A_83 {strides = array<i32>} : memref<80x128xf32, #tpu.memory_space<vmem>>, vector<16xf32>,
      %broadcast_in_dim3A_87 = arith.constant 0.000000e+00 : f32
      %broadcast_in_dim3A_88 = vector.broadcast %broadcast_in_dim3A_87 : f32 to vector<16xf32>
      %swap3A_89 = arith.index_cast %scan3A_51 : i32 to index
      %swap3A_90 = arith.constant 112 : index
      %swap3A_91 = tpu.vector_load %arg5[%swap3A_89, %swap3A_90] {strides = array<i32>} : memref<80x128xf32, #tpu.memory_space<vmem>>, vector<16xf32>,
      tpu.vector_store %arg5[%swap3A_89, %swap3A_90], %broadcast_in_dim3A_88 {strides = array<i32>} : memref<80x128xf32, #tpu.memory_space<vmem>>, vector<16xf32>,
    }
    %scan3A_7 = arith.constant 80 : i32
    %iota3A = tpu.iota {dimensions = array<i32: 0>} : vector<16xi32>
    %add3A_8 = arith.constant 0 : i32
    %add3A_9 = vector.broadcast %add3A_8 : i32 to vector<16xi32>
    %add3A_10 = arith.addi %iota3A, %add3A_9 : vector<16xi32>
    %swap3A = arith.constant 0 : index
    %swap3A_11 = tpu.vector_load %arg6[%swap3A] {strides = array<i32>} : memref<80xi32, #tpu.memory_space<vmem>>, vector<16xi32>,
    tpu.vector_store %arg6[%swap3A], %add3A_10 {strides = array<i32>} : memref<80xi32, #tpu.memory_space<vmem>>, vector<16xi32>,
    %iota3A_12 = tpu.iota {dimensions = array<i32: 0>} : vector<16xi32>
    %add3A_13 = arith.constant 16 : i32
    %add3A_14 = vector.broadcast %add3A_13 : i32 to vector<16xi32>
    %add3A_15 = arith.addi %iota3A_12, %add3A_14 : vector<16xi32>
    %swap3A_16 = arith.constant 16 : index
    %swap3A_17 = tpu.vector_load %arg6[%swap3A_16] {strides = array<i32>} : memref<80xi32, #tpu.memory_space<vmem>>, vector<16xi32>,
    tpu.vector_store %arg6[%swap3A_16], %add3A_15 {strides = array<i32>} : memref<80xi32, #tpu.memory_space<vmem>>, vector<16xi32>,
    %iota3A_18 = tpu.iota {dimensions = array<i32: 0>} : vector<16xi32>
    %add3A_19 = arith.constant 32 : i32
    %add3A_20 = vector.broadcast %add3A_19 : i32 to vector<16xi32>
    %add3A_21 = arith.addi %iota3A_18, %add3A_20 : vector<16xi32>
    %swap3A_22 = arith.constant 32 : index
    %swap3A_23 = tpu.vector_load %arg6[%swap3A_22] {strides = array<i32>} : memref<80xi32, #tpu.memory_space<vmem>>, vector<16xi32>,
    tpu.vector_store %arg6[%swap3A_22], %add3A_21 {strides = array<i32>} : memref<80xi32, #tpu.memory_space<vmem>>, vector<16xi32>,
    %iota3A_24 = tpu.iota {dimensions = array<i32: 0>} : vector<16xi32>
    %add3A_25 = arith.constant 48 : i32
    %add3A_26 = vector.broadcast %add3A_25 : i32 to vector<16xi32>
    %add3A_27 = arith.addi %iota3A_24, %add3A_26 : vector<16xi32>
    %swap3A_28 = arith.constant 48 : index
    %swap3A_29 = tpu.vector_load %arg6[%swap3A_28] {strides = array<i32>} : memref<80xi32, #tpu.memory_space<vmem>>, vector<16xi32>,
    tpu.vector_store %arg6[%swap3A_28], %add3A_27 {strides = array<i32>} : memref<80xi32, #tpu.memory_space<vmem>>, vector<16xi32>,
    %iota3A_30 = tpu.iota {dimensions = array<i32: 0>} : vector<16xi32>
    %add3A_31 = arith.constant 64 : i32
    %add3A_32 = vector.broadcast %add3A_31 : i32 to vector<16xi32>
    %add3A_33 = arith.addi %iota3A_30, %add3A_32 : vector<16xi32>
    %swap3A_34 = arith.constant 64 : index
    %swap3A_35 = tpu.vector_load %arg6[%swap3A_34] {strides = array<i32>} : memref<80xi32, #tpu.memory_space<vmem>>, vector<16xi32>,
    tpu.vector_store %arg6[%swap3A_34], %add3A_33 {strides = array<i32>} : memref<80xi32, #tpu.memory_space<vmem>>, vector<16xi32>,
    %eq3A = arith.constant 0 : i32
    %eq3A_36 = arith.cmpi eq, %arg1, %eq3A : i32
    %convert_element_type3A = arith.extui %eq3A_36 : i1 to i32
    %cond3A = arith.constant 0 : i32
    %cond3A_37 = arith.cmpi ne, %convert_element_type3A, %cond3A : i32
    scf.if %cond3A_37 {
      "tpu.region"() ({
        %run_scoped3A = tpu.sem_alloc : memref<!tpu.dma_semaphore, #tpu.memory_space<semaphore_mem>>
        tpu.enqueue_dma source(%arg5 : memref<80x128xf32, #tpu.memory_space<vmem>>) target(%arg7 : memref<80x128xf32, #tpu.memory_space<vmem_shared>>) target_semaphore(%run_scoped3A : memref<!tpu.dma_semaphore, #tpu.memory_space<semaphore_mem>>)
        tpu.wait_dma2 semaphore(%run_scoped3A : memref<!tpu.dma_semaphore, #tpu.memory_space<semaphore_mem>>) src(%arg5 : memref<80x128xf32, #tpu.memory_space<vmem>>) dst(%arg7 : memref<80x128xf32, #tpu.memory_space<vmem_shared>>)
        tpu.yield
      }) : () -> ()
    } else {
    }
    %broadcast_in_dim3A = arith.constant 1.000000e+00 : f32
    %broadcast_in_dim3A_38 = vector.broadcast %broadcast_in_dim3A : f32 to vector<16xf32>
    %scan3A_39 = arith.constant 0 : i32
    %scan3A_40 = arith.constant 0 : i32
    %scan3A_41 = arith.constant 80 : i32
    %scan3A_42 = arith.addi %scan3A_40, %scan3A_41 : i32
    %scan3A_43 = arith.constant 1 : i32
    scf.for %scan3A_51 = %scan3A_40 to %scan3A_42 step %scan3A_43  : i32 {
      %get3A = arith.index_cast %scan3A_51 : i32 to index
      %get3A_52 = arith.constant 0 : index
      %get3A_53 = tpu.vector_load %arg4[%get3A, %get3A_52] {strides = array<i32>} : memref<80x128xi32, #tpu.memory_space<vmem>>, vector<16xi32>,
      %shift_right_arithmetic3A = arith.constant 7 : i32
      %shift_right_arithmetic3A_54 = vector.broadcast %shift_right_arithmetic3A : i32 to vector<16xi32>
      %shift_right_arithmetic3A_55 = arith.shrsi %get3A_53, %shift_right_arithmetic3A_54 : vector<16xi32>
      %and3A = arith.constant 127 : i32
      %and3A_56 = vector.broadcast %and3A : i32 to vector<16xi32>
      %and3A_57 = arith.andi %get3A_53, %and3A_56 : vector<16xi32>
      tpu.vector_store_idx %arg5[%shift_right_arithmetic3A_55, %and3A_57], %broadcast_in_dim3A_38 {add = true} : memref<80x128xf32, #tpu.memory_space<vmem>>[vector<16xi32>, vector<16xi32>], vector<16xf32>,
      %get3A_58 = arith.index_cast %scan3A_51 : i32 to index
      %get3A_59 = arith.constant 16 : index
      %get3A_60 = tpu.vector_load %arg4[%get3A_58, %get3A_59] {strides = array<i32>} : memref<80x128xi32, #tpu.memory_space<vmem>>, vector<16xi32>,
      %shift_right_arithmetic3A_61 = arith.constant 7 : i32
      %shift_right_arithmetic3A_62 = vector.broadcast %shift_right_arithmetic3A_61 : i32 to vector<16xi32>
      %shift_right_arithmetic3A_63 = arith.shrsi %get3A_60, %shift_right_arithmetic3A_62 : vector<16xi32>
      %and3A_64 = arith.constant 127 : i32
      %and3A_65 = vector.broadcast %and3A_64 : i32 to vector<16xi32>
      %and3A_66 = arith.andi %get3A_60, %and3A_65 : vector<16xi32>
      tpu.vector_store_idx %arg5[%shift_right_arithmetic3A_63, %and3A_66], %broadcast_in_dim3A_38 {add = true} : memref<80x128xf32, #tpu.memory_space<vmem>>[vector<16xi32>, vector<16xi32>], vector<16xf32>,
      %get3A_67 = arith.index_cast %scan3A_51 : i32 to index
      %get3A_68 = arith.constant 32 : index
      %get3A_69 = tpu.vector_load %arg4[%get3A_67, %get3A_68] {strides = array<i32>} : memref<80x128xi32, #tpu.memory_space<vmem>>, vector<16xi32>,
      %shift_right_arithmetic3A_70 = arith.constant 7 : i32
      %shift_right_arithmetic3A_71 = vector.broadcast %shift_right_arithmetic3A_70 : i32 to vector<16xi32>
      %shift_right_arithmetic3A_72 = arith.shrsi %get3A_69, %shift_right_arithmetic3A_71 : vector<16xi32>
      %and3A_73 = arith.constant 127 : i32
      %and3A_74 = vector.broadcast %and3A_73 : i32 to vector<16xi32>
      %and3A_75 = arith.andi %get3A_69, %and3A_74 : vector<16xi32>
      tpu.vector_store_idx %arg5[%shift_right_arithmetic3A_72, %and3A_75], %broadcast_in_dim3A_38 {add = true} : memref<80x128xf32, #tpu.memory_space<vmem>>[vector<16xi32>, vector<16xi32>], vector<16xf32>,
      %get3A_76 = arith.index_cast %scan3A_51 : i32 to index
      %get3A_77 = arith.constant 48 : index
      %get3A_78 = tpu.vector_load %arg4[%get3A_76, %get3A_77] {strides = array<i32>} : memref<80x128xi32, #tpu.memory_space<vmem>>, vector<16xi32>,
      %shift_right_arithmetic3A_79 = arith.constant 7 : i32
      %shift_right_arithmetic3A_80 = vector.broadcast %shift_right_arithmetic3A_79 : i32 to vector<16xi32>
      %shift_right_arithmetic3A_81 = arith.shrsi %get3A_78, %shift_right_arithmetic3A_80 : vector<16xi32>
      %and3A_82 = arith.constant 127 : i32
      %and3A_83 = vector.broadcast %and3A_82 : i32 to vector<16xi32>
      %and3A_84 = arith.andi %get3A_78, %and3A_83 : vector<16xi32>
      tpu.vector_store_idx %arg5[%shift_right_arithmetic3A_81, %and3A_84], %broadcast_in_dim3A_38 {add = true} : memref<80x128xf32, #tpu.memory_space<vmem>>[vector<16xi32>, vector<16xi32>], vector<16xf32>,
      %get3A_85 = arith.index_cast %scan3A_51 : i32 to index
      %get3A_86 = arith.constant 64 : index
      %get3A_87 = tpu.vector_load %arg4[%get3A_85, %get3A_86] {strides = array<i32>} : memref<80x128xi32, #tpu.memory_space<vmem>>, vector<16xi32>,
      %shift_right_arithmetic3A_88 = arith.constant 7 : i32
      %shift_right_arithmetic3A_89 = vector.broadcast %shift_right_arithmetic3A_88 : i32 to vector<16xi32>
      %shift_right_arithmetic3A_90 = arith.shrsi %get3A_87, %shift_right_arithmetic3A_89 : vector<16xi32>
      %and3A_91 = arith.constant 127 : i32
      %and3A_92 = vector.broadcast %and3A_91 : i32 to vector<16xi32>
      %and3A_93 = arith.andi %get3A_87, %and3A_92 : vector<16xi32>
      tpu.vector_store_idx %arg5[%shift_right_arithmetic3A_90, %and3A_93], %broadcast_in_dim3A_38 {add = true} : memref<80x128xf32, #tpu.memory_space<vmem>>[vector<16xi32>, vector<16xi32>], vector<16xf32>,
      %get3A_94 = arith.index_cast %scan3A_51 : i32 to index
      %get3A_95 = arith.constant 80 : index
      %get3A_96 = tpu.vector_load %arg4[%get3A_94, %get3A_95] {strides = array<i32>} : memref<80x128xi32, #tpu.memory_space<vmem>>, vector<16xi32>,
      %shift_right_arithmetic3A_97 = arith.constant 7 : i32
      %shift_right_arithmetic3A_98 = vector.broadcast %shift_right_arithmetic3A_97 : i32 to vector<16xi32>
      %shift_right_arithmetic3A_99 = arith.shrsi %get3A_96, %shift_right_arithmetic3A_98 : vector<16xi32>
      %and3A_100 = arith.constant 127 : i32
      %and3A_101 = vector.broadcast %and3A_100 : i32 to vector<16xi32>
      %and3A_102 = arith.andi %get3A_96, %and3A_101 : vector<16xi32>
      tpu.vector_store_idx %arg5[%shift_right_arithmetic3A_99, %and3A_102], %broadcast_in_dim3A_38 {add = true} : memref<80x128xf32, #tpu.memory_space<vmem>>[vector<16xi32>, vector<16xi32>], vector<16xf32>,
      %get3A_103 = arith.index_cast %scan3A_51 : i32 to index
      %get3A_104 = arith.constant 96 : index
      %get3A_105 = tpu.vector_load %arg4[%get3A_103, %get3A_104] {strides = array<i32>} : memref<80x128xi32, #tpu.memory_space<vmem>>, vector<16xi32>,
      %shift_right_arithmetic3A_106 = arith.constant 7 : i32
      %shift_right_arithmetic3A_107 = vector.broadcast %shift_right_arithmetic3A_106 : i32 to vector<16xi32>
      %shift_right_arithmetic3A_108 = arith.shrsi %get3A_105, %shift_right_arithmetic3A_107 : vector<16xi32>
      %and3A_109 = arith.constant 127 : i32
      %and3A_110 = vector.broadcast %and3A_109 : i32 to vector<16xi32>
      %and3A_111 = arith.andi %get3A_105, %and3A_110 : vector<16xi32>
      tpu.vector_store_idx %arg5[%shift_right_arithmetic3A_108, %and3A_111], %broadcast_in_dim3A_38 {add = true} : memref<80x128xf32, #tpu.memory_space<vmem>>[vector<16xi32>, vector<16xi32>], vector<16xf32>,
      %get3A_112 = arith.index_cast %scan3A_51 : i32 to index
      %get3A_113 = arith.constant 112 : index
      %get3A_114 = tpu.vector_load %arg4[%get3A_112, %get3A_113] {strides = array<i32>} : memref<80x128xi32, #tpu.memory_space<vmem>>, vector<16xi32>,
      %shift_right_arithmetic3A_115 = arith.constant 7 : i32
      %shift_right_arithmetic3A_116 = vector.broadcast %shift_right_arithmetic3A_115 : i32 to vector<16xi32>
      %shift_right_arithmetic3A_117 = arith.shrsi %get3A_114, %shift_right_arithmetic3A_116 : vector<16xi32>
      %and3A_118 = arith.constant 127 : i32
      %and3A_119 = vector.broadcast %and3A_118 : i32 to vector<16xi32>
      %and3A_120 = arith.andi %get3A_114, %and3A_119 : vector<16xi32>
      tpu.vector_store_idx %arg5[%shift_right_arithmetic3A_117, %and3A_120], %broadcast_in_dim3A_38 {add = true} : memref<80x128xf32, #tpu.memory_space<vmem>>[vector<16xi32>, vector<16xi32>], vector<16xf32>,
    }
    %scan3A_44 = arith.constant 80 : i32
    %barrier3A = arith.constant 0 : index
    tpu.barrier barrier_id(%barrier3A)
    "tpu.region"() ({
      %run_scoped3A = tpu.sem_alloc : memref<!tpu.dma_semaphore, #tpu.memory_space<semaphore_mem>>
      %dma_start3A = arith.constant 0 : i32
      %dma_start3A_51 = arith.constant 0 : i32
      %dma_start3A_52 = tpu.memref_slice %arg7[%dma_start3A, %dma_start3A_51] : memref<80x128xf32, #tpu.memory_space<vmem_shared>> -> memref<80x128xf32, #tpu.memory_space<vmem_shared>>
      tpu.enqueue_indirect_dma source(%arg5 : memref<80x128xf32, #tpu.memory_space<vmem>>) target(%dma_start3A_52 : memref<80x128xf32, #tpu.memory_space<vmem_shared>>) offsets(%arg6 : memref<80xi32, #tpu.memory_space<vmem>>) semaphore(%run_scoped3A : memref<!tpu.dma_semaphore, #tpu.memory_space<semaphore_mem>>) {add = true}
      %dma_wait3A = arith.constant 0 : i32
      %dma_wait3A_53 = arith.constant 0 : i32
      %dma_wait3A_54 = tpu.memref_slice %arg7[%dma_wait3A, %dma_wait3A_53] : memref<80x128xf32, #tpu.memory_space<vmem_shared>> -> memref<80x128xf32, #tpu.memory_space<vmem_shared>>
      tpu.wait_indirect_dma semaphore(%run_scoped3A : memref<!tpu.dma_semaphore, #tpu.memory_space<semaphore_mem>>) src(%arg5 : memref<80x128xf32, #tpu.memory_space<vmem>>) dst(%dma_wait3A_54 : memref<80x128xf32, #tpu.memory_space<vmem_shared>>)
      tpu.yield
    }) : () -> ()
    %barrier3A_45 = arith.constant 0 : index
    tpu.barrier barrier_id(%barrier3A_45)
    %eq3A_46 = arith.constant 0 : i32
    %eq3A_47 = arith.cmpi eq, %arg1, %eq3A_46 : i32
    %convert_element_type3A_48 = arith.extui %eq3A_47 : i1 to i32
    %cond3A_49 = arith.constant 0 : i32
    %cond3A_50 = arith.cmpi ne, %convert_element_type3A_48, %cond3A_49 : i32
    scf.if %cond3A_50 {
      "tpu.region"() ({
        %run_scoped3A = tpu.sem_alloc : memref<!tpu.dma_semaphore, #tpu.memory_space<semaphore_mem>>
        %dma_start3A = arith.constant 0 : i32
        %dma_start3A_51 = arith.constant 0 : i32
        %dma_start3A_52 = tpu.memref_slice %arg3[%arg0, %dma_start3A, %dma_start3A_51] : memref<2x80x128xf32, #tpu.memory_space<hbm>> -> memref<1x80x128xf32, #tpu.memory_space<hbm>>
        %dma_start3A_53 = tpu.memref_squeeze %dma_start3A_52 : memref<1x80x128xf32, #tpu.memory_space<hbm>> -> memref<80x128xf32, #tpu.memory_space<hbm>>
        tpu.enqueue_dma source(%arg7 : memref<80x128xf32, #tpu.memory_space<vmem_shared>>) target(%dma_start3A_53 : memref<80x128xf32, #tpu.memory_space<hbm>>) target_semaphore(%run_scoped3A : memref<!tpu.dma_semaphore, #tpu.memory_space<semaphore_mem>>)
        %dma_wait3A = arith.constant 0 : i32
        %dma_wait3A_54 = arith.constant 0 : i32
        %dma_wait3A_55 = tpu.memref_slice %arg3[%arg0, %dma_wait3A, %dma_wait3A_54] : memref<2x80x128xf32, #tpu.memory_space<hbm>> -> memref<1x80x128xf32, #tpu.memory_space<hbm>>
        %dma_wait3A_56 = tpu.memref_squeeze %dma_wait3A_55 : memref<1x80x128xf32, #tpu.memory_space<hbm>> -> memref<80x128xf32, #tpu.memory_space<hbm>>
        tpu.wait_dma2 semaphore(%run_scoped3A : memref<!tpu.dma_semaphore, #tpu.memory_space<semaphore_mem>>) src(%arg7 : memref<80x128xf32, #tpu.memory_space<vmem_shared>>) dst(%dma_wait3A_56 : memref<80x128xf32, #tpu.memory_space<hbm>>)
        tpu.yield
      }) : () -> ()
    } else {
    }
    return
  }
}

#map = affine_map<(d0, d1) -> (0, 0)>
#map1 = affine_map<(d0, d1) -> (0, 0, 0)>
module attributes {stable_mosaic.version = 14 : i64} {
  func.func @_sc_aggregate(%arg0: i32, %arg1: i32, %arg2: memref<10240x128xf32, #tpu.memory_space<hbm>>, %arg3: memref<2560x128xi32, #tpu.memory_space<hbm>>, %arg4: memref<2560x128xi32, #tpu.memory_space<hbm>>, %arg5: memref<2x10240x128xf32, #tpu.memory_space<hbm>>, %arg6: memref<40x128xi32, #tpu.memory_space<vmem>>, %arg7: memref<40x128xi32, #tpu.memory_space<vmem>>, %arg8: memref<10240x128xf32, #tpu.memory_space<vmem_shared>>, %arg9: memref<128x128xf32, #tpu.memory_space<vmem>>, %arg10: memref<128x128xf32, #tpu.memory_space<vmem>>, %arg11: memref<!tpu.dma_semaphore, #tpu.memory_space<semaphore_mem>>, %arg12: memref<!tpu.dma_semaphore, #tpu.memory_space<semaphore_mem>>) attributes {dimension_semantics = [#tpu.dimension_semantics<core_parallel>, #tpu.dimension_semantics<subcore_parallel>], iteration_bounds = array<i64: 2, 16>, scalar_prefetch = 0 : i64, scratch_operands = 7 : i64, tpu.core_type = #tpu.core_type<sc_vector_subcore>, window_params = [{transform_indices = #map}, {transform_indices = #map}, {transform_indices = #map}, {transform_indices = #map1}]} {
    %mul3A = arith.constant 2 : i32
    %mul3A_0 = arith.muli %arg1, %mul3A : i32
    %add3A = arith.addi %mul3A_0, %arg0 : i32
    %scan3A = arith.constant 0 : i32
    %scan3A_1 = arith.constant 0 : i32
    %scan3A_2 = arith.constant 128 : i32
    %scan3A_3 = arith.addi %scan3A_1, %scan3A_2 : i32
    %scan3A_4 = arith.constant 1 : i32
    scf.for %scan3A_64 = %scan3A_1 to %scan3A_3 step %scan3A_4  : i32 {
      %broadcast_in_dim3A = arith.constant 0.000000e+00 : f32
      %broadcast_in_dim3A_65 = vector.broadcast %broadcast_in_dim3A : f32 to vector<16xf32>
      %swap3A = arith.index_cast %scan3A_64 : i32 to index
      %swap3A_66 = arith.constant 0 : index
      %swap3A_67 = tpu.vector_load %arg9[%swap3A, %swap3A_66] {strides = array<i32>} : memref<128x128xf32, #tpu.memory_space<vmem>>, vector<1x16xf32>,
      %swap3A_68 = vector.shape_cast %swap3A_67 : vector<1x16xf32> to vector<16xf32>
      %swap3A_69 = vector.shape_cast %broadcast_in_dim3A_65 : vector<16xf32> to vector<1x16xf32>
      tpu.vector_store %arg9[%swap3A, %swap3A_66], %swap3A_69 {strides = array<i32>} : memref<128x128xf32, #tpu.memory_space<vmem>>, vector<1x16xf32>,
      %broadcast_in_dim3A_70 = arith.constant 0.000000e+00 : f32
      %broadcast_in_dim3A_71 = vector.broadcast %broadcast_in_dim3A_70 : f32 to vector<16xf32>
      %swap3A_72 = arith.index_cast %scan3A_64 : i32 to index
      %swap3A_73 = arith.constant 16 : index
      %swap3A_74 = tpu.vector_load %arg9[%swap3A_72, %swap3A_73] {strides = array<i32>} : memref<128x128xf32, #tpu.memory_space<vmem>>, vector<1x16xf32>,
      %swap3A_75 = vector.shape_cast %swap3A_74 : vector<1x16xf32> to vector<16xf32>
      %swap3A_76 = vector.shape_cast %broadcast_in_dim3A_71 : vector<16xf32> to vector<1x16xf32>
      tpu.vector_store %arg9[%swap3A_72, %swap3A_73], %swap3A_76 {strides = array<i32>} : memref<128x128xf32, #tpu.memory_space<vmem>>, vector<1x16xf32>,
      %broadcast_in_dim3A_77 = arith.constant 0.000000e+00 : f32
      %broadcast_in_dim3A_78 = vector.broadcast %broadcast_in_dim3A_77 : f32 to vector<16xf32>
      %swap3A_79 = arith.index_cast %scan3A_64 : i32 to index
      %swap3A_80 = arith.constant 32 : index
      %swap3A_81 = tpu.vector_load %arg9[%swap3A_79, %swap3A_80] {strides = array<i32>} : memref<128x128xf32, #tpu.memory_space<vmem>>, vector<1x16xf32>,
      %swap3A_82 = vector.shape_cast %swap3A_81 : vector<1x16xf32> to vector<16xf32>
      %swap3A_83 = vector.shape_cast %broadcast_in_dim3A_78 : vector<16xf32> to vector<1x16xf32>
      tpu.vector_store %arg9[%swap3A_79, %swap3A_80], %swap3A_83 {strides = array<i32>} : memref<128x128xf32, #tpu.memory_space<vmem>>, vector<1x16xf32>,
      %broadcast_in_dim3A_84 = arith.constant 0.000000e+00 : f32
      %broadcast_in_dim3A_85 = vector.broadcast %broadcast_in_dim3A_84 : f32 to vector<16xf32>
      %swap3A_86 = arith.index_cast %scan3A_64 : i32 to index
      %swap3A_87 = arith.constant 48 : index
      %swap3A_88 = tpu.vector_load %arg9[%swap3A_86, %swap3A_87] {strides = array<i32>} : memref<128x128xf32, #tpu.memory_space<vmem>>, vector<1x16xf32>,
      %swap3A_89 = vector.shape_cast %swap3A_88 : vector<1x16xf32> to vector<16xf32>
      %swap3A_90 = vector.shape_cast %broadcast_in_dim3A_85 : vector<16xf32> to vector<1x16xf32>
      tpu.vector_store %arg9[%swap3A_86, %swap3A_87], %swap3A_90 {strides = array<i32>} : memref<128x128xf32, #tpu.memory_space<vmem>>, vector<1x16xf32>,
      %broadcast_in_dim3A_91 = arith.constant 0.000000e+00 : f32
      %broadcast_in_dim3A_92 = vector.broadcast %broadcast_in_dim3A_91 : f32 to vector<16xf32>
      %swap3A_93 = arith.index_cast %scan3A_64 : i32 to index
      %swap3A_94 = arith.constant 64 : index
      %swap3A_95 = tpu.vector_load %arg9[%swap3A_93, %swap3A_94] {strides = array<i32>} : memref<128x128xf32, #tpu.memory_space<vmem>>, vector<1x16xf32>,
      %swap3A_96 = vector.shape_cast %swap3A_95 : vector<1x16xf32> to vector<16xf32>
      %swap3A_97 = vector.shape_cast %broadcast_in_dim3A_92 : vector<16xf32> to vector<1x16xf32>
      tpu.vector_store %arg9[%swap3A_93, %swap3A_94], %swap3A_97 {strides = array<i32>} : memref<128x128xf32, #tpu.memory_space<vmem>>, vector<1x16xf32>,
      %broadcast_in_dim3A_98 = arith.constant 0.000000e+00 : f32
      %broadcast_in_dim3A_99 = vector.broadcast %broadcast_in_dim3A_98 : f32 to vector<16xf32>
      %swap3A_100 = arith.index_cast %scan3A_64 : i32 to index
      %swap3A_101 = arith.constant 80 : index
      %swap3A_102 = tpu.vector_load %arg9[%swap3A_100, %swap3A_101] {strides = array<i32>} : memref<128x128xf32, #tpu.memory_space<vmem>>, vector<1x16xf32>,
      %swap3A_103 = vector.shape_cast %swap3A_102 : vector<1x16xf32> to vector<16xf32>
      %swap3A_104 = vector.shape_cast %broadcast_in_dim3A_99 : vector<16xf32> to vector<1x16xf32>
      tpu.vector_store %arg9[%swap3A_100, %swap3A_101], %swap3A_104 {strides = array<i32>} : memref<128x128xf32, #tpu.memory_space<vmem>>, vector<1x16xf32>,
      %broadcast_in_dim3A_105 = arith.constant 0.000000e+00 : f32
      %broadcast_in_dim3A_106 = vector.broadcast %broadcast_in_dim3A_105 : f32 to vector<16xf32>
      %swap3A_107 = arith.index_cast %scan3A_64 : i32 to index
      %swap3A_108 = arith.constant 96 : index
      %swap3A_109 = tpu.vector_load %arg9[%swap3A_107, %swap3A_108] {strides = array<i32>} : memref<128x128xf32, #tpu.memory_space<vmem>>, vector<1x16xf32>,
      %swap3A_110 = vector.shape_cast %swap3A_109 : vector<1x16xf32> to vector<16xf32>
      %swap3A_111 = vector.shape_cast %broadcast_in_dim3A_106 : vector<16xf32> to vector<1x16xf32>
      tpu.vector_store %arg9[%swap3A_107, %swap3A_108], %swap3A_111 {strides = array<i32>} : memref<128x128xf32, #tpu.memory_space<vmem>>, vector<1x16xf32>,
      %broadcast_in_dim3A_112 = arith.constant 0.000000e+00 : f32
      %broadcast_in_dim3A_113 = vector.broadcast %broadcast_in_dim3A_112 : f32 to vector<16xf32>
      %swap3A_114 = arith.index_cast %scan3A_64 : i32 to index
      %swap3A_115 = arith.constant 112 : index
      %swap3A_116 = tpu.vector_load %arg9[%swap3A_114, %swap3A_115] {strides = array<i32>} : memref<128x128xf32, #tpu.memory_space<vmem>>, vector<1x16xf32>,
      %swap3A_117 = vector.shape_cast %swap3A_116 : vector<1x16xf32> to vector<16xf32>
      %swap3A_118 = vector.shape_cast %broadcast_in_dim3A_113 : vector<16xf32> to vector<1x16xf32>
      tpu.vector_store %arg9[%swap3A_114, %swap3A_115], %swap3A_118 {strides = array<i32>} : memref<128x128xf32, #tpu.memory_space<vmem>>, vector<1x16xf32>,
    }
    %scan3A_5 = arith.constant 128 : i32
    %mul3A_6 = arith.constant 640 : i32
    %mul3A_7 = arith.muli %arg1, %mul3A_6 : i32
    %add3A_8 = arith.constant 0 : i32
    %add3A_9 = arith.addi %mul3A_7, %add3A_8 : i32
    "tpu.region"() ({
      %run_scoped3A = tpu.sem_alloc : memref<!tpu.dma_semaphore, #tpu.memory_space<semaphore_mem>>
      %dma_start3A_64 = arith.constant 0 : i32
      %dma_start3A_65 = tpu.memref_slice %arg8[%add3A_9, %dma_start3A_64] : memref<10240x128xf32, #tpu.memory_space<vmem_shared>> -> memref<128x128xf32, #tpu.memory_space<vmem_shared>>
      %dma_start3A_66 = arith.constant 0 : i32
      %dma_start3A_67 = tpu.memref_slice %arg8[%add3A_9, %dma_start3A_66] : memref<10240x128xf32, #tpu.memory_space<vmem_shared>> -> memref<128x128xf32, #tpu.memory_space<vmem_shared>>
      tpu.enqueue_dma source(%arg9 : memref<128x128xf32, #tpu.memory_space<vmem>>) target(%dma_start3A_67 : memref<128x128xf32, #tpu.memory_space<vmem_shared>>) target_semaphore(%run_scoped3A : memref<!tpu.dma_semaphore, #tpu.memory_space<semaphore_mem>>)
      %dma_wait3A = arith.constant 0 : i32
      %dma_wait3A_68 = tpu.memref_slice %arg8[%add3A_9, %dma_wait3A] : memref<10240x128xf32, #tpu.memory_space<vmem_shared>> -> memref<128x128xf32, #tpu.memory_space<vmem_shared>>
      %dma_wait3A_69 = arith.constant 0 : i32
      %dma_wait3A_70 = tpu.memref_slice %arg8[%add3A_9, %dma_wait3A_69] : memref<10240x128xf32, #tpu.memory_space<vmem_shared>> -> memref<128x128xf32, #tpu.memory_space<vmem_shared>>
      tpu.wait_dma2 semaphore(%run_scoped3A : memref<!tpu.dma_semaphore, #tpu.memory_space<semaphore_mem>>) src(%arg9 : memref<128x128xf32, #tpu.memory_space<vmem>>) dst(%dma_wait3A_70 : memref<128x128xf32, #tpu.memory_space<vmem_shared>>)
      tpu.yield
    }) : () -> ()
    %mul3A_10 = arith.constant 640 : i32
    %mul3A_11 = arith.muli %arg1, %mul3A_10 : i32
    %add3A_12 = arith.constant 128 : i32
    %add3A_13 = arith.addi %mul3A_11, %add3A_12 : i32
    "tpu.region"() ({
      %run_scoped3A = tpu.sem_alloc : memref<!tpu.dma_semaphore, #tpu.memory_space<semaphore_mem>>
      %dma_start3A_64 = arith.constant 0 : i32
      %dma_start3A_65 = tpu.memref_slice %arg8[%add3A_13, %dma_start3A_64] : memref<10240x128xf32, #tpu.memory_space<vmem_shared>> -> memref<128x128xf32, #tpu.memory_space<vmem_shared>>
      %dma_start3A_66 = arith.constant 0 : i32
      %dma_start3A_67 = tpu.memref_slice %arg8[%add3A_13, %dma_start3A_66] : memref<10240x128xf32, #tpu.memory_space<vmem_shared>> -> memref<128x128xf32, #tpu.memory_space<vmem_shared>>
      tpu.enqueue_dma source(%arg9 : memref<128x128xf32, #tpu.memory_space<vmem>>) target(%dma_start3A_67 : memref<128x128xf32, #tpu.memory_space<vmem_shared>>) target_semaphore(%run_scoped3A : memref<!tpu.dma_semaphore, #tpu.memory_space<semaphore_mem>>)
      %dma_wait3A = arith.constant 0 : i32
      %dma_wait3A_68 = tpu.memref_slice %arg8[%add3A_13, %dma_wait3A] : memref<10240x128xf32, #tpu.memory_space<vmem_shared>> -> memref<128x128xf32, #tpu.memory_space<vmem_shared>>
      %dma_wait3A_69 = arith.constant 0 : i32
      %dma_wait3A_70 = tpu.memref_slice %arg8[%add3A_13, %dma_wait3A_69] : memref<10240x128xf32, #tpu.memory_space<vmem_shared>> -> memref<128x128xf32, #tpu.memory_space<vmem_shared>>
      tpu.wait_dma2 semaphore(%run_scoped3A : memref<!tpu.dma_semaphore, #tpu.memory_space<semaphore_mem>>) src(%arg9 : memref<128x128xf32, #tpu.memory_space<vmem>>) dst(%dma_wait3A_70 : memref<128x128xf32, #tpu.memory_space<vmem_shared>>)
      tpu.yield
    }) : () -> ()
    %mul3A_14 = arith.constant 640 : i32
    %mul3A_15 = arith.muli %arg1, %mul3A_14 : i32
    %add3A_16 = arith.constant 256 : i32
    %add3A_17 = arith.addi %mul3A_15, %add3A_16 : i32
    "tpu.region"() ({
      %run_scoped3A = tpu.sem_alloc : memref<!tpu.dma_semaphore, #tpu.memory_space<semaphore_mem>>
      %dma_start3A_64 = arith.constant 0 : i32
      %dma_start3A_65 = tpu.memref_slice %arg8[%add3A_17, %dma_start3A_64] : memref<10240x128xf32, #tpu.memory_space<vmem_shared>> -> memref<128x128xf32, #tpu.memory_space<vmem_shared>>
      %dma_start3A_66 = arith.constant 0 : i32
      %dma_start3A_67 = tpu.memref_slice %arg8[%add3A_17, %dma_start3A_66] : memref<10240x128xf32, #tpu.memory_space<vmem_shared>> -> memref<128x128xf32, #tpu.memory_space<vmem_shared>>
      tpu.enqueue_dma source(%arg9 : memref<128x128xf32, #tpu.memory_space<vmem>>) target(%dma_start3A_67 : memref<128x128xf32, #tpu.memory_space<vmem_shared>>) target_semaphore(%run_scoped3A : memref<!tpu.dma_semaphore, #tpu.memory_space<semaphore_mem>>)
      %dma_wait3A = arith.constant 0 : i32
      %dma_wait3A_68 = tpu.memref_slice %arg8[%add3A_17, %dma_wait3A] : memref<10240x128xf32, #tpu.memory_space<vmem_shared>> -> memref<128x128xf32, #tpu.memory_space<vmem_shared>>
      %dma_wait3A_69 = arith.constant 0 : i32
      %dma_wait3A_70 = tpu.memref_slice %arg8[%add3A_17, %dma_wait3A_69] : memref<10240x128xf32, #tpu.memory_space<vmem_shared>> -> memref<128x128xf32, #tpu.memory_space<vmem_shared>>
      tpu.wait_dma2 semaphore(%run_scoped3A : memref<!tpu.dma_semaphore, #tpu.memory_space<semaphore_mem>>) src(%arg9 : memref<128x128xf32, #tpu.memory_space<vmem>>) dst(%dma_wait3A_70 : memref<128x128xf32, #tpu.memory_space<vmem_shared>>)
      tpu.yield
    }) : () -> ()
    %mul3A_18 = arith.constant 640 : i32
    %mul3A_19 = arith.muli %arg1, %mul3A_18 : i32
    %add3A_20 = arith.constant 384 : i32
    %add3A_21 = arith.addi %mul3A_19, %add3A_20 : i32
    "tpu.region"() ({
      %run_scoped3A = tpu.sem_alloc : memref<!tpu.dma_semaphore, #tpu.memory_space<semaphore_mem>>
      %dma_start3A_64 = arith.constant 0 : i32
      %dma_start3A_65 = tpu.memref_slice %arg8[%add3A_21, %dma_start3A_64] : memref<10240x128xf32, #tpu.memory_space<vmem_shared>> -> memref<128x128xf32, #tpu.memory_space<vmem_shared>>
      %dma_start3A_66 = arith.constant 0 : i32
      %dma_start3A_67 = tpu.memref_slice %arg8[%add3A_21, %dma_start3A_66] : memref<10240x128xf32, #tpu.memory_space<vmem_shared>> -> memref<128x128xf32, #tpu.memory_space<vmem_shared>>
      tpu.enqueue_dma source(%arg9 : memref<128x128xf32, #tpu.memory_space<vmem>>) target(%dma_start3A_67 : memref<128x128xf32, #tpu.memory_space<vmem_shared>>) target_semaphore(%run_scoped3A : memref<!tpu.dma_semaphore, #tpu.memory_space<semaphore_mem>>)
      %dma_wait3A = arith.constant 0 : i32
      %dma_wait3A_68 = tpu.memref_slice %arg8[%add3A_21, %dma_wait3A] : memref<10240x128xf32, #tpu.memory_space<vmem_shared>> -> memref<128x128xf32, #tpu.memory_space<vmem_shared>>
      %dma_wait3A_69 = arith.constant 0 : i32
      %dma_wait3A_70 = tpu.memref_slice %arg8[%add3A_21, %dma_wait3A_69] : memref<10240x128xf32, #tpu.memory_space<vmem_shared>> -> memref<128x128xf32, #tpu.memory_space<vmem_shared>>
      tpu.wait_dma2 semaphore(%run_scoped3A : memref<!tpu.dma_semaphore, #tpu.memory_space<semaphore_mem>>) src(%arg9 : memref<128x128xf32, #tpu.memory_space<vmem>>) dst(%dma_wait3A_70 : memref<128x128xf32, #tpu.memory_space<vmem_shared>>)
      tpu.yield
    }) : () -> ()
    %mul3A_22 = arith.constant 640 : i32
    %mul3A_23 = arith.muli %arg1, %mul3A_22 : i32
    %add3A_24 = arith.constant 512 : i32
    %add3A_25 = arith.addi %mul3A_23, %add3A_24 : i32
    "tpu.region"() ({
      %run_scoped3A = tpu.sem_alloc : memref<!tpu.dma_semaphore, #tpu.memory_space<semaphore_mem>>
      %dma_start3A_64 = arith.constant 0 : i32
      %dma_start3A_65 = tpu.memref_slice %arg8[%add3A_25, %dma_start3A_64] : memref<10240x128xf32, #tpu.memory_space<vmem_shared>> -> memref<128x128xf32, #tpu.memory_space<vmem_shared>>
      %dma_start3A_66 = arith.constant 0 : i32
      %dma_start3A_67 = tpu.memref_slice %arg8[%add3A_25, %dma_start3A_66] : memref<10240x128xf32, #tpu.memory_space<vmem_shared>> -> memref<128x128xf32, #tpu.memory_space<vmem_shared>>
      tpu.enqueue_dma source(%arg9 : memref<128x128xf32, #tpu.memory_space<vmem>>) target(%dma_start3A_67 : memref<128x128xf32, #tpu.memory_space<vmem_shared>>) target_semaphore(%run_scoped3A : memref<!tpu.dma_semaphore, #tpu.memory_space<semaphore_mem>>)
      %dma_wait3A = arith.constant 0 : i32
      %dma_wait3A_68 = tpu.memref_slice %arg8[%add3A_25, %dma_wait3A] : memref<10240x128xf32, #tpu.memory_space<vmem_shared>> -> memref<128x128xf32, #tpu.memory_space<vmem_shared>>
      %dma_wait3A_69 = arith.constant 0 : i32
      %dma_wait3A_70 = tpu.memref_slice %arg8[%add3A_25, %dma_wait3A_69] : memref<10240x128xf32, #tpu.memory_space<vmem_shared>> -> memref<128x128xf32, #tpu.memory_space<vmem_shared>>
      tpu.wait_dma2 semaphore(%run_scoped3A : memref<!tpu.dma_semaphore, #tpu.memory_space<semaphore_mem>>) src(%arg9 : memref<128x128xf32, #tpu.memory_space<vmem>>) dst(%dma_wait3A_70 : memref<128x128xf32, #tpu.memory_space<vmem_shared>>)
      tpu.yield
    }) : () -> ()
    %barrier3A = arith.constant 0 : index
    tpu.barrier barrier_id(%barrier3A)
    %mul3A_26 = arith.constant 80 : i32
    %mul3A_27 = arith.muli %add3A, %mul3A_26 : i32
    %add3A_28 = arith.constant 0 : i32
    %add3A_29 = arith.addi %mul3A_27, %add3A_28 : i32
    "tpu.region"() ({
      %run_scoped3A = tpu.sem_alloc : memref<!tpu.dma_semaphore, #tpu.memory_space<semaphore_mem>>
      %dma_start3A_64 = arith.constant 0 : i32
      %dma_start3A_65 = tpu.memref_slice %arg3[%add3A_29, %dma_start3A_64] : memref<2560x128xi32, #tpu.memory_space<hbm>> -> memref<40x128xi32, #tpu.memory_space<hbm>>
      %dma_start3A_66 = arith.constant 0 : i32
      %dma_start3A_67 = tpu.memref_slice %arg3[%add3A_29, %dma_start3A_66] : memref<2560x128xi32, #tpu.memory_space<hbm>> -> memref<40x128xi32, #tpu.memory_space<hbm>>
      tpu.enqueue_dma source(%dma_start3A_67 : memref<40x128xi32, #tpu.memory_space<hbm>>) target(%arg6 : memref<40x128xi32, #tpu.memory_space<vmem>>) target_semaphore(%run_scoped3A : memref<!tpu.dma_semaphore, #tpu.memory_space<semaphore_mem>>)
      %dma_wait3A = arith.constant 0 : i32
      %dma_wait3A_68 = tpu.memref_slice %arg3[%add3A_29, %dma_wait3A] : memref<2560x128xi32, #tpu.memory_space<hbm>> -> memref<40x128xi32, #tpu.memory_space<hbm>>
      %dma_wait3A_69 = arith.constant 0 : i32
      %dma_wait3A_70 = tpu.memref_slice %arg3[%add3A_29, %dma_wait3A_69] : memref<2560x128xi32, #tpu.memory_space<hbm>> -> memref<40x128xi32, #tpu.memory_space<hbm>>
      tpu.wait_dma2 semaphore(%run_scoped3A : memref<!tpu.dma_semaphore, #tpu.memory_space<semaphore_mem>>) src(%dma_wait3A_70 : memref<40x128xi32, #tpu.memory_space<hbm>>) dst(%arg6 : memref<40x128xi32, #tpu.memory_space<vmem>>)
      tpu.yield
    }) : () -> ()
    "tpu.region"() ({
      %run_scoped3A = tpu.sem_alloc : memref<!tpu.dma_semaphore, #tpu.memory_space<semaphore_mem>>
      %dma_start3A_64 = arith.constant 0 : i32
      %dma_start3A_65 = tpu.memref_slice %arg4[%add3A_29, %dma_start3A_64] : memref<2560x128xi32, #tpu.memory_space<hbm>> -> memref<40x128xi32, #tpu.memory_space<hbm>>
      %dma_start3A_66 = arith.constant 0 : i32
      %dma_start3A_67 = tpu.memref_slice %arg4[%add3A_29, %dma_start3A_66] : memref<2560x128xi32, #tpu.memory_space<hbm>> -> memref<40x128xi32, #tpu.memory_space<hbm>>
      tpu.enqueue_dma source(%dma_start3A_67 : memref<40x128xi32, #tpu.memory_space<hbm>>) target(%arg7 : memref<40x128xi32, #tpu.memory_space<vmem>>) target_semaphore(%run_scoped3A : memref<!tpu.dma_semaphore, #tpu.memory_space<semaphore_mem>>)
      %dma_wait3A = arith.constant 0 : i32
      %dma_wait3A_68 = tpu.memref_slice %arg4[%add3A_29, %dma_wait3A] : memref<2560x128xi32, #tpu.memory_space<hbm>> -> memref<40x128xi32, #tpu.memory_space<hbm>>
      %dma_wait3A_69 = arith.constant 0 : i32
      %dma_wait3A_70 = tpu.memref_slice %arg4[%add3A_29, %dma_wait3A_69] : memref<2560x128xi32, #tpu.memory_space<hbm>> -> memref<40x128xi32, #tpu.memory_space<hbm>>
      tpu.wait_dma2 semaphore(%run_scoped3A : memref<!tpu.dma_semaphore, #tpu.memory_space<semaphore_mem>>) src(%dma_wait3A_70 : memref<40x128xi32, #tpu.memory_space<hbm>>) dst(%arg7 : memref<40x128xi32, #tpu.memory_space<vmem>>)
      tpu.yield
    }) : () -> ()
    %dma_start3A = arith.constant 0 : i32
    %dma_start3A_30 = arith.constant 0 : i32
    %dma_start3A_31 = tpu.memref_slice %arg6[%dma_start3A, %dma_start3A_30] : memref<40x128xi32, #tpu.memory_space<vmem>> -> memref<1x128xi32, #tpu.memory_space<vmem>>
    %dma_start3A_32 = tpu.memref_squeeze %dma_start3A_31 : memref<1x128xi32, #tpu.memory_space<vmem>> -> memref<128xi32, #tpu.memory_space<vmem>>
    %dma_start3A_33 = arith.constant 0 : i32
    %dma_start3A_34 = arith.constant 0 : i32
    %dma_start3A_35 = tpu.memref_slice %arg2[%dma_start3A_33, %dma_start3A_34] : memref<10240x128xf32, #tpu.memory_space<hbm>> -> memref<10240x128xf32, #tpu.memory_space<hbm>>
    tpu.enqueue_indirect_dma source(%dma_start3A_35 : memref<10240x128xf32, #tpu.memory_space<hbm>>) target(%arg9 : memref<128x128xf32, #tpu.memory_space<vmem>>) offsets(%dma_start3A_32 : memref<128xi32, #tpu.memory_space<vmem>>) semaphore(%arg11 : memref<!tpu.dma_semaphore, #tpu.memory_space<semaphore_mem>>)
    %scan3A_36 = arith.constant 0 : i32
    %scan3A_37 = arith.constant 0 : i32
    %scan3A_38 = arith.constant 20 : i32
    %scan3A_39 = arith.addi %scan3A_37, %scan3A_38 : i32
    %scan3A_40 = arith.constant 1 : i32
    scf.for %scan3A_64 = %scan3A_37 to %scan3A_39 step %scan3A_40  : i32 {
      %mul3A_65 = arith.constant 2 : i32
      %mul3A_66 = arith.muli %scan3A_64, %mul3A_65 : i32
      %add3A_67 = arith.constant 0 : i32
      %add3A_68 = arith.addi %mul3A_66, %add3A_67 : i32
      %dma_wait3A = arith.constant 0 : i32
      %dma_wait3A_69 = tpu.memref_slice %arg6[%add3A_68, %dma_wait3A] : memref<40x128xi32, #tpu.memory_space<vmem>> -> memref<1x128xi32, #tpu.memory_space<vmem>>
      %dma_wait3A_70 = tpu.memref_squeeze %dma_wait3A_69 : memref<1x128xi32, #tpu.memory_space<vmem>> -> memref<128xi32, #tpu.memory_space<vmem>>
      %dma_wait3A_71 = arith.constant 0 : i32
      %dma_wait3A_72 = arith.constant 0 : i32
      %dma_wait3A_73 = tpu.memref_slice %arg2[%dma_wait3A_71, %dma_wait3A_72] : memref<10240x128xf32, #tpu.memory_space<hbm>> -> memref<10240x128xf32, #tpu.memory_space<hbm>>
      tpu.wait_indirect_dma semaphore(%arg11 : memref<!tpu.dma_semaphore, #tpu.memory_space<semaphore_mem>>) src(%dma_wait3A_73 : memref<10240x128xf32, #tpu.memory_space<hbm>>) dst(%arg9 : memref<128x128xf32, #tpu.memory_space<vmem>>)
      %lt3A = arith.constant 39 : i32
      %lt3A_74 = arith.cmpi slt, %add3A_68, %lt3A : i32
      %convert_element_type3A = arith.extui %lt3A_74 : i1 to i32
      %cond3A = arith.constant 0 : i32
      %cond3A_75 = arith.cmpi ne, %convert_element_type3A, %cond3A : i32
      scf.if %cond3A_75 {
        %add3A_91 = arith.constant 1 : i32
        %add3A_92 = arith.addi %add3A_68, %add3A_91 : i32
        %dma_start3A_93 = arith.constant 0 : i32
        %dma_start3A_94 = tpu.memref_slice %arg6[%add3A_92, %dma_start3A_93] : memref<40x128xi32, #tpu.memory_space<vmem>> -> memref<1x128xi32, #tpu.memory_space<vmem>>
        %dma_start3A_95 = tpu.memref_squeeze %dma_start3A_94 : memref<1x128xi32, #tpu.memory_space<vmem>> -> memref<128xi32, #tpu.memory_space<vmem>>
        %dma_start3A_96 = arith.constant 0 : i32
        %dma_start3A_97 = arith.constant 0 : i32
        %dma_start3A_98 = tpu.memref_slice %arg2[%dma_start3A_96, %dma_start3A_97] : memref<10240x128xf32, #tpu.memory_space<hbm>> -> memref<10240x128xf32, #tpu.memory_space<hbm>>
        tpu.enqueue_indirect_dma source(%dma_start3A_98 : memref<10240x128xf32, #tpu.memory_space<hbm>>) target(%arg10 : memref<128x128xf32, #tpu.memory_space<vmem>>) offsets(%dma_start3A_95 : memref<128xi32, #tpu.memory_space<vmem>>) semaphore(%arg12 : memref<!tpu.dma_semaphore, #tpu.memory_space<semaphore_mem>>)
      } else {
      }
      "tpu.region"() ({
        %run_scoped3A = tpu.sem_alloc : memref<!tpu.dma_semaphore, #tpu.memory_space<semaphore_mem>>
        %dma_start3A_91 = arith.constant 0 : i32
        %dma_start3A_92 = tpu.memref_slice %arg7[%add3A_68, %dma_start3A_91] : memref<40x128xi32, #tpu.memory_space<vmem>> -> memref<1x128xi32, #tpu.memory_space<vmem>>
        %dma_start3A_93 = tpu.memref_squeeze %dma_start3A_92 : memref<1x128xi32, #tpu.memory_space<vmem>> -> memref<128xi32, #tpu.memory_space<vmem>>
        %dma_start3A_94 = arith.constant 0 : i32
        %dma_start3A_95 = arith.constant 0 : i32
        %dma_start3A_96 = tpu.memref_slice %arg8[%dma_start3A_94, %dma_start3A_95] : memref<10240x128xf32, #tpu.memory_space<vmem_shared>> -> memref<10240x128xf32, #tpu.memory_space<vmem_shared>>
        tpu.enqueue_indirect_dma source(%arg9 : memref<128x128xf32, #tpu.memory_space<vmem>>) target(%dma_start3A_96 : memref<10240x128xf32, #tpu.memory_space<vmem_shared>>) offsets(%dma_start3A_93 : memref<128xi32, #tpu.memory_space<vmem>>) semaphore(%run_scoped3A : memref<!tpu.dma_semaphore, #tpu.memory_space<semaphore_mem>>) {add = true}
        %dma_wait3A_97 = arith.constant 0 : i32
        %dma_wait3A_98 = tpu.memref_slice %arg7[%add3A_68, %dma_wait3A_97] : memref<40x128xi32, #tpu.memory_space<vmem>> -> memref<1x128xi32, #tpu.memory_space<vmem>>
        %dma_wait3A_99 = tpu.memref_squeeze %dma_wait3A_98 : memref<1x128xi32, #tpu.memory_space<vmem>> -> memref<128xi32, #tpu.memory_space<vmem>>
        %dma_wait3A_100 = arith.constant 0 : i32
        %dma_wait3A_101 = arith.constant 0 : i32
        %dma_wait3A_102 = tpu.memref_slice %arg8[%dma_wait3A_100, %dma_wait3A_101] : memref<10240x128xf32, #tpu.memory_space<vmem_shared>> -> memref<10240x128xf32, #tpu.memory_space<vmem_shared>>
        tpu.wait_indirect_dma semaphore(%run_scoped3A : memref<!tpu.dma_semaphore, #tpu.memory_space<semaphore_mem>>) src(%arg9 : memref<128x128xf32, #tpu.memory_space<vmem>>) dst(%dma_wait3A_102 : memref<10240x128xf32, #tpu.memory_space<vmem_shared>>)
        tpu.yield
      }) : () -> ()
      %mul3A_76 = arith.constant 2 : i32
      %mul3A_77 = arith.muli %scan3A_64, %mul3A_76 : i32
      %add3A_78 = arith.constant 1 : i32
      %add3A_79 = arith.addi %mul3A_77, %add3A_78 : i32
      %dma_wait3A_80 = arith.constant 0 : i32
      %dma_wait3A_81 = tpu.memref_slice %arg6[%add3A_79, %dma_wait3A_80] : memref<40x128xi32, #tpu.memory_space<vmem>> -> memref<1x128xi32, #tpu.memory_space<vmem>>
      %dma_wait3A_82 = tpu.memref_squeeze %dma_wait3A_81 : memref<1x128xi32, #tpu.memory_space<vmem>> -> memref<128xi32, #tpu.memory_space<vmem>>
      %dma_wait3A_83 = arith.constant 0 : i32
      %dma_wait3A_84 = arith.constant 0 : i32
      %dma_wait3A_85 = tpu.memref_slice %arg2[%dma_wait3A_83, %dma_wait3A_84] : memref<10240x128xf32, #tpu.memory_space<hbm>> -> memref<10240x128xf32, #tpu.memory_space<hbm>>
      tpu.wait_indirect_dma semaphore(%arg12 : memref<!tpu.dma_semaphore, #tpu.memory_space<semaphore_mem>>) src(%dma_wait3A_85 : memref<10240x128xf32, #tpu.memory_space<hbm>>) dst(%arg10 : memref<128x128xf32, #tpu.memory_space<vmem>>)
      %lt3A_86 = arith.constant 39 : i32
      %lt3A_87 = arith.cmpi slt, %add3A_79, %lt3A_86 : i32
      %convert_element_type3A_88 = arith.extui %lt3A_87 : i1 to i32
      %cond3A_89 = arith.constant 0 : i32
      %cond3A_90 = arith.cmpi ne, %convert_element_type3A_88, %cond3A_89 : i32
      scf.if %cond3A_90 {
        %add3A_91 = arith.constant 1 : i32
        %add3A_92 = arith.addi %add3A_79, %add3A_91 : i32
        %dma_start3A_93 = arith.constant 0 : i32
        %dma_start3A_94 = tpu.memref_slice %arg6[%add3A_92, %dma_start3A_93] : memref<40x128xi32, #tpu.memory_space<vmem>> -> memref<1x128xi32, #tpu.memory_space<vmem>>
        %dma_start3A_95 = tpu.memref_squeeze %dma_start3A_94 : memref<1x128xi32, #tpu.memory_space<vmem>> -> memref<128xi32, #tpu.memory_space<vmem>>
        %dma_start3A_96 = arith.constant 0 : i32
        %dma_start3A_97 = arith.constant 0 : i32
        %dma_start3A_98 = tpu.memref_slice %arg2[%dma_start3A_96, %dma_start3A_97] : memref<10240x128xf32, #tpu.memory_space<hbm>> -> memref<10240x128xf32, #tpu.memory_space<hbm>>
        tpu.enqueue_indirect_dma source(%dma_start3A_98 : memref<10240x128xf32, #tpu.memory_space<hbm>>) target(%arg9 : memref<128x128xf32, #tpu.memory_space<vmem>>) offsets(%dma_start3A_95 : memref<128xi32, #tpu.memory_space<vmem>>) semaphore(%arg11 : memref<!tpu.dma_semaphore, #tpu.memory_space<semaphore_mem>>)
      } else {
      }
      "tpu.region"() ({
        %run_scoped3A = tpu.sem_alloc : memref<!tpu.dma_semaphore, #tpu.memory_space<semaphore_mem>>
        %dma_start3A_91 = arith.constant 0 : i32
        %dma_start3A_92 = tpu.memref_slice %arg7[%add3A_79, %dma_start3A_91] : memref<40x128xi32, #tpu.memory_space<vmem>> -> memref<1x128xi32, #tpu.memory_space<vmem>>
        %dma_start3A_93 = tpu.memref_squeeze %dma_start3A_92 : memref<1x128xi32, #tpu.memory_space<vmem>> -> memref<128xi32, #tpu.memory_space<vmem>>
        %dma_start3A_94 = arith.constant 0 : i32
        %dma_start3A_95 = arith.constant 0 : i32
        %dma_start3A_96 = tpu.memref_slice %arg8[%dma_start3A_94, %dma_start3A_95] : memref<10240x128xf32, #tpu.memory_space<vmem_shared>> -> memref<10240x128xf32, #tpu.memory_space<vmem_shared>>
        tpu.enqueue_indirect_dma source(%arg10 : memref<128x128xf32, #tpu.memory_space<vmem>>) target(%dma_start3A_96 : memref<10240x128xf32, #tpu.memory_space<vmem_shared>>) offsets(%dma_start3A_93 : memref<128xi32, #tpu.memory_space<vmem>>) semaphore(%run_scoped3A : memref<!tpu.dma_semaphore, #tpu.memory_space<semaphore_mem>>) {add = true}
        %dma_wait3A_97 = arith.constant 0 : i32
        %dma_wait3A_98 = tpu.memref_slice %arg7[%add3A_79, %dma_wait3A_97] : memref<40x128xi32, #tpu.memory_space<vmem>> -> memref<1x128xi32, #tpu.memory_space<vmem>>
        %dma_wait3A_99 = tpu.memref_squeeze %dma_wait3A_98 : memref<1x128xi32, #tpu.memory_space<vmem>> -> memref<128xi32, #tpu.memory_space<vmem>>
        %dma_wait3A_100 = arith.constant 0 : i32
        %dma_wait3A_101 = arith.constant 0 : i32
        %dma_wait3A_102 = tpu.memref_slice %arg8[%dma_wait3A_100, %dma_wait3A_101] : memref<10240x128xf32, #tpu.memory_space<vmem_shared>> -> memref<10240x128xf32, #tpu.memory_space<vmem_shared>>
        tpu.wait_indirect_dma semaphore(%run_scoped3A : memref<!tpu.dma_semaphore, #tpu.memory_space<semaphore_mem>>) src(%arg10 : memref<128x128xf32, #tpu.memory_space<vmem>>) dst(%dma_wait3A_102 : memref<10240x128xf32, #tpu.memory_space<vmem_shared>>)
        tpu.yield
      }) : () -> ()
    }
    %scan3A_41 = arith.constant 20 : i32
    %mul3A_42 = arith.constant 80 : i32
    %mul3A_43 = arith.muli %add3A, %mul3A_42 : i32
    %add3A_44 = arith.constant 40 : i32
    %add3A_45 = arith.addi %mul3A_43, %add3A_44 : i32
    "tpu.region"() ({
      %run_scoped3A = tpu.sem_alloc : memref<!tpu.dma_semaphore, #tpu.memory_space<semaphore_mem>>
      %dma_start3A_64 = arith.constant 0 : i32
      %dma_start3A_65 = tpu.memref_slice %arg3[%add3A_45, %dma_start3A_64] : memref<2560x128xi32, #tpu.memory_space<hbm>> -> memref<40x128xi32, #tpu.memory_space<hbm>>
      %dma_start3A_66 = arith.constant 0 : i32
      %dma_start3A_67 = tpu.memref_slice %arg3[%add3A_45, %dma_start3A_66] : memref<2560x128xi32, #tpu.memory_space<hbm>> -> memref<40x128xi32, #tpu.memory_space<hbm>>
      tpu.enqueue_dma source(%dma_start3A_67 : memref<40x128xi32, #tpu.memory_space<hbm>>) target(%arg6 : memref<40x128xi32, #tpu.memory_space<vmem>>) target_semaphore(%run_scoped3A : memref<!tpu.dma_semaphore, #tpu.memory_space<semaphore_mem>>)
      %dma_wait3A = arith.constant 0 : i32
      %dma_wait3A_68 = tpu.memref_slice %arg3[%add3A_45, %dma_wait3A] : memref<2560x128xi32, #tpu.memory_space<hbm>> -> memref<40x128xi32, #tpu.memory_space<hbm>>
      %dma_wait3A_69 = arith.constant 0 : i32
      %dma_wait3A_70 = tpu.memref_slice %arg3[%add3A_45, %dma_wait3A_69] : memref<2560x128xi32, #tpu.memory_space<hbm>> -> memref<40x128xi32, #tpu.memory_space<hbm>>
      tpu.wait_dma2 semaphore(%run_scoped3A : memref<!tpu.dma_semaphore, #tpu.memory_space<semaphore_mem>>) src(%dma_wait3A_70 : memref<40x128xi32, #tpu.memory_space<hbm>>) dst(%arg6 : memref<40x128xi32, #tpu.memory_space<vmem>>)
      tpu.yield
    }) : () -> ()
    "tpu.region"() ({
      %run_scoped3A = tpu.sem_alloc : memref<!tpu.dma_semaphore, #tpu.memory_space<semaphore_mem>>
      %dma_start3A_64 = arith.constant 0 : i32
      %dma_start3A_65 = tpu.memref_slice %arg4[%add3A_45, %dma_start3A_64] : memref<2560x128xi32, #tpu.memory_space<hbm>> -> memref<40x128xi32, #tpu.memory_space<hbm>>
      %dma_start3A_66 = arith.constant 0 : i32
      %dma_start3A_67 = tpu.memref_slice %arg4[%add3A_45, %dma_start3A_66] : memref<2560x128xi32, #tpu.memory_space<hbm>> -> memref<40x128xi32, #tpu.memory_space<hbm>>
      tpu.enqueue_dma source(%dma_start3A_67 : memref<40x128xi32, #tpu.memory_space<hbm>>) target(%arg7 : memref<40x128xi32, #tpu.memory_space<vmem>>) target_semaphore(%run_scoped3A : memref<!tpu.dma_semaphore, #tpu.memory_space<semaphore_mem>>)
      %dma_wait3A = arith.constant 0 : i32
      %dma_wait3A_68 = tpu.memref_slice %arg4[%add3A_45, %dma_wait3A] : memref<2560x128xi32, #tpu.memory_space<hbm>> -> memref<40x128xi32, #tpu.memory_space<hbm>>
      %dma_wait3A_69 = arith.constant 0 : i32
      %dma_wait3A_70 = tpu.memref_slice %arg4[%add3A_45, %dma_wait3A_69] : memref<2560x128xi32, #tpu.memory_space<hbm>> -> memref<40x128xi32, #tpu.memory_space<hbm>>
      tpu.wait_dma2 semaphore(%run_scoped3A : memref<!tpu.dma_semaphore, #tpu.memory_space<semaphore_mem>>) src(%dma_wait3A_70 : memref<40x128xi32, #tpu.memory_space<hbm>>) dst(%arg7 : memref<40x128xi32, #tpu.memory_space<vmem>>)
      tpu.yield
    }) : () -> ()
    %dma_start3A_46 = arith.constant 0 : i32
    %dma_start3A_47 = arith.constant 0 : i32
    %dma_start3A_48 = tpu.memref_slice %arg6[%dma_start3A_46, %dma_start3A_47] : memref<40x128xi32, #tpu.memory_space<vmem>> -> memref<1x128xi32, #tpu.memory_space<vmem>>
    %dma_start3A_49 = tpu.memref_squeeze %dma_start3A_48 : memref<1x128xi32, #tpu.memory_space<vmem>> -> memref<128xi32, #tpu.memory_space<vmem>>
    %dma_start3A_50 = arith.constant 0 : i32
    %dma_start3A_51 = arith.constant 0 : i32
    %dma_start3A_52 = tpu.memref_slice %arg2[%dma_start3A_50, %dma_start3A_51] : memref<10240x128xf32, #tpu.memory_space<hbm>> -> memref<10240x128xf32, #tpu.memory_space<hbm>>
    tpu.enqueue_indirect_dma source(%dma_start3A_52 : memref<10240x128xf32, #tpu.memory_space<hbm>>) target(%arg9 : memref<128x128xf32, #tpu.memory_space<vmem>>) offsets(%dma_start3A_49 : memref<128xi32, #tpu.memory_space<vmem>>) semaphore(%arg11 : memref<!tpu.dma_semaphore, #tpu.memory_space<semaphore_mem>>)
    %scan3A_53 = arith.constant 0 : i32
    %scan3A_54 = arith.constant 0 : i32
    %scan3A_55 = arith.constant 20 : i32
    %scan3A_56 = arith.addi %scan3A_54, %scan3A_55 : i32
    %scan3A_57 = arith.constant 1 : i32
    scf.for %scan3A_64 = %scan3A_54 to %scan3A_56 step %scan3A_57  : i32 {
      %mul3A_65 = arith.constant 2 : i32
      %mul3A_66 = arith.muli %scan3A_64, %mul3A_65 : i32
      %add3A_67 = arith.constant 0 : i32
      %add3A_68 = arith.addi %mul3A_66, %add3A_67 : i32
      %dma_wait3A = arith.constant 0 : i32
      %dma_wait3A_69 = tpu.memref_slice %arg6[%add3A_68, %dma_wait3A] : memref<40x128xi32, #tpu.memory_space<vmem>> -> memref<1x128xi32, #tpu.memory_space<vmem>>
      %dma_wait3A_70 = tpu.memref_squeeze %dma_wait3A_69 : memref<1x128xi32, #tpu.memory_space<vmem>> -> memref<128xi32, #tpu.memory_space<vmem>>
      %dma_wait3A_71 = arith.constant 0 : i32
      %dma_wait3A_72 = arith.constant 0 : i32
      %dma_wait3A_73 = tpu.memref_slice %arg2[%dma_wait3A_71, %dma_wait3A_72] : memref<10240x128xf32, #tpu.memory_space<hbm>> -> memref<10240x128xf32, #tpu.memory_space<hbm>>
      tpu.wait_indirect_dma semaphore(%arg11 : memref<!tpu.dma_semaphore, #tpu.memory_space<semaphore_mem>>) src(%dma_wait3A_73 : memref<10240x128xf32, #tpu.memory_space<hbm>>) dst(%arg9 : memref<128x128xf32, #tpu.memory_space<vmem>>)
      %lt3A = arith.constant 39 : i32
      %lt3A_74 = arith.cmpi slt, %add3A_68, %lt3A : i32
      %convert_element_type3A = arith.extui %lt3A_74 : i1 to i32
      %cond3A = arith.constant 0 : i32
      %cond3A_75 = arith.cmpi ne, %convert_element_type3A, %cond3A : i32
      scf.if %cond3A_75 {
        %add3A_91 = arith.constant 1 : i32
        %add3A_92 = arith.addi %add3A_68, %add3A_91 : i32
        %dma_start3A_93 = arith.constant 0 : i32
        %dma_start3A_94 = tpu.memref_slice %arg6[%add3A_92, %dma_start3A_93] : memref<40x128xi32, #tpu.memory_space<vmem>> -> memref<1x128xi32, #tpu.memory_space<vmem>>
        %dma_start3A_95 = tpu.memref_squeeze %dma_start3A_94 : memref<1x128xi32, #tpu.memory_space<vmem>> -> memref<128xi32, #tpu.memory_space<vmem>>
        %dma_start3A_96 = arith.constant 0 : i32
        %dma_start3A_97 = arith.constant 0 : i32
        %dma_start3A_98 = tpu.memref_slice %arg2[%dma_start3A_96, %dma_start3A_97] : memref<10240x128xf32, #tpu.memory_space<hbm>> -> memref<10240x128xf32, #tpu.memory_space<hbm>>
        tpu.enqueue_indirect_dma source(%dma_start3A_98 : memref<10240x128xf32, #tpu.memory_space<hbm>>) target(%arg10 : memref<128x128xf32, #tpu.memory_space<vmem>>) offsets(%dma_start3A_95 : memref<128xi32, #tpu.memory_space<vmem>>) semaphore(%arg12 : memref<!tpu.dma_semaphore, #tpu.memory_space<semaphore_mem>>)
      } else {
      }
      "tpu.region"() ({
        %run_scoped3A = tpu.sem_alloc : memref<!tpu.dma_semaphore, #tpu.memory_space<semaphore_mem>>
        %dma_start3A_91 = arith.constant 0 : i32
        %dma_start3A_92 = tpu.memref_slice %arg7[%add3A_68, %dma_start3A_91] : memref<40x128xi32, #tpu.memory_space<vmem>> -> memref<1x128xi32, #tpu.memory_space<vmem>>
        %dma_start3A_93 = tpu.memref_squeeze %dma_start3A_92 : memref<1x128xi32, #tpu.memory_space<vmem>> -> memref<128xi32, #tpu.memory_space<vmem>>
        %dma_start3A_94 = arith.constant 0 : i32
        %dma_start3A_95 = arith.constant 0 : i32
        %dma_start3A_96 = tpu.memref_slice %arg8[%dma_start3A_94, %dma_start3A_95] : memref<10240x128xf32, #tpu.memory_space<vmem_shared>> -> memref<10240x128xf32, #tpu.memory_space<vmem_shared>>
        tpu.enqueue_indirect_dma source(%arg9 : memref<128x128xf32, #tpu.memory_space<vmem>>) target(%dma_start3A_96 : memref<10240x128xf32, #tpu.memory_space<vmem_shared>>) offsets(%dma_start3A_93 : memref<128xi32, #tpu.memory_space<vmem>>) semaphore(%run_scoped3A : memref<!tpu.dma_semaphore, #tpu.memory_space<semaphore_mem>>) {add = true}
        %dma_wait3A_97 = arith.constant 0 : i32
        %dma_wait3A_98 = tpu.memref_slice %arg7[%add3A_68, %dma_wait3A_97] : memref<40x128xi32, #tpu.memory_space<vmem>> -> memref<1x128xi32, #tpu.memory_space<vmem>>
        %dma_wait3A_99 = tpu.memref_squeeze %dma_wait3A_98 : memref<1x128xi32, #tpu.memory_space<vmem>> -> memref<128xi32, #tpu.memory_space<vmem>>
        %dma_wait3A_100 = arith.constant 0 : i32
        %dma_wait3A_101 = arith.constant 0 : i32
        %dma_wait3A_102 = tpu.memref_slice %arg8[%dma_wait3A_100, %dma_wait3A_101] : memref<10240x128xf32, #tpu.memory_space<vmem_shared>> -> memref<10240x128xf32, #tpu.memory_space<vmem_shared>>
        tpu.wait_indirect_dma semaphore(%run_scoped3A : memref<!tpu.dma_semaphore, #tpu.memory_space<semaphore_mem>>) src(%arg9 : memref<128x128xf32, #tpu.memory_space<vmem>>) dst(%dma_wait3A_102 : memref<10240x128xf32, #tpu.memory_space<vmem_shared>>)
        tpu.yield
      }) : () -> ()
      %mul3A_76 = arith.constant 2 : i32
      %mul3A_77 = arith.muli %scan3A_64, %mul3A_76 : i32
      %add3A_78 = arith.constant 1 : i32
      %add3A_79 = arith.addi %mul3A_77, %add3A_78 : i32
      %dma_wait3A_80 = arith.constant 0 : i32
      %dma_wait3A_81 = tpu.memref_slice %arg6[%add3A_79, %dma_wait3A_80] : memref<40x128xi32, #tpu.memory_space<vmem>> -> memref<1x128xi32, #tpu.memory_space<vmem>>
      %dma_wait3A_82 = tpu.memref_squeeze %dma_wait3A_81 : memref<1x128xi32, #tpu.memory_space<vmem>> -> memref<128xi32, #tpu.memory_space<vmem>>
      %dma_wait3A_83 = arith.constant 0 : i32
      %dma_wait3A_84 = arith.constant 0 : i32
      %dma_wait3A_85 = tpu.memref_slice %arg2[%dma_wait3A_83, %dma_wait3A_84] : memref<10240x128xf32, #tpu.memory_space<hbm>> -> memref<10240x128xf32, #tpu.memory_space<hbm>>
      tpu.wait_indirect_dma semaphore(%arg12 : memref<!tpu.dma_semaphore, #tpu.memory_space<semaphore_mem>>) src(%dma_wait3A_85 : memref<10240x128xf32, #tpu.memory_space<hbm>>) dst(%arg10 : memref<128x128xf32, #tpu.memory_space<vmem>>)
      %lt3A_86 = arith.constant 39 : i32
      %lt3A_87 = arith.cmpi slt, %add3A_79, %lt3A_86 : i32
      %convert_element_type3A_88 = arith.extui %lt3A_87 : i1 to i32
      %cond3A_89 = arith.constant 0 : i32
      %cond3A_90 = arith.cmpi ne, %convert_element_type3A_88, %cond3A_89 : i32
      scf.if %cond3A_90 {
        %add3A_91 = arith.constant 1 : i32
        %add3A_92 = arith.addi %add3A_79, %add3A_91 : i32
        %dma_start3A_93 = arith.constant 0 : i32
        %dma_start3A_94 = tpu.memref_slice %arg6[%add3A_92, %dma_start3A_93] : memref<40x128xi32, #tpu.memory_space<vmem>> -> memref<1x128xi32, #tpu.memory_space<vmem>>
        %dma_start3A_95 = tpu.memref_squeeze %dma_start3A_94 : memref<1x128xi32, #tpu.memory_space<vmem>> -> memref<128xi32, #tpu.memory_space<vmem>>
        %dma_start3A_96 = arith.constant 0 : i32
        %dma_start3A_97 = arith.constant 0 : i32
        %dma_start3A_98 = tpu.memref_slice %arg2[%dma_start3A_96, %dma_start3A_97] : memref<10240x128xf32, #tpu.memory_space<hbm>> -> memref<10240x128xf32, #tpu.memory_space<hbm>>
        tpu.enqueue_indirect_dma source(%dma_start3A_98 : memref<10240x128xf32, #tpu.memory_space<hbm>>) target(%arg9 : memref<128x128xf32, #tpu.memory_space<vmem>>) offsets(%dma_start3A_95 : memref<128xi32, #tpu.memory_space<vmem>>) semaphore(%arg11 : memref<!tpu.dma_semaphore, #tpu.memory_space<semaphore_mem>>)
      } else {
      }
      "tpu.region"() ({
        %run_scoped3A = tpu.sem_alloc : memref<!tpu.dma_semaphore, #tpu.memory_space<semaphore_mem>>
        %dma_start3A_91 = arith.constant 0 : i32
        %dma_start3A_92 = tpu.memref_slice %arg7[%add3A_79, %dma_start3A_91] : memref<40x128xi32, #tpu.memory_space<vmem>> -> memref<1x128xi32, #tpu.memory_space<vmem>>
        %dma_start3A_93 = tpu.memref_squeeze %dma_start3A_92 : memref<1x128xi32, #tpu.memory_space<vmem>> -> memref<128xi32, #tpu.memory_space<vmem>>
        %dma_start3A_94 = arith.constant 0 : i32
        %dma_start3A_95 = arith.constant 0 : i32
        %dma_start3A_96 = tpu.memref_slice %arg8[%dma_start3A_94, %dma_start3A_95] : memref<10240x128xf32, #tpu.memory_space<vmem_shared>> -> memref<10240x128xf32, #tpu.memory_space<vmem_shared>>
        tpu.enqueue_indirect_dma source(%arg10 : memref<128x128xf32, #tpu.memory_space<vmem>>) target(%dma_start3A_96 : memref<10240x128xf32, #tpu.memory_space<vmem_shared>>) offsets(%dma_start3A_93 : memref<128xi32, #tpu.memory_space<vmem>>) semaphore(%run_scoped3A : memref<!tpu.dma_semaphore, #tpu.memory_space<semaphore_mem>>) {add = true}
        %dma_wait3A_97 = arith.constant 0 : i32
        %dma_wait3A_98 = tpu.memref_slice %arg7[%add3A_79, %dma_wait3A_97] : memref<40x128xi32, #tpu.memory_space<vmem>> -> memref<1x128xi32, #tpu.memory_space<vmem>>
        %dma_wait3A_99 = tpu.memref_squeeze %dma_wait3A_98 : memref<1x128xi32, #tpu.memory_space<vmem>> -> memref<128xi32, #tpu.memory_space<vmem>>
        %dma_wait3A_100 = arith.constant 0 : i32
        %dma_wait3A_101 = arith.constant 0 : i32
        %dma_wait3A_102 = tpu.memref_slice %arg8[%dma_wait3A_100, %dma_wait3A_101] : memref<10240x128xf32, #tpu.memory_space<vmem_shared>> -> memref<10240x128xf32, #tpu.memory_space<vmem_shared>>
        tpu.wait_indirect_dma semaphore(%run_scoped3A : memref<!tpu.dma_semaphore, #tpu.memory_space<semaphore_mem>>) src(%arg10 : memref<128x128xf32, #tpu.memory_space<vmem>>) dst(%dma_wait3A_102 : memref<10240x128xf32, #tpu.memory_space<vmem_shared>>)
        tpu.yield
      }) : () -> ()
    }
    %scan3A_58 = arith.constant 20 : i32
    %barrier3A_59 = arith.constant 0 : index
    tpu.barrier barrier_id(%barrier3A_59)
    %mul3A_60 = arith.constant 640 : i32
    %mul3A_61 = arith.muli %arg1, %mul3A_60 : i32
    %mul3A_62 = arith.constant 640 : i32
    %mul3A_63 = arith.muli %arg1, %mul3A_62 : i32
    "tpu.region"() ({
      %run_scoped3A = tpu.sem_alloc : memref<!tpu.dma_semaphore, #tpu.memory_space<semaphore_mem>>
      %dma_start3A_64 = arith.constant 0 : i32
      %dma_start3A_65 = tpu.memref_slice %arg5[%arg0, %mul3A_63, %dma_start3A_64] : memref<2x10240x128xf32, #tpu.memory_space<hbm>> -> memref<1x640x128xf32, #tpu.memory_space<hbm>>
      %dma_start3A_66 = tpu.memref_squeeze %dma_start3A_65 : memref<1x640x128xf32, #tpu.memory_space<hbm>> -> memref<640x128xf32, #tpu.memory_space<hbm>>
      %dma_start3A_67 = arith.constant 0 : i32
      %dma_start3A_68 = tpu.memref_slice %arg8[%mul3A_61, %dma_start3A_67] : memref<10240x128xf32, #tpu.memory_space<vmem_shared>> -> memref<640x128xf32, #tpu.memory_space<vmem_shared>>
      tpu.enqueue_dma source(%dma_start3A_68 : memref<640x128xf32, #tpu.memory_space<vmem_shared>>) target(%dma_start3A_66 : memref<640x128xf32, #tpu.memory_space<hbm>>) target_semaphore(%run_scoped3A : memref<!tpu.dma_semaphore, #tpu.memory_space<semaphore_mem>>)
      %dma_wait3A = arith.constant 0 : i32
      %dma_wait3A_69 = tpu.memref_slice %arg5[%arg0, %mul3A_63, %dma_wait3A] : memref<2x10240x128xf32, #tpu.memory_space<hbm>> -> memref<1x640x128xf32, #tpu.memory_space<hbm>>
      %dma_wait3A_70 = tpu.memref_squeeze %dma_wait3A_69 : memref<1x640x128xf32, #tpu.memory_space<hbm>> -> memref<640x128xf32, #tpu.memory_space<hbm>>
      %dma_wait3A_71 = arith.constant 0 : i32
      %dma_wait3A_72 = tpu.memref_slice %arg8[%mul3A_61, %dma_wait3A_71] : memref<10240x128xf32, #tpu.memory_space<vmem_shared>> -> memref<640x128xf32, #tpu.memory_space<vmem_shared>>
      tpu.wait_dma2 semaphore(%run_scoped3A : memref<!tpu.dma_semaphore, #tpu.memory_space<semaphore_mem>>) src(%dma_wait3A_72 : memref<640x128xf32, #tpu.memory_space<vmem_shared>>) dst(%dma_wait3A_70 : memref<640x128xf32, #tpu.memory_space<hbm>>)
      tpu.yield
    }) : () -> ()
    return
  }
}

module attributes {stable_mosaic.version = 14 : i64} {
  func.func @body(%arg0: i32, %arg1: memref<400x128xf32, #tpu.memory_space<vmem>>, %arg2: memref<128x128xf32, #tpu.memory_space<vmem>>, %arg3: memref<2x400x1xf32, #tpu.memory_space<vmem>>, %arg4: memref<400x128xf32, #tpu.memory_space<vmem>>, %arg5: memref<400x1xf32, #tpu.memory_space<vmem>>) attributes {dimension_semantics = [#tpu.dimension_semantics<arbitrary>], iteration_bounds = array<i64: 25>, scalar_prefetch = 0 : i64, scratch_operands = 0 : i64, tpu.core_type = #tpu.core_type<tc>, window_params = [{transform_indices = @transform_0, window_bounds = array<i64: 400, 128>}, {pipeline_mode = #tpu.pipeline_mode<synchronous>, transform_indices = @transform_1, window_bounds = array<i64: 128, 128>}, {transform_indices = @transform_2, window_bounds = array<i64: 2, 400, 1>}, {transform_indices = @transform_3, window_bounds = array<i64: 400, 128>}, {transform_indices = @transform_4, window_bounds = array<i64: 400, 1>}]} {
    %get3A = arith.constant 0 : index
    %get3A_0 = arith.constant 0 : index
    %get3A_1 = arith.constant 0 : index
    %get3A_2 = vector.load %arg3[%get3A, %get3A_0, %get3A_1] : memref<2x400x1xf32, #tpu.memory_space<vmem>>, vector<1x400x1xf32>
    %get3A_3 = vector.shape_cast %get3A_2 : vector<1x400x1xf32> to vector<400x1xf32>
    %get3A_4 = arith.constant 1 : index
    %get3A_5 = arith.constant 0 : index
    %get3A_6 = arith.constant 0 : index
    %get3A_7 = vector.load %arg3[%get3A_4, %get3A_5, %get3A_6] : memref<2x400x1xf32, #tpu.memory_space<vmem>>, vector<1x400x1xf32>
    %get3A_8 = vector.shape_cast %get3A_7 : vector<1x400x1xf32> to vector<400x1xf32>
    %add3A = arith.addf %get3A_3, %get3A_8 : vector<400x1xf32>
    %max3A = arith.constant 1.000000e+00 : f32
    %max3A_9 = vector.broadcast %max3A : f32 to vector<400x1xf32>
    %max3A_10 = arith.maximumf %add3A, %max3A_9 : vector<400x1xf32>
    %rsqrt3A = math.rsqrt %max3A_10 : vector<400x1xf32>
    %swap3A = arith.constant 0 : index
    %swap3A_11 = arith.constant 0 : index
    %swap3A_12 = vector.load %arg5[%swap3A, %swap3A_11] : memref<400x1xf32, #tpu.memory_space<vmem>>, vector<400x1xf32>
    tpu.vector_store %arg5[%swap3A, %swap3A_11], %rsqrt3A {strides = array<i32>} : memref<400x1xf32, #tpu.memory_space<vmem>>, vector<400x1xf32>,
    %get3A_13 = arith.constant 0 : index
    %get3A_14 = arith.constant 0 : index
    %get3A_15 = vector.load %arg1[%get3A_13, %get3A_14] : memref<400x128xf32, #tpu.memory_space<vmem>>, vector<400x128xf32>
    %get3A_16 = arith.constant 0 : index
    %get3A_17 = arith.constant 0 : index
    %get3A_18 = vector.load %arg2[%get3A_16, %get3A_17] : memref<128x128xf32, #tpu.memory_space<vmem>>, vector<128x128xf32>
    %dot_general3A = arith.constant dense<0.000000e+00> : vector<400x128xf32>
    %dot_general3A_19 = tpu.matmul %get3A_15, %get3A_18, %dot_general3A {dimension_numbers = #tpu.dot_dimension_numbers<[1], [0], [0], [1], [0, 0, 1, 1], [], []>, transpose_lhs_hint = false} : vector<400x128xf32>, vector<128x128xf32>, vector<400x128xf32> -> vector<400x128xf32>
    %mul3A = vector.broadcast %rsqrt3A : vector<400x1xf32> to vector<400x128xf32>
    %mul3A_20 = arith.mulf %dot_general3A_19, %mul3A : vector<400x128xf32>
    %swap3A_21 = arith.constant 0 : index
    %swap3A_22 = arith.constant 0 : index
    %swap3A_23 = vector.load %arg4[%swap3A_21, %swap3A_22] : memref<400x128xf32, #tpu.memory_space<vmem>>, vector<400x128xf32>
    tpu.vector_store %arg4[%swap3A_21, %swap3A_22], %mul3A_20 {strides = array<i32>} : memref<400x128xf32, #tpu.memory_space<vmem>>, vector<400x128xf32>,
    return
  }
  func.func @transform_0(%arg0: i32) -> (i32, i32) {
    %c0_i32 = arith.constant 0 : i32
    %c0_i32_0 = arith.constant 0 : i32
    return %arg0, %c0_i32 : i32, i32
  }
  func.func @transform_1(%arg0: i32) -> (i32, i32) {
    %c0_i32 = arith.constant 0 : i32
    %c0_i32_0 = arith.constant 0 : i32
    %c0_i32_1 = arith.constant 0 : i32
    return %c0_i32, %c0_i32_0 : i32, i32
  }
  func.func @transform_2(%arg0: i32) -> (i32, i32, i32) {
    %c0_i32 = arith.constant 0 : i32
    %c0_i32_0 = arith.constant 0 : i32
    %c0_i32_1 = arith.constant 0 : i32
    return %c0_i32, %arg0, %c0_i32_0 : i32, i32, i32
  }
  func.func @transform_3(%arg0: i32) -> (i32, i32) {
    %c0_i32 = arith.constant 0 : i32
    %c0_i32_0 = arith.constant 0 : i32
    return %arg0, %c0_i32 : i32, i32
  }
  func.func @transform_4(%arg0: i32) -> (i32, i32) {
    %c0_i32 = arith.constant 0 : i32
    %c0_i32_0 = arith.constant 0 : i32
    return %arg0, %c0_i32 : i32, i32
  }
}

module attributes {stable_mosaic.version = 14 : i64} {
  func.func @body(%arg0: i32, %arg1: memref<2x512x128xf32, #tpu.memory_space<vmem>>, %arg2: memref<512x1xf32, #tpu.memory_space<vmem>>, %arg3: memref<1x128xf32, #tpu.memory_space<vmem>>, %arg4: memref<128x128xf32, #tpu.memory_space<vmem>>, %arg5: memref<512x128xf32, #tpu.memory_space<vmem>>) attributes {dimension_semantics = [#tpu.dimension_semantics<arbitrary>], iteration_bounds = array<i64: 20>, scalar_prefetch = 0 : i64, scratch_operands = 0 : i64, tpu.core_type = #tpu.core_type<tc>, window_params = [{transform_indices = @transform_0, window_bounds = array<i64: 2, 512, 128>}, {transform_indices = @transform_1, window_bounds = array<i64: 512, 1>}, {pipeline_mode = #tpu.pipeline_mode<synchronous>, transform_indices = @transform_2, window_bounds = array<i64: 1, 128>}, {pipeline_mode = #tpu.pipeline_mode<synchronous>, transform_indices = @transform_3, window_bounds = array<i64: 128, 128>}, {transform_indices = @transform_4, window_bounds = array<i64: 512, 128>}]} {
    %get3A = arith.constant 0 : index
    %get3A_0 = arith.constant 0 : index
    %get3A_1 = vector.load %arg2[%get3A, %get3A_0] : memref<512x1xf32, #tpu.memory_space<vmem>>, vector<512x1xf32>
    %get3A_2 = arith.constant 0 : index
    %get3A_3 = arith.constant 0 : index
    %get3A_4 = arith.constant 0 : index
    %get3A_5 = vector.load %arg1[%get3A_2, %get3A_3, %get3A_4] : memref<2x512x128xf32, #tpu.memory_space<vmem>>, vector<1x512x128xf32>
    %get3A_6 = vector.shape_cast %get3A_5 : vector<1x512x128xf32> to vector<512x128xf32>
    %get3A_7 = arith.constant 1 : index
    %get3A_8 = arith.constant 0 : index
    %get3A_9 = arith.constant 0 : index
    %get3A_10 = vector.load %arg1[%get3A_7, %get3A_8, %get3A_9] : memref<2x512x128xf32, #tpu.memory_space<vmem>>, vector<1x512x128xf32>
    %get3A_11 = vector.shape_cast %get3A_10 : vector<1x512x128xf32> to vector<512x128xf32>
    %add3A = arith.addf %get3A_6, %get3A_11 : vector<512x128xf32>
    %mul3A = vector.broadcast %get3A_1 : vector<512x1xf32> to vector<512x128xf32>
    %mul3A_12 = arith.mulf %add3A, %mul3A : vector<512x128xf32>
    %get3A_13 = arith.constant 0 : index
    %get3A_14 = arith.constant 0 : index
    %get3A_15 = vector.load %arg3[%get3A_13, %get3A_14] : memref<1x128xf32, #tpu.memory_space<vmem>>, vector<1x128xf32>
    %add3A_16 = vector.broadcast %get3A_15 : vector<1x128xf32> to vector<512x128xf32>
    %add3A_17 = arith.addf %mul3A_12, %add3A_16 : vector<512x128xf32>
    %max3A = arith.constant 0.000000e+00 : f32
    %max3A_18 = vector.broadcast %max3A : f32 to vector<512x128xf32>
    %max3A_19 = arith.maximumf %add3A_17, %max3A_18 : vector<512x128xf32>
    %get3A_20 = arith.constant 0 : index
    %get3A_21 = arith.constant 0 : index
    %get3A_22 = vector.load %arg4[%get3A_20, %get3A_21] : memref<128x128xf32, #tpu.memory_space<vmem>>, vector<128x128xf32>
    %dot_general3A = arith.constant dense<0.000000e+00> : vector<512x128xf32>
    %dot_general3A_23 = tpu.matmul %max3A_19, %get3A_22, %dot_general3A {dimension_numbers = #tpu.dot_dimension_numbers<[1], [0], [0], [1], [0, 0, 1, 1], [], []>, transpose_lhs_hint = false} : vector<512x128xf32>, vector<128x128xf32>, vector<512x128xf32> -> vector<512x128xf32>
    %mul3A_24 = vector.broadcast %get3A_1 : vector<512x1xf32> to vector<512x128xf32>
    %mul3A_25 = arith.mulf %dot_general3A_23, %mul3A_24 : vector<512x128xf32>
    %swap3A = arith.constant 0 : index
    %swap3A_26 = arith.constant 0 : index
    %swap3A_27 = vector.load %arg5[%swap3A, %swap3A_26] : memref<512x128xf32, #tpu.memory_space<vmem>>, vector<512x128xf32>
    tpu.vector_store %arg5[%swap3A, %swap3A_26], %mul3A_25 {strides = array<i32>} : memref<512x128xf32, #tpu.memory_space<vmem>>, vector<512x128xf32>,
    return
  }
  func.func @transform_0(%arg0: i32) -> (i32, i32, i32) {
    %c0_i32 = arith.constant 0 : i32
    %c0_i32_0 = arith.constant 0 : i32
    %c0_i32_1 = arith.constant 0 : i32
    return %c0_i32, %arg0, %c0_i32_0 : i32, i32, i32
  }
  func.func @transform_1(%arg0: i32) -> (i32, i32) {
    %c0_i32 = arith.constant 0 : i32
    %c0_i32_0 = arith.constant 0 : i32
    return %arg0, %c0_i32 : i32, i32
  }
  func.func @transform_2(%arg0: i32) -> (i32, i32) {
    %c0_i32 = arith.constant 0 : i32
    %c0_i32_0 = arith.constant 0 : i32
    %c0_i32_1 = arith.constant 0 : i32
    return %c0_i32, %c0_i32_0 : i32, i32
  }
  func.func @transform_3(%arg0: i32) -> (i32, i32) {
    %c0_i32 = arith.constant 0 : i32
    %c0_i32_0 = arith.constant 0 : i32
    %c0_i32_1 = arith.constant 0 : i32
    return %c0_i32, %c0_i32_0 : i32, i32
  }
  func.func @transform_4(%arg0: i32) -> (i32, i32) {
    %c0_i32 = arith.constant 0 : i32
    %c0_i32_0 = arith.constant 0 : i32
    return %arg0, %c0_i32 : i32, i32
  }
}

module attributes {stable_mosaic.version = 14 : i64} {
  func.func @body(%arg0: i32, %arg1: memref<2x400x128xf32, #tpu.memory_space<vmem>>, %arg2: memref<400x1xf32, #tpu.memory_space<vmem>>, %arg3: memref<1x128xf32, #tpu.memory_space<vmem>>, %arg4: memref<400x40xf32, #tpu.memory_space<vmem>>) attributes {dimension_semantics = [#tpu.dimension_semantics<arbitrary>], iteration_bounds = array<i64: 25>, scalar_prefetch = 0 : i64, scratch_operands = 0 : i64, tpu.core_type = #tpu.core_type<tc>, window_params = [{transform_indices = @transform_0, window_bounds = array<i64: 2, 400, 128>}, {transform_indices = @transform_1, window_bounds = array<i64: 400, 1>}, {pipeline_mode = #tpu.pipeline_mode<synchronous>, transform_indices = @transform_2, window_bounds = array<i64: 1, 128>}, {transform_indices = @transform_3, window_bounds = array<i64: 400, 40>}]} {
    %get3A = arith.constant 0 : index
    %get3A_0 = arith.constant 0 : index
    %get3A_1 = arith.constant 0 : index
    %get3A_2 = vector.load %arg1[%get3A, %get3A_0, %get3A_1] : memref<2x400x128xf32, #tpu.memory_space<vmem>>, vector<1x400x128xf32>
    %get3A_3 = vector.shape_cast %get3A_2 : vector<1x400x128xf32> to vector<400x128xf32>
    %get3A_4 = arith.constant 1 : index
    %get3A_5 = arith.constant 0 : index
    %get3A_6 = arith.constant 0 : index
    %get3A_7 = vector.load %arg1[%get3A_4, %get3A_5, %get3A_6] : memref<2x400x128xf32, #tpu.memory_space<vmem>>, vector<1x400x128xf32>
    %get3A_8 = vector.shape_cast %get3A_7 : vector<1x400x128xf32> to vector<400x128xf32>
    %add3A = arith.addf %get3A_3, %get3A_8 : vector<400x128xf32>
    %get3A_9 = arith.constant 0 : index
    %get3A_10 = arith.constant 0 : index
    %get3A_11 = vector.load %arg2[%get3A_9, %get3A_10] : memref<400x1xf32, #tpu.memory_space<vmem>>, vector<400x1xf32>
    %mul3A = vector.broadcast %get3A_11 : vector<400x1xf32> to vector<400x128xf32>
    %mul3A_12 = arith.mulf %add3A, %mul3A : vector<400x128xf32>
    %get3A_13 = arith.constant 0 : index
    %get3A_14 = arith.constant 0 : index
    %get3A_15 = vector.load %arg3[%get3A_13, %get3A_14] : memref<1x128xf32, #tpu.memory_space<vmem>>, vector<1x128xf32>
    %add3A_16 = vector.broadcast %get3A_15 : vector<1x128xf32> to vector<400x128xf32>
    %add3A_17 = arith.addf %mul3A_12, %add3A_16 : vector<400x128xf32>
    %slice3A = vector.extract_strided_slice %add3A_17 {offsets = [0, 0], sizes = [400, 40], strides = [1, 1]} : vector<400x128xf32> to vector<400x40xf32>
    %swap3A = arith.constant 0 : index
    %swap3A_18 = arith.constant 0 : index
    %swap3A_19 = vector.load %arg4[%swap3A, %swap3A_18] : memref<400x40xf32, #tpu.memory_space<vmem>>, vector<400x40xf32>
    tpu.vector_store %arg4[%swap3A, %swap3A_18], %slice3A {strides = array<i32>} : memref<400x40xf32, #tpu.memory_space<vmem>>, vector<400x40xf32>,
    return
  }
  func.func @transform_0(%arg0: i32) -> (i32, i32, i32) {
    %c0_i32 = arith.constant 0 : i32
    %c0_i32_0 = arith.constant 0 : i32
    %c0_i32_1 = arith.constant 0 : i32
    return %c0_i32, %arg0, %c0_i32_0 : i32, i32, i32
  }
  func.func @transform_1(%arg0: i32) -> (i32, i32) {
    %c0_i32 = arith.constant 0 : i32
    %c0_i32_0 = arith.constant 0 : i32
    return %arg0, %c0_i32 : i32, i32
  }
  func.func @transform_2(%arg0: i32) -> (i32, i32) {
    %c0_i32 = arith.constant 0 : i32
    %c0_i32_0 = arith.constant 0 : i32
    %c0_i32_1 = arith.constant 0 : i32
    return %c0_i32, %c0_i32_0 : i32, i32
  }
  func.func @transform_3(%arg0: i32) -> (i32, i32) {
    %c0_i32 = arith.constant 0 : i32
    %c0_i32_0 = arith.constant 0 : i32
    return %arg0, %c0_i32 : i32, i32
  }
}

</mosaic_0001>

<sc_bundles>
// kernel: kernel.10.cloned.1.call-start
scs
__scs_entry_jumppad:
0x0: {  	(pc) =	sbr.rel $0x88, $3  }
0x1: {  	(tag) =	ssettag $0x0;
	lr =	simm.s32 $0x1  }
0x2: {  	[smem:$0x3F99] =	sst lr;
	_ =	strace $0xD0000000  }
0x3: {  	_ = 	snop  }
0x4: {  	_ = 	snop  }
0x5: {  	_ = 	snop  }
0x6: {  	_ = 	snop  }
0x7: {  	_ = 	snop  }
__scs_overlays_trampoline_lowered:
0x8: {  	[smem:$0x3FA8] =	sst s0  }
0x9: {  	[smem:$0x3FA9] =	sst s1  }
0xa: {  	[smem:$0x3FAA] =	sst s2  }
0xb: {  	[smem:$0x3FAB] =	sst s3  }
0xc: {  	[smem:$0x3FAC] =	sst s4  }
0xd: {  	[smem:$0x3FAD] =	sst s5  }
0xe: {  	[smem:$0x3FAE] =	sst s6  }
0xf: {  	[smem:$0x3FAF] =	sst s7  }
0x10: {  	[smem:$0x3FB0] =	sst s8  }
0x11: {  	[smem:$0x3FB1] =	sst s9;
	s0 =	simm.s32 @!p0 $0x0  }
0x12: {  	s1 =	sld [smem:$0x3F97];
	s0 =	simm.s32 @p0 $0x1  }
0x13: {  	[smem:$0x3FB2] =	sst s0;
	s0 =	simm.s32 @!p1 $0x0  }
0x14: {  	s2 =	sld [smem:$0x3F96];
	s0 =	simm.s32 @p1 $0x1  }
0x15: {  	[smem:$0x3FB3] =	sst s0;
	s0 =	simm.s32 @!p2 $0x0  }
0x16: {  	s3 =	sld [smem:$0x3FDB];
	s0 =	simm.s32 @p2 $0x1  }
0x17: {  	s4 =	simm.s32 $0x1BF5;
	[smem:$0x3FB5] =	sst s0  }
0x18: {  	s0 =	sld [smem:$0x3F98];
	_ =	swait.ge [sflag:s4], $0x0  }
0x19: {  	s7 =	sld [smem:$0x3F99]  }
0x1a: {  	s8 =	sadd.s32 $0xFFFFE003, lr  }
0x1b: {  	s9 =	sadd.s32 $0xFFFFFEF7, lr;
	s5 =	simm.s32 $0xFFFFFFFF;
	p2 =	slt.u32 s8, $0xFFFFF086  }
0x1c: {  	p1 =	slt.u32 s9, $0xF7A;
	s5 =	simm.s32 @!p2 $0x0  }
0x1d: {  	s5 =	simm.s32 @p1 $0x1;
	p0 =	seq.s32 s7, s2  }
0x1e: {  	s7 =	smul.u32 @!p0 $0xF7A, s2;
	p2 =	seq.s32 @!p0 s5, $0x0  }
0x1f: {  	s9 =	smul.u32 $0xF7A, s1;
	s8 =	simm.s32 @!p0 $0x1BF5;
	p2 =	por !p2, p0  }
0x20: {  	[sflag:s8] =	ssyncset.s32 @!p0 $0xFFFFF086;
	s6 =	sadd.s32 @!p0 s3, s7;
	s7 =	simm.s32 @!p0 $0x108  }
0x21: {  	s3 =	sadd.s32 s3, s9;
	s6 =	sadd.s32 @!p0 $0x88, s6;
	s7 =	simm.s32 @p2 $0x1082  }
0x22: {  	[simem:s7], [sflag:s8] =	dma.local @!p0 [hbm:s6], $0xF7A  }
0x23: {  	s9 =	sor.u32 $0xD0000000, s2;
	s6 =	simm.s32 $0x108;
	_ =	swait.ge @!p0 [sflag:s8], $0x0  }
0x24: {  	s3 =	sadd.s32 $0x88, s3;
	s6 =	simm.s32 @!p1 $0x1082;
	[sflag:s4] =	ssyncset.s32 $0xFFFFF086  }
0x25: {  	[simem:s6], [sflag:s4] =	dma.local [hbm:s3], $0xF7A  }
0x26: {  	[smem:$0x3F99] =	sst s1;
	(tag) =	ssettag s2;
	_ =	strace s9  }
0x27: {  	s1 =	sld [smem:$0x3FA9]  }
0x28: {  	s2 =	sld [smem:$0x3FAA]  }
0x29: {  	s4 =	sld [smem:$0x3FAC]  }
0x2a: {  	p0 =	seq.s32 s5, $0x0;
	s5 =	sld [smem:$0x3FAD]  }
0x2b: {  	s6 =	sld [smem:$0x3FAE]  }
0x2c: {  	s7 =	sld [smem:$0x3FAF]  }
0x2d: {  	s3 =	simm.s32 $0x108;
	s8 =	sld [smem:$0x3FB0]  }
0x2e: {  	s3 =	simm.s32 @!p0 $0x1082;
	s9 =	sld [smem:$0x3FB1]  }
0x2f: {  	lr =	sadd.s32 s0, s3;
	s0 =	sld [smem:$0x3FA8]  }
0x30: {  	s3 =	sld [smem:$0x3FAB]  }
0x31: {  	[smem:$0x3FB4] =	sst s10  }
0x32: {  	s10 =	sld [smem:$0x3FB2];
	_ =	sdelay $0x3  }
0x33: {  	p0 =	seq.s32 s10, $0x1;
	s10 =	sld [smem:$0x3FB4];
	_ =	sdelay $0x3  }
0x34: {  	[smem:$0x3FB4] =	sst s10  }
0x35: {  	s10 =	sld [smem:$0x3FB3];
	_ =	sdelay $0x3  }
0x36: {  	p1 =	seq.s32 s10, $0x1;
	s10 =	sld [smem:$0x3FB4];
	_ =	sdelay $0x3  }
0x37: {  	[smem:$0x3FB4] =	sst s10  }
0x38: {  	s10 =	sld [smem:$0x3FB5]  }
0x39: {  	_ = 	snop;
	(pc) =	sbr.ind lr, $3  }
0x3a: {  	_ = 	snop  }
0x3b: {  	_ = 	snop  }
0x3c: {  	p2 =	seq.s32 s10, $0x1;
	s10 =	sld [smem:$0x3FB4]  }
0x3d: {  	_ =	shalt  }
0x3e: {  	_ =	shalt  }
0x3f: {  	_ =	shalt  }
0x40: {  	_ =	shalt  }
0x41: {  	_ =	shalt  }
0x42: {  	_ =	shalt  }
0x43: {  	_ =	shalt  }
0x44: {  	_ =	shalt  }
0x45: {  	_ =	shalt  }
0x46: {  	_ =	shalt  }
0x47: {  	_ =	shalt  }
0x48: {  	_ =	shalt  }
0x49: {  	_ =	shalt  }
0x4a: {  	_ =	shalt  }
0x4b: {  	_ =	shalt  }
0x4c: {  	_ =	shalt  }
0x4d: {  	_ =	shalt  }
0x4e: {  	_ =	shalt  }
0x4f: {  	_ =	shalt  }
0x50: {  	_ =	shalt  }
0x51: {  	_ =	shalt  }
0x52: {  	_ =	shalt  }
0x53: {  	_ =	shalt  }
0x54: {  	_ =	shalt  }
0x55: {  	_ =	shalt  }
0x56: {  	_ =	shalt  }
0x57: {  	_ =	shalt  }
0x58: {  	_ =	shalt  }
0x59: {  	_ =	shalt  }
0x5a: {  	_ =	shalt  }
0x5b: {  	_ =	shalt  }
0x5c: {  	_ =	shalt  }
0x5d: {  	_ =	shalt  }
0x5e: {  	_ =	shalt  }
0x5f: {  	_ =	shalt  }
0x60: {  	_ =	shalt  }
0x61: {  	_ =	shalt  }
0x62: {  	_ =	shalt  }
0x63: {  	_ =	shalt  }
0x64: {  	_ =	shalt  }
0x65: {  	_ =	shalt  }
0x66: {  	_ =	shalt  }
0x67: {  	_ =	shalt  }
0x68: {  	_ =	shalt  }
0x69: {  	_ =	shalt  }
0x6a: {  	_ =	shalt  }
0x6b: {  	_ =	shalt  }
0x6c: {  	_ =	shalt  }
0x6d: {  	_ =	shalt  }
0x6e: {  	_ =	shalt  }
0x6f: {  	_ =	shalt  }
0x70: {  	_ =	shalt  }
0x71: {  	_ =	shalt  }
0x72: {  	_ =	shalt  }
0x73: {  	_ =	shalt  }
0x74: {  	_ =	shalt  }
0x75: {  	_ =	shalt  }
0x76: {  	_ =	shalt  }
0x77: {  	_ =	shalt  }
0x78: {  	_ =	shalt  }
0x79: {  	_ =	shalt  }
0x7a: {  	_ =	shalt  }
0x7b: {  	_ =	shalt  }
0x7c: {  	_ =	shalt  }
0x7d: {  	_ =	shalt  }
0x7e: {  	_ =	shalt  }
0x7f: {  	_ =	shalt  }
0x80: {  	_ =	shalt  }
0x81: {  	_ =	shalt  }
0x82: {  	_ =	shalt  }
0x83: {  	_ =	shalt  }
0x84: {  	_ =	shalt  }
0x85: {  	_ =	shalt  }
0x86: {  	_ =	shalt  }
0x87: {  	_ =	shalt  }
.Lfunc_end0:
.L_simem_size_0:
called_computation_lowered:
.L_overlay_start_0:
0x88: {  	s2 =	sld [smem:$0x3FD9]  }
0x89: {  	s3 =	sld [smem:$0x3FFE];
	_ =	sdelay $0x1  }
0x8a: {  	s1 =	srdreg.scid  }
0x8b: {  	s0 =	sand.u32 $0x1, s1  }
0x8c: {  	s17 =	sshll.u32 s0, $0xA;
	s2 =	sadd.s32 s3, s2  }
0x8d: {  	s2 =	sadd.s32 s2, s17  }
0x8e: {  	[smem:$0x3FC0] =	sst s2  }
0x8f: {  	_ = 	snop  }
0x90: {  	s2 =	sld [smem:$0x3FD0];
	(tm) =	ssettm $0x1  }
0x91: {  	s18 =	sld [smem:$0x3FFB];
	_ =	sdelay $0x3  }
0x92: {  	_ =	strace s18  }
0x93: {  	s3 =	sld [smem:$0x3FFC];
	_ =	sdelay $0x3  }
0x94: {  	_ =	strace s3  }
0x95: {  	s3 =	sld [smem:$0x3FFD];
	_ =	sdelay $0x3  }
0x96: {  	_ =	strace s3  }
0x97: {  	_ =	strace $0x8FFFFFFF  }
0x98: {  	s19 =	sld [smem:$0x3FDB];
	_ =	sdelay $0x1  }
0x99: {  	s4 =	simm.s32 $_scs_section_size  }
0x9a: {  	s5 =	simm.s32 $_size__tile_overlayer_lowered;
	s6 =	simm.s32 $_tile_overlayer_lowered  }
0x9b: {  	s22 =	simm.s32 $0x1BFF;
	s21 =	sshll.u32 s6, $0x1;
	s3 =	sadd.s32 s4, s19  }
0x9c: {  	s7 =	simm.s32 $0x0;
	s20 =	sshll.u32 s5, $0x1;
	s5 =	sadd.s32 s21, s3  }
0x9d: {  	[timem:s7], [sflag:s22] =	dma.local [hbm:s5], s20  }
0x9e: {  	_ =	swait.ge [sflag:s22], s20  }
0x9f: {  	s4 =	ssub.s32 $0x0, s20;
	[sflag:s22] =	ssyncset.done $0x0  }
0xa0: {  	[sflag:s22] =	ssyncadd.s32 s4;
	_ =	sdelay $0x1  }
0xa1: {  	s23 =	simm.s32 $0x1B8B  }
0xa2: {  	_ =	swait.ge [sflag:s23], $0x1  }
0xa3: {  	[sflag:s23] =	ssyncset.done $0x0  }
0xa4: {  	s25 =	simm.s32 $0x1B8E;
	s24 =	sld [smem:$0x3FFE];
	[sflag:s23] =	ssyncadd.s32 $0xFFFFFFFF  }
0xa5: {  	s26 =	simm.s32 $execute0_lowered;
	[smem:$0x3FD2] =	sst s25  }
0xa6: {  	s5 =	sshll.u32 s26, $0x1;
	_ =	strace $0x80000046;
	[dreg:$0x1] =	wrdreg $0xFFFFFFFF  }
0xa7: {  	s28 =	simm.s32 $_size_execute0_lowered;
	s3 =	sadd.s32 s3, s5;
	[dreg:$0x0] =	wrdreg $0x0  }
0xa8: {  	s5 =	sshll.u32 s28, $0x1;
	[dreg:$0x2] =	wrdreg s3  }
0xa9: {  	[dreg:$0x3] =	wrdreg s5  }
0xaa: {  	[dreg:$0x4] =	wrdreg $0xC0  }
0xab: {  	_ =	task [dreg:s7], $0x5FFFF  }
0xac: {  	[dreg:$0x1] =	wrdreg $0xFFFFFFFF  }
0xad: {  	[dreg:$0x0] =	wrdreg $0x60  }
0xae: {  	[dreg:$0x2] =	wrdreg s2  }
0xaf: {  	[dreg:$0x3] =	wrdreg s24  }
0xb0: {  	[dreg:$0x4] =	wrdreg $0x50800  }
0xb1: {  	[dreg:$0x5] =	wrdreg $0x9  }
0xb2: {  	_ =	task.clear_ibuf [dreg:s7], $0x6FFFF;
	_ =	strace $0x90000046  }
0xb3: {  	s29 =	simm.s32 $0x9;
	_ =	strace $0x80000048  }
0xb4: {  	_ =	swait.ge [sflag:s29], $0x1  }
0xb5: {  	[sflag:s29] =	ssyncadd.s32 $0xFFFFFFFF  }
0xb6: {  	_ =	strace $0x90000048  }
0xb7: {  	_ =	sfence  }
0xb8: {  	s30 =	sld [smem:$0x0];
	_ =	sdelay $0x2  }
0xb9: {  	s31 =	sshll.u32 s1, $0xD;
	s1 =	sshrl.u32 s1, $0x2  }
0xba: {  	s3 =	sand.u32 $0x4000, s31;
	s1 =	sadd.s32 s1, s30  }
0xbb: {  	s0 =	sor.u32 s3, s0;
	s1 =	sshll.u32 s1, $0x11  }
0xbc: {  	s0 =	sor.u32 s1, s0  }
0xbd: {  	s0 =	sadd.s32 $0x8F2B, s0  }
0xbe: {  	[sflag:s0] =	ssyncadd.remote.s32 $0x1  }
0xbf: {  	_ =	sfence.sel $0xFFFF  }
0xc0: {  	[dreg:$0x0] =	wrdreg $0xFFFFFFFF;
	(pc) =	sbr.abs _section_cstart, $3  }
0xc1: {  	[dreg:$0x1] =	wrdreg $0xFFFFFFFF  }
0xc2: {  	_ =	task.clear_ibuf [dreg:s7], $0x2FFFF;
	_ =	strace $0x9FFFFFFF  }
0xc3: {  	(tm) =	ssettm $0x7FFFFFFF  }
tec
execute0_lowered:
.L_overlay_start_1:
0x0: {  	(tag) =	ssettag $0x1  }
0x1: {  	s3 =	rddreg [dreg:$0x0]  }
0x2: {  	s4 =	rddreg [dreg:$0x1]  }
0x3: {  	s1 =	rddreg [dreg:$0x2];
	s2 =	srdreg.scid  }
0x4: {  	s7 =	stileid.u32;
	s0 =	rddreg [dreg:$0x3];
	s11 =	simm.s32 $0x0  }
0x5: {  	s5 =	sand.u32 $0x1, s2;
	s6 =	sshll.u32 s7, $0x1;
	s2 =	simm.s32 $0x0  }
0x6: {  	p0 =	sne.s32 s7, $0x0;
	s7 =	simm.s32 $0x2800;
	s8 =	smul.u32 $0x500, s5  }
0x7: {  	s6 =	sor.u32 s5, s6;
	[smem:$0x7FF] =	sst s2;
	s5 =	ssub.s32 $0x2, s5  }
0x8: {  	s10 =	sshrl.u32 @!p0 s1, $0x3;
	s6 =	smul.u32 $0x500, s6;
	s9 =	sshrl.u32 s5, $0x1  }
0x9: {  	v0 =	vlaneseq.u32;
	_ =	strace $0x80000047;
	s4 =	sadd.s32 s8, s4;
	s5 =	ssub.s32 s5, s9  }
0xa: {  	v1 =	vimm.f32 $0.0e+00;
	v6 =	vimm.f32 $1.000000000e+00;
	v2 =	vor.u32 $0x10, v0;
	s8 =	simm.s32 $0x50;
	s9 =	simm.s32 $0x5000;
	s3 =	sadd.s32 s3, s6  }
0xb: {  	v3 =	vor.u32 $0x20, v0;
	v4 =	vor.u32 $0x30, v0;
	v5 =	vor.u32 $0x40, v0;
	s4 =	sadd.s32 $0x2C00, s4;
	s5 =	smax.u32 s5, $0x1;
	s6 =	simm.s32 $0x1  }
.LBB2_1:
0xc: {  	[tilespmem:s2], [sflag:$0x1] =	stream.linear.gather [hbm4b:s3+s2], $0x2800, $0x38;
	[tilespmem:$0x5300] =	vst v63  }
0xd: {  	_ =	swait.ge [sflag:s6], $0x2800  }
0xe: {  	[sflag:s6] =	ssyncset.done $0x0  }
0xf: {  	s12 =	simm.s32 $0x0;
	s13 =	simm.s32 $0x200;
	[sflag:s6] =	ssyncadd.s32 $0xFFFFD800  }
.LBB2_2:
0x10: {  	p1 =	sne.s32 s13, $0x9E00;
	[tilespmem:s12+$0x2870] =	vst v1  }
0x11: {  	[tilespmem:s12+$0x2800] =	vst v1  }
0x12: {  	[tilespmem:s12+$0x2810] =	vst v1  }
.Ltmp0:
0x13: {  	[tilespmem:s12+$0x2820] =	vst v1;
	(pc) =	sbr.rel @p1 .LBB2_2-.Ltmp0, $4  }
0x14: {  	[tilespmem:s12+$0x2830] =	vst v1  }
0x15: {  	[tilespmem:s12+$0x2840] =	vst v1  }
0x16: {  	[tilespmem:s12+$0x2850] =	vst v1  }
0x17: {  	[tilespmem:s12+$0x2860] =	vst v1;
	s12 =	sshra.s32 s13, $0x2;
	s13 =	sadd.s32 $0x200, s13  }
0x18: {  	[tilespmem:s12+$0x2870] =	vst v1  }
0x19: {  	[tilespmem:s12+$0x2800] =	vst v1  }
0x1a: {  	[tilespmem:s12+$0x2810] =	vst v1  }
0x1b: {  	[tilespmem:s12+$0x2820] =	vst v1  }
0x1c: {  	[tilespmem:s12+$0x2830] =	vst v1  }
0x1d: {  	[tilespmem:s12+$0x2840] =	vst v1  }
0x1e: {  	[tilespmem:s12+$0x2850] =	vst v1  }
0x1f: {  	[tilespmem:s12+$0x2860] =	vst v1  }
0x20: {  	[tilespmem:$0x5000] =	vst v0  }
0x21: {  	[tilespmem:$0x5010] =	vst v2  }
0x22: {  	[tilespmem:$0x5020] =	vst v3  }
0x23: {  	[tilespmem:$0x5030] =	vst v4  }
0x24: {  	s12 =	simm.s32 @!p0 $0x2800;
	[tilespmem:$0x5040] =	vst v5  }
0x25: {  	[spmem:s1] =	stream.linear.scatter @!p0 [tilespmem:s12], [sflag:$0x1], $0x2800, $0x38;
	[tilespmem:$0x5300] =	vst v63  }
0x26: {  	s12 =	simm.s32 @!p0 $0x1  }
0x27: {  	_ =	swait.ge @!p0 [sflag:s12], $0x2800  }
0x28: {  	[sflag:s12] =	ssyncset.done @!p0 $0x0  }
0x29: {  	[sflag:s12] =	ssyncadd.s32 @!p0 $0xFFFFD800;
	s12 =	simm.s32 $0x0  }
.LBB2_4:
0x2a: {  	s13 =	sshra.s32 s12, $0x2  }
0x2b: {  	v7 =	vld [tilespmem:s13+$0x0];
	_ =	sdelay $0x7  }
0x2c: {  	[tilespmem:v7+s7+$0x0] =	vst.idx.add.f32.msk $0xffff, v6  }
0x2d: {  	v7 =	vld [tilespmem:s13+$0x10];
	_ =	sdelay $0x7  }
0x2e: {  	[tilespmem:v7+s7+$0x0] =	vst.idx.add.f32.msk $0xffff, v6  }
0x2f: {  	v7 =	vld [tilespmem:s13+$0x20];
	_ =	sdelay $0x7  }
0x30: {  	[tilespmem:v7+s7+$0x0] =	vst.idx.add.f32.msk $0xffff, v6  }
0x31: {  	v7 =	vld [tilespmem:s13+$0x30];
	_ =	sdelay $0x7  }
0x32: {  	[tilespmem:v7+s7+$0x0] =	vst.idx.add.f32.msk $0xffff, v6  }
0x33: {  	v7 =	vld [tilespmem:s13+$0x40];
	_ =	sdelay $0x7  }
0x34: {  	[tilespmem:v7+s7+$0x0] =	vst.idx.add.f32.msk $0xffff, v6  }
0x35: {  	v7 =	vld [tilespmem:s13+$0x50];
	_ =	sdelay $0x7  }
0x36: {  	[tilespmem:v7+s7+$0x0] =	vst.idx.add.f32.msk $0xffff, v6  }
0x37: {  	v7 =	vld [tilespmem:s13+$0x60];
	_ =	sdelay $0x7  }
0x38: {  	[tilespmem:v7+s7+$0x0] =	vst.idx.add.f32.msk $0xffff, v6  }
0x39: {  	v7 =	vld [tilespmem:s13+$0x70];
	_ =	sdelay $0x2  }
0x3a: {  	p1 =	sne.s32 s12, $0x9E00  }
.Ltmp1:
0x3b: {  	_ = 	snop;
	(pc) =	sbr.rel @p1 .LBB2_4-.Ltmp1, $2  }
0x3c: {  	_ =	sdelay $0x2  }
0x3d: {  	s12 =	sadd.s32 $0x200, s12;
	[tilespmem:v7+s7+$0x0] =	vst.idx.add.f32.msk $0xffff, v6  }
0x3e: {  	[bflag:$0x0] =	sbarrier.arrive $0xFFFF  }
0x3f: {  	[spmem:s1] =	stream.indirect.scatter.add.f32 [tilespmem:s7], [sflag:$0x1], $0x80, s9, s8, $0xb8;
	[tilespmem:$0x5300] =	vst v63  }
0x40: {  	_ =	swait.ge [sflag:s6], $0x2800  }
0x41: {  	[sflag:s6] =	ssyncset.done $0x0  }
0x42: {  	s11 =	sadd.s32 $0x1, s11;
	[sflag:s6] =	ssyncadd.s32 $0xFFFFD800  }
0x43: {  	s12 =	simm.s32 @!p0 $0x1C01;
	p1 =	sne.s32 s11, s5;
	[bflag:$0x0] =	sbarrier.arrive $0xFFFF  }
0x44: {  	[hbm:s4], [sflag:s12] =	dma.local @!p0 [spmem:s10], $0x500  }
.Ltmp2:
0x45: {  	_ = 	snop;
	(pc) =	sbr.rel @p1 .LBB2_1-.Ltmp2, $4  }
0x46: {  	s12 =	simm.s32 @!p0 $0x1  }
0x47: {  	_ =	swait.ge @!p0 [sflag:s12], $0x500  }
0x48: {  	[sflag:s12] =	ssyncset.done @!p0 $0x0  }
0x49: {  	[sflag:s12] =	ssyncadd.s32 @!p0 $0xFFFFFB00  }
0x4a: {  	_ =	sfence.sel $0x180000  }
0x4b: {  	[bflag:$0x0] =	sbarrier.arrive $0xFFFF  }
0x4c: {  	_ =	strace $0x90000047  }
0x4d: {  	s0 =	sadd.s32 @!p0 $0x100000, s0;
	[bflag:$0x2] =	sbarrier.arrive $0xFFFF  }
0x4e: {  	[sflag:s0] =	ssyncadd.tile.s32 @!p0 $0x1;
	_ =	shalt  }
.Lfunc_end2:
_tile_overlayer_lowered:
.L_overlay_start_2:
0x4f: {  	(tag) =	ssettag $0x2  }
0x50: {  	s0 =	rddreg [dreg:$0x0];
	s2 =	stileid.u32  }
0x51: {  	s1 =	rddreg [dreg:$0x1];
	p0 =	sne.s32 s2, $0x0  }
0x52: {  	s3 =	rddreg [dreg:$0x2];
	[bflag:$0x3] =	sbarrier.arrive $0xFFFF;
	s2 =	simm.s32 @!p0 $0x1C01  }
0x53: {  	[timem:s3], [sflag:s2] =	dma.local @!p0 [hbm:s0], s1  }
0x54: {  	s0 =	simm.s32 @!p0 $0x1  }
0x55: {  	_ =	swait.ge @!p0 [sflag:s0], s1  }
0x56: {  	s1 =	ssub.s32 @!p0 $0x0, s1;
	[sflag:s0] =	ssyncset.done @!p0 $0x0  }
0x57: {  	[sflag:s0] =	ssyncadd.s32 @!p0 s1  }
0x58: {  	[bflag:$0x3] =	sbarrier.arrive $0xFFFF  }
0x59: {  	_ =	shalt  }

// kernel: kernel.13.cloned.1.call-start
scs
__scs_entry_jumppad:
0x0: {  	(pc) =	sbr.rel $0x88, $3  }
0x1: {  	(tag) =	ssettag $0x0;
	lr =	simm.s32 $0x1  }
0x2: {  	[smem:$0x3F99] =	sst lr;
	_ =	strace $0xD0000000  }
0x3: {  	_ = 	snop  }
0x4: {  	_ = 	snop  }
0x5: {  	_ = 	snop  }
0x6: {  	_ = 	snop  }
0x7: {  	_ = 	snop  }
__scs_overlays_trampoline_lowered:
0x8: {  	[smem:$0x3FA8] =	sst s0  }
0x9: {  	[smem:$0x3FA9] =	sst s1  }
0xa: {  	[smem:$0x3FAA] =	sst s2  }
0xb: {  	[smem:$0x3FAB] =	sst s3  }
0xc: {  	[smem:$0x3FAC] =	sst s4  }
0xd: {  	[smem:$0x3FAD] =	sst s5  }
0xe: {  	[smem:$0x3FAE] =	sst s6  }
0xf: {  	[smem:$0x3FAF] =	sst s7  }
0x10: {  	[smem:$0x3FB0] =	sst s8  }
0x11: {  	[smem:$0x3FB1] =	sst s9;
	s0 =	simm.s32 @!p0 $0x0  }
0x12: {  	s1 =	sld [smem:$0x3F97];
	s0 =	simm.s32 @p0 $0x1  }
0x13: {  	[smem:$0x3FB2] =	sst s0;
	s0 =	simm.s32 @!p1 $0x0  }
0x14: {  	s2 =	sld [smem:$0x3F96];
	s0 =	simm.s32 @p1 $0x1  }
0x15: {  	[smem:$0x3FB3] =	sst s0;
	s0 =	simm.s32 @!p2 $0x0  }
0x16: {  	s3 =	sld [smem:$0x3FDB];
	s0 =	simm.s32 @p2 $0x1  }
0x17: {  	s4 =	simm.s32 $0x1BF5;
	[smem:$0x3FB5] =	sst s0  }
0x18: {  	s0 =	sld [smem:$0x3F98];
	_ =	swait.ge [sflag:s4], $0x0  }
0x19: {  	s7 =	sld [smem:$0x3F99]  }
0x1a: {  	s8 =	sadd.s32 $0xFFFFE003, lr  }
0x1b: {  	s9 =	sadd.s32 $0xFFFFFEF7, lr;
	s5 =	simm.s32 $0xFFFFFFFF;
	p2 =	slt.u32 s8, $0xFFFFF086  }
0x1c: {  	p1 =	slt.u32 s9, $0xF7A;
	s5 =	simm.s32 @!p2 $0x0  }
0x1d: {  	s5 =	simm.s32 @p1 $0x1;
	p0 =	seq.s32 s7, s2  }
0x1e: {  	s7 =	smul.u32 @!p0 $0xF7A, s2;
	p2 =	seq.s32 @!p0 s5, $0x0  }
0x1f: {  	s9 =	smul.u32 $0xF7A, s1;
	s8 =	simm.s32 @!p0 $0x1BF5;
	p2 =	por !p2, p0  }
0x20: {  	[sflag:s8] =	ssyncset.s32 @!p0 $0xFFFFF086;
	s6 =	sadd.s32 @!p0 s3, s7;
	s7 =	simm.s32 @!p0 $0x108  }
0x21: {  	s3 =	sadd.s32 s3, s9;
	s6 =	sadd.s32 @!p0 $0x88, s6;
	s7 =	simm.s32 @p2 $0x1082  }
0x22: {  	[simem:s7], [sflag:s8] =	dma.local @!p0 [hbm:s6], $0xF7A  }
0x23: {  	s9 =	sor.u32 $0xD0000000, s2;
	s6 =	simm.s32 $0x108;
	_ =	swait.ge @!p0 [sflag:s8], $0x0  }
0x24: {  	s3 =	sadd.s32 $0x88, s3;
	s6 =	simm.s32 @!p1 $0x1082;
	[sflag:s4] =	ssyncset.s32 $0xFFFFF086  }
0x25: {  	[simem:s6], [sflag:s4] =	dma.local [hbm:s3], $0xF7A  }
0x26: {  	[smem:$0x3F99] =	sst s1;
	(tag) =	ssettag s2;
	_ =	strace s9  }
0x27: {  	s1 =	sld [smem:$0x3FA9]  }
0x28: {  	s2 =	sld [smem:$0x3FAA]  }
0x29: {  	s4 =	sld [smem:$0x3FAC]  }
0x2a: {  	p0 =	seq.s32 s5, $0x0;
	s5 =	sld [smem:$0x3FAD]  }
0x2b: {  	s6 =	sld [smem:$0x3FAE]  }
0x2c: {  	s7 =	sld [smem:$0x3FAF]  }
0x2d: {  	s3 =	simm.s32 $0x108;
	s8 =	sld [smem:$0x3FB0]  }
0x2e: {  	s3 =	simm.s32 @!p0 $0x1082;
	s9 =	sld [smem:$0x3FB1]  }
0x2f: {  	lr =	sadd.s32 s0, s3;
	s0 =	sld [smem:$0x3FA8]  }
0x30: {  	s3 =	sld [smem:$0x3FAB]  }
0x31: {  	[smem:$0x3FB4] =	sst s10  }
0x32: {  	s10 =	sld [smem:$0x3FB2];
	_ =	sdelay $0x3  }
0x33: {  	p0 =	seq.s32 s10, $0x1;
	s10 =	sld [smem:$0x3FB4];
	_ =	sdelay $0x3  }
0x34: {  	[smem:$0x3FB4] =	sst s10  }
0x35: {  	s10 =	sld [smem:$0x3FB3];
	_ =	sdelay $0x3  }
0x36: {  	p1 =	seq.s32 s10, $0x1;
	s10 =	sld [smem:$0x3FB4];
	_ =	sdelay $0x3  }
0x37: {  	[smem:$0x3FB4] =	sst s10  }
0x38: {  	s10 =	sld [smem:$0x3FB5]  }
0x39: {  	_ = 	snop;
	(pc) =	sbr.ind lr, $3  }
0x3a: {  	_ = 	snop  }
0x3b: {  	_ = 	snop  }
0x3c: {  	p2 =	seq.s32 s10, $0x1;
	s10 =	sld [smem:$0x3FB4]  }
0x3d: {  	_ =	shalt  }
0x3e: {  	_ =	shalt  }
0x3f: {  	_ =	shalt  }
0x40: {  	_ =	shalt  }
0x41: {  	_ =	shalt  }
0x42: {  	_ =	shalt  }
0x43: {  	_ =	shalt  }
0x44: {  	_ =	shalt  }
0x45: {  	_ =	shalt  }
0x46: {  	_ =	shalt  }
0x47: {  	_ =	shalt  }
0x48: {  	_ =	shalt  }
0x49: {  	_ =	shalt  }
0x4a: {  	_ =	shalt  }
0x4b: {  	_ =	shalt  }
0x4c: {  	_ =	shalt  }
0x4d: {  	_ =	shalt  }
0x4e: {  	_ =	shalt  }
0x4f: {  	_ =	shalt  }
0x50: {  	_ =	shalt  }
0x51: {  	_ =	shalt  }
0x52: {  	_ =	shalt  }
0x53: {  	_ =	shalt  }
0x54: {  	_ =	shalt  }
0x55: {  	_ =	shalt  }
0x56: {  	_ =	shalt  }
0x57: {  	_ =	shalt  }
0x58: {  	_ =	shalt  }
0x59: {  	_ =	shalt  }
0x5a: {  	_ =	shalt  }
0x5b: {  	_ =	shalt  }
0x5c: {  	_ =	shalt  }
0x5d: {  	_ =	shalt  }
0x5e: {  	_ =	shalt  }
0x5f: {  	_ =	shalt  }
0x60: {  	_ =	shalt  }
0x61: {  	_ =	shalt  }
0x62: {  	_ =	shalt  }
0x63: {  	_ =	shalt  }
0x64: {  	_ =	shalt  }
0x65: {  	_ =	shalt  }
0x66: {  	_ =	shalt  }
0x67: {  	_ =	shalt  }
0x68: {  	_ =	shalt  }
0x69: {  	_ =	shalt  }
0x6a: {  	_ =	shalt  }
0x6b: {  	_ =	shalt  }
0x6c: {  	_ =	shalt  }
0x6d: {  	_ =	shalt  }
0x6e: {  	_ =	shalt  }
0x6f: {  	_ =	shalt  }
0x70: {  	_ =	shalt  }
0x71: {  	_ =	shalt  }
0x72: {  	_ =	shalt  }
0x73: {  	_ =	shalt  }
0x74: {  	_ =	shalt  }
0x75: {  	_ =	shalt  }
0x76: {  	_ =	shalt  }
0x77: {  	_ =	shalt  }
0x78: {  	_ =	shalt  }
0x79: {  	_ =	shalt  }
0x7a: {  	_ =	shalt  }
0x7b: {  	_ =	shalt  }
0x7c: {  	_ =	shalt  }
0x7d: {  	_ =	shalt  }
0x7e: {  	_ =	shalt  }
0x7f: {  	_ =	shalt  }
0x80: {  	_ =	shalt  }
0x81: {  	_ =	shalt  }
0x82: {  	_ =	shalt  }
0x83: {  	_ =	shalt  }
0x84: {  	_ =	shalt  }
0x85: {  	_ =	shalt  }
0x86: {  	_ =	shalt  }
0x87: {  	_ =	shalt  }
.Lfunc_end0:
.L_simem_size_0:
called_computation.1_lowered:
.L_overlay_start_0:
0x88: {  	s2 =	sld [smem:$0x3FD9]  }
0x89: {  	s3 =	sld [smem:$0x3FFE];
	_ =	sdelay $0x1  }
0x8a: {  	s1 =	srdreg.scid  }
0x8b: {  	s0 =	sand.u32 $0x1, s1  }
0x8c: {  	s17 =	sshll.u32 s0, $0xA;
	s2 =	sadd.s32 s3, s2  }
0x8d: {  	s2 =	sadd.s32 s2, s17  }
0x8e: {  	[smem:$0x3FC0] =	sst s2  }
0x8f: {  	_ = 	snop  }
0x90: {  	s2 =	sld [smem:$0x3FD0];
	(tm) =	ssettm $0x1  }
0x91: {  	s18 =	sld [smem:$0x3FFB];
	_ =	sdelay $0x3  }
0x92: {  	_ =	strace s18  }
0x93: {  	s3 =	sld [smem:$0x3FFC];
	_ =	sdelay $0x3  }
0x94: {  	_ =	strace s3  }
0x95: {  	s3 =	sld [smem:$0x3FFD];
	_ =	sdelay $0x3  }
0x96: {  	_ =	strace s3  }
0x97: {  	_ =	strace $0x8FFFFFFF  }
0x98: {  	s19 =	sld [smem:$0x3FDB];
	_ =	sdelay $0x1  }
0x99: {  	s4 =	simm.s32 $_scs_section_size  }
0x9a: {  	s5 =	simm.s32 $_size__tile_overlayer_lowered;
	s6 =	simm.s32 $_tile_overlayer_lowered  }
0x9b: {  	s22 =	simm.s32 $0x1BFF;
	s21 =	sshll.u32 s6, $0x1;
	s3 =	sadd.s32 s4, s19  }
0x9c: {  	s7 =	simm.s32 $0x0;
	s20 =	sshll.u32 s5, $0x1;
	s5 =	sadd.s32 s21, s3  }
0x9d: {  	[timem:s7], [sflag:s22] =	dma.local [hbm:s5], s20  }
0x9e: {  	_ =	swait.ge [sflag:s22], s20  }
0x9f: {  	s4 =	ssub.s32 $0x0, s20;
	[sflag:s22] =	ssyncset.done $0x0  }
0xa0: {  	[sflag:s22] =	ssyncadd.s32 s4;
	_ =	sdelay $0x1  }
0xa1: {  	s23 =	simm.s32 $0x1B8B  }
0xa2: {  	_ =	swait.ge [sflag:s23], $0x1  }
0xa3: {  	[sflag:s23] =	ssyncset.done $0x0  }
0xa4: {  	s25 =	simm.s32 $0x1B8E;
	s24 =	sld [smem:$0x3FFE];
	[sflag:s23] =	ssyncadd.s32 $0xFFFFFFFF  }
0xa5: {  	s26 =	simm.s32 $execute0_lowered;
	[smem:$0x3FD2] =	sst s25  }
0xa6: {  	s5 =	sshll.u32 s26, $0x1;
	_ =	strace $0x80000049;
	[dreg:$0x1] =	wrdreg $0xFFFFFFFF  }
0xa7: {  	s28 =	simm.s32 $_size_execute0_lowered;
	s3 =	sadd.s32 s3, s5;
	[dreg:$0x0] =	wrdreg $0x0  }
0xa8: {  	s5 =	sshll.u32 s28, $0x1;
	[dreg:$0x2] =	wrdreg s3  }
0xa9: {  	[dreg:$0x3] =	wrdreg s5  }
0xaa: {  	[dreg:$0x4] =	wrdreg $0xC0  }
0xab: {  	_ =	task [dreg:s7], $0x5FFFF  }
0xac: {  	[dreg:$0x1] =	wrdreg $0xFFFFFFFF  }
0xad: {  	[dreg:$0x0] =	wrdreg $0x60  }
0xae: {  	[dreg:$0x2] =	wrdreg s24  }
0xaf: {  	[dreg:$0x3] =	wrdreg s2  }
0xb0: {  	[dreg:$0x4] =	wrdreg $0x28000  }
0xb1: {  	[dreg:$0x5] =	wrdreg $0x9  }
0xb2: {  	_ =	task.clear_ibuf [dreg:s7], $0x6FFFF;
	_ =	strace $0x90000049  }
0xb3: {  	s29 =	simm.s32 $0x9;
	_ =	strace $0x8000004B  }
0xb4: {  	_ =	swait.ge [sflag:s29], $0x1  }
0xb5: {  	[sflag:s29] =	ssyncadd.s32 $0xFFFFFFFF  }
0xb6: {  	_ =	strace $0x9000004B  }
0xb7: {  	_ =	sfence  }
0xb8: {  	s30 =	sld [smem:$0x0];
	_ =	sdelay $0x2  }
0xb9: {  	s31 =	sshll.u32 s1, $0xD;
	s1 =	sshrl.u32 s1, $0x2  }
0xba: {  	s3 =	sand.u32 $0x4000, s31;
	s1 =	sadd.s32 s1, s30  }
0xbb: {  	s0 =	sor.u32 s3, s0;
	s1 =	sshll.u32 s1, $0x11  }
0xbc: {  	s0 =	sor.u32 s1, s0  }
0xbd: {  	s0 =	sadd.s32 $0x8F2B, s0  }
0xbe: {  	[sflag:s0] =	ssyncadd.remote.s32 $0x1  }
0xbf: {  	_ =	sfence.sel $0xFFFF  }
0xc0: {  	[dreg:$0x0] =	wrdreg $0xFFFFFFFF;
	(pc) =	sbr.abs _section_cstart, $3  }
0xc1: {  	[dreg:$0x1] =	wrdreg $0xFFFFFFFF  }
0xc2: {  	_ =	task.clear_ibuf [dreg:s7], $0x2FFFF;
	_ =	strace $0x9FFFFFFF  }
0xc3: {  	(tm) =	ssettm $0x7FFFFFFF  }
tec
execute0_lowered:
.L_overlay_start_1:
0x0: {  	(tag) =	ssettag $0x1  }
0x1: {  	s5 =	rddreg [dreg:$0x0]  }
0x2: {  	s13 =	rddreg [dreg:$0x1]  }
0x3: {  	s0 =	srdreg.scid;
	s2 =	rddreg [dreg:$0x2]  }
0x4: {  	s1 =	stileid.u32;
	s3 =	simm.s32 $0x0;
	s17 =	simm.s32 $0x3  }
0x5: {  	s18 =	simm.s32 $0x1400;
	s19 =	simm.s32 $0x80;
	s20 =	simm.s32 $0x1  }
0x6: {  	s21 =	simm.s32 $0x1A800;
	s22 =	simm.s32 $0x2;
	s23 =	simm.s32 $0x1380  }
0x7: {  	s24 =	simm.s32 $0x2700;
	s6 =	sand.u32 $0x1, s0;
	s0 =	rddreg [dreg:$0x3]  }
0x8: {  	s25 =	simm.s32 $0x2780;
	s7 =	smul.u32 $0x14000, s1;
	[smem:$0x7FF] =	sst s3  }
0x9: {  	s8 =	smul.u32 $0x50000, s1;
	s12 =	sadd.s32 $0x3600, s5;
	s28 =	sshll.u32 s1, $0x1  }
0xa: {  	s4 =	smul.u32 $0x140000, s6;
	_ =	strace $0x8000004A;
	s9 =	sor.u32 s6, s28  }
0xb: {  	s29 =	ssub.s32 $0x2, s6;
	s30 =	sshrl.u32 s8, $0x2;
	s10 =	smul.u32 $0x2800, s9  }
0xc: {  	s31 =	sshrl.u32 s29, $0x1;
	s11 =	smul.u32 $0x500, s9;
	s7 =	sadd.s32 s7, s4  }
0xd: {  	s4 =	sadd.s32 $0xD600, s5;
	s15 =	ssub.s32 s29, s31;
	s7 =	sshrl.u32 s7, $0x3  }
0xe: {  	s16 =	sshrl.u32 s10, $0x3;
	s10 =	sadd.s32 s12, s11;
	s11 =	sadd.s32 s13, s11  }
0xf: {  	s15 =	smax.u32 s15, $0x1;
	s14 =	sadd.s32 s7, s5;
	s5 =	sadd.s32 s30, s2  }
0x10: {  	s16 =	sadd.s32 $0x280, s16;
	s6 =	sadd.s32 $0x4000, s5;
	s7 =	sadd.s32 $0x8000, s5  }
0x11: {  	s8 =	sadd.s32 $0xC000, s5;
	s9 =	sadd.s32 $0x10000, s5;
	s12 =	sadd.s32 s12, s16  }
0x12: {  	v0 =	vimm.f32 $0.0e+00;
	s13 =	sadd.s32 s13, s16;
	s14 =	sadd.s32 $0x35600, s14;
	s16 =	simm.s32 $0x16800  }
.LBB2_1:
0x13: {  	s26 =	simm.s32 $0x0;
	s28 =	simm.s32 $0x200  }
.LBB2_2:
0x14: {  	p0 =	sne.s32 s28, $0xFE00;
	[tilespmem:s26+$0x16870] =	vst v0  }
0x15: {  	[tilespmem:s26+$0x16800] =	vst v0  }
0x16: {  	[tilespmem:s26+$0x16810] =	vst v0  }
.Ltmp0:
0x17: {  	[tilespmem:s26+$0x16820] =	vst v0;
	(pc) =	sbr.rel @p0 .LBB2_2-.Ltmp0, $4  }
0x18: {  	[tilespmem:s26+$0x16830] =	vst v0  }
0x19: {  	[tilespmem:s26+$0x16840] =	vst v0  }
0x1a: {  	[tilespmem:s26+$0x16850] =	vst v0  }
0x1b: {  	[tilespmem:s26+$0x16860] =	vst v0;
	s26 =	sshra.s32 s28, $0x2;
	s28 =	sadd.s32 $0x200, s28  }
0x1c: {  	[tilespmem:s26+$0x16870] =	vst v0  }
0x1d: {  	[tilespmem:s26+$0x16800] =	vst v0  }
0x1e: {  	[tilespmem:s26+$0x16810] =	vst v0  }
0x1f: {  	[tilespmem:s26+$0x16820] =	vst v0  }
0x20: {  	[tilespmem:s26+$0x16830] =	vst v0  }
0x21: {  	[tilespmem:s26+$0x16840] =	vst v0  }
0x22: {  	[tilespmem:s26+$0x16850] =	vst v0  }
0x23: {  	[tilespmem:s26+$0x16860] =	vst v0  }
0x24: {  	[spmem:s5] =	stream.linear.scatter [tilespmem:s16], [sflag:$0x3], $0x4000, $0x38;
	[tilespmem:$0x1E800] =	vst v63  }
0x25: {  	_ =	swait.ge [sflag:s17], $0x4000  }
0x26: {  	[sflag:s17] =	ssyncset.done $0x0  }
0x27: {  	[sflag:s17] =	ssyncadd.s32 $0xFFFFC000  }
0x28: {  	[spmem:s6] =	stream.linear.scatter [tilespmem:s16], [sflag:$0x3], $0x4000, $0x38;
	[tilespmem:$0x1E800] =	vst v63  }
0x29: {  	_ =	swait.ge [sflag:s17], $0x4000  }
0x2a: {  	[sflag:s17] =	ssyncset.done $0x0  }
0x2b: {  	[sflag:s17] =	ssyncadd.s32 $0xFFFFC000  }
0x2c: {  	[spmem:s7] =	stream.linear.scatter [tilespmem:s16], [sflag:$0x3], $0x4000, $0x38;
	[tilespmem:$0x1E800] =	vst v63  }
0x2d: {  	_ =	swait.ge [sflag:s17], $0x4000  }
0x2e: {  	[sflag:s17] =	ssyncset.done $0x0  }
0x2f: {  	[sflag:s17] =	ssyncadd.s32 $0xFFFFC000  }
0x30: {  	[spmem:s8] =	stream.linear.scatter [tilespmem:s16], [sflag:$0x3], $0x4000, $0x38;
	[tilespmem:$0x1E800] =	vst v63  }
0x31: {  	_ =	swait.ge [sflag:s17], $0x4000  }
0x32: {  	[sflag:s17] =	ssyncset.done $0x0  }
0x33: {  	[sflag:s17] =	ssyncadd.s32 $0xFFFFC000  }
0x34: {  	[spmem:s9] =	stream.linear.scatter [tilespmem:s16], [sflag:$0x3], $0x4000, $0x38;
	[tilespmem:$0x1E800] =	vst v63  }
0x35: {  	_ =	swait.ge [sflag:s17], $0x4000  }
0x36: {  	[sflag:s17] =	ssyncset.done $0x0  }
0x37: {  	[sflag:s17] =	ssyncadd.s32 $0xFFFFC000  }
0x38: {  	s31 =	simm.s32 $0x0;
	[bflag:$0x0] =	sbarrier.arrive $0xFFFF  }
0x39: {  	[tilespmem:s31], [sflag:$0x3] =	stream.linear.gather [hbm4b:s10+s31], $0x1400, $0x38;
	[tilespmem:$0x1E800] =	vst v63  }
0x3a: {  	_ =	swait.ge [sflag:s17], $0x1400  }
0x3b: {  	[sflag:s17] =	ssyncset.done $0x0  }
0x3c: {  	[sflag:s17] =	ssyncadd.s32 $0xFFFFEC00  }
0x3d: {  	[tilespmem:s18], [sflag:$0x3] =	stream.linear.gather [hbm4b:s11+s31], $0x1400, $0x38;
	[tilespmem:$0x1E800] =	vst v63  }
0x3e: {  	_ =	swait.ge [sflag:s17], $0x1400  }
0x3f: {  	[sflag:s17] =	ssyncset.done $0x0  }
0x40: {  	[sflag:s17] =	ssyncadd.s32 $0xFFFFEC00  }
0x41: {  	[tilespmem:s16], [sflag:$0x1] =	stream.indirect.gather [hbm4b:s4+s19], $0x80, s31, s19, $0xb8;
	[tilespmem:$0x1E800] =	vst v63  }
0x42: {  	_ =	swait.ge [sflag:s20], $0x4000  }
0x43: {  	[sflag:s20] =	ssyncset.done $0x0  }
0x44: {  	s28 =	simm.s32 $0x80;
	[sflag:s20] =	ssyncadd.s32 $0xFFFFC000  }
0x45: {  	[tilespmem:s21], [sflag:$0x2] =	stream.indirect.gather [hbm4b:s4+s19], $0x80, s28, s19, $0xb8;
	[tilespmem:$0x1E800] =	vst v63  }
0x46: {  	s29 =	simm.s32 $0x1400  }
0x47: {  	[spmem:s2] =	stream.indirect.scatter.add.f32 [tilespmem:s16], [sflag:$0x3], $0x80, s29, s19, $0xb8;
	[tilespmem:$0x1E800] =	vst v63  }
0x48: {  	_ =	swait.ge [sflag:s17], $0x4000  }
0x49: {  	[sflag:s17] =	ssyncset.done $0x0  }
0x4a: {  	[sflag:s17] =	ssyncadd.s32 $0xFFFFC000  }
0x4b: {  	_ =	swait.ge [sflag:s22], $0x4000  }
0x4c: {  	[sflag:s22] =	ssyncset.done $0x0  }
0x4d: {  	s30 =	simm.s32 $0x100;
	[sflag:s22] =	ssyncadd.s32 $0xFFFFC000  }
0x4e: {  	[tilespmem:s16], [sflag:$0x1] =	stream.indirect.gather [hbm4b:s4+s19], $0x80, s30, s19, $0xb8;
	[tilespmem:$0x1E800] =	vst v63  }
0x4f: {  	s31 =	simm.s32 $0x1480  }
0x50: {  	[spmem:s2] =	stream.indirect.scatter.add.f32 [tilespmem:s21], [sflag:$0x3], $0x80, s31, s19, $0xb8;
	[tilespmem:$0x1E800] =	vst v63  }
0x51: {  	_ =	swait.ge [sflag:s17], $0x4000  }
0x52: {  	s26 =	simm.s32 $0x400;
	[sflag:s17] =	ssyncset.done $0x0  }
.LBB2_4:
0x53: {  	p0 =	sne.s32 s26, $0x4800  }
0x54: {  	[sflag:s17] =	ssyncadd.s32 $0xFFFFC000;
	s28 =	smov.u32 s26;
	s26 =	sadd.s32 $0x400, s26  }
0x55: {  	_ = 	snop  }
0x56: {  	_ =	swait.ge [sflag:s20], $0x4000  }
0x57: {  	s28 =	sshra.s32 s28, $0x2;
	[sflag:s20] =	ssyncset.done $0x0  }
0x58: {  	s29 =	sadd.s32 $0x80, s28;
	[sflag:s20] =	ssyncadd.s32 $0xFFFFC000  }
0x59: {  	[tilespmem:s21], [sflag:$0x2] =	stream.indirect.gather [hbm4b:s4+s19], $0x80, s29, s19, $0xb8;
	[tilespmem:$0x1E800] =	vst v63  }
0x5a: {  	s29 =	sadd.s32 $0x1400, s28  }
0x5b: {  	[spmem:s2] =	stream.indirect.scatter.add.f32 [tilespmem:s16], [sflag:$0x3], $0x80, s29, s19, $0xb8;
	[tilespmem:$0x1E800] =	vst v63  }
0x5c: {  	_ =	swait.ge [sflag:s17], $0x4000  }
0x5d: {  	[sflag:s17] =	ssyncset.done $0x0  }
0x5e: {  	[sflag:s17] =	ssyncadd.s32 $0xFFFFC000  }
0x5f: {  	_ =	swait.ge [sflag:s22], $0x4000  }
0x60: {  	[sflag:s22] =	ssyncset.done $0x0  }
0x61: {  	s29 =	sadd.s32 $0x100, s28;
	[sflag:s22] =	ssyncadd.s32 $0xFFFFC000  }
0x62: {  	[tilespmem:s16], [sflag:$0x1] =	stream.indirect.gather [hbm4b:s4+s19], $0x80, s29, s19, $0xb8;
	[tilespmem:$0x1E800] =	vst v63  }
.Ltmp1:
0x63: {  	_ = 	snop;
	(pc) =	sbr.rel @p0 .LBB2_4-.Ltmp1, $4  }
0x64: {  	s28 =	sadd.s32 $0x1480, s28  }
0x65: {  	[spmem:s2] =	stream.indirect.scatter.add.f32 [tilespmem:s21], [sflag:$0x3], $0x80, s28, s19, $0xb8;
	[tilespmem:$0x1E800] =	vst v63  }
0x66: {  	_ =	swait.ge [sflag:s17], $0x4000  }
0x67: {  	[sflag:s17] =	ssyncset.done $0x0  }
0x68: {  	[sflag:s17] =	ssyncadd.s32 $0xFFFFC000  }
0x69: {  	_ =	swait.ge [sflag:s20], $0x4000  }
0x6a: {  	[sflag:s20] =	ssyncset.done $0x0  }
0x6b: {  	[sflag:s20] =	ssyncadd.s32 $0xFFFFC000  }
0x6c: {  	[tilespmem:s21], [sflag:$0x2] =	stream.indirect.gather [hbm4b:s4+s19], $0x80, s23, s19, $0xb8;
	[tilespmem:$0x1E800] =	vst v63  }
0x6d: {  	_ = 	snop  }
0x6e: {  	[spmem:s2] =	stream.indirect.scatter.add.f32 [tilespmem:s16], [sflag:$0x3], $0x80, s24, s19, $0xb8;
	[tilespmem:$0x1E800] =	vst v63  }
0x6f: {  	_ =	swait.ge [sflag:s17], $0x4000  }
0x70: {  	[sflag:s17] =	ssyncset.done $0x0  }
0x71: {  	[sflag:s17] =	ssyncadd.s32 $0xFFFFC000  }
0x72: {  	_ =	swait.ge [sflag:s22], $0x4000  }
0x73: {  	[sflag:s22] =	ssyncset.done $0x0  }
0x74: {  	[sflag:s22] =	ssyncadd.s32 $0xFFFFC000  }
0x75: {  	[spmem:s2] =	stream.indirect.scatter.add.f32 [tilespmem:s21], [sflag:$0x3], $0x80, s25, s19, $0xb8;
	[tilespmem:$0x1E800] =	vst v63  }
0x76: {  	_ =	swait.ge [sflag:s17], $0x4000  }
0x77: {  	[sflag:s17] =	ssyncset.done $0x0  }
0x78: {  	s26 =	simm.s32 $0x0;
	[sflag:s17] =	ssyncadd.s32 $0xFFFFC000  }
0x79: {  	[tilespmem:s26], [sflag:$0x3] =	stream.linear.gather [hbm4b:s12+s26], $0x1400, $0x38;
	[tilespmem:$0x1E800] =	vst v63  }
0x7a: {  	_ =	swait.ge [sflag:s17], $0x1400  }
0x7b: {  	[sflag:s17] =	ssyncset.done $0x0  }
0x7c: {  	[sflag:s17] =	ssyncadd.s32 $0xFFFFEC00  }
0x7d: {  	[tilespmem:s18], [sflag:$0x3] =	stream.linear.gather [hbm4b:s13+s26], $0x1400, $0x38;
	[tilespmem:$0x1E800] =	vst v63  }
0x7e: {  	_ =	swait.ge [sflag:s17], $0x1400  }
0x7f: {  	[sflag:s17] =	ssyncset.done $0x0  }
0x80: {  	[sflag:s17] =	ssyncadd.s32 $0xFFFFEC00  }
0x81: {  	[tilespmem:s16], [sflag:$0x1] =	stream.indirect.gather [hbm4b:s4+s19], $0x80, s26, s19, $0xb8;
	[tilespmem:$0x1E800] =	vst v63  }
0x82: {  	_ =	swait.ge [sflag:s20], $0x4000  }
0x83: {  	[sflag:s20] =	ssyncset.done $0x0  }
0x84: {  	s28 =	simm.s32 $0x80;
	[sflag:s20] =	ssyncadd.s32 $0xFFFFC000  }
0x85: {  	[tilespmem:s21], [sflag:$0x2] =	stream.indirect.gather [hbm4b:s4+s19], $0x80, s28, s19, $0xb8;
	[tilespmem:$0x1E800] =	vst v63  }
0x86: {  	s29 =	simm.s32 $0x1400  }
0x87: {  	[spmem:s2] =	stream.indirect.scatter.add.f32 [tilespmem:s16], [sflag:$0x3], $0x80, s29, s19, $0xb8;
	[tilespmem:$0x1E800] =	vst v63  }
0x88: {  	_ =	swait.ge [sflag:s17], $0x4000  }
0x89: {  	[sflag:s17] =	ssyncset.done $0x0  }
0x8a: {  	[sflag:s17] =	ssyncadd.s32 $0xFFFFC000  }
0x8b: {  	_ =	swait.ge [sflag:s22], $0x4000  }
0x8c: {  	[sflag:s22] =	ssyncset.done $0x0  }
0x8d: {  	s30 =	simm.s32 $0x100;
	[sflag:s22] =	ssyncadd.s32 $0xFFFFC000  }
0x8e: {  	[tilespmem:s16], [sflag:$0x1] =	stream.indirect.gather [hbm4b:s4+s19], $0x80, s30, s19, $0xb8;
	[tilespmem:$0x1E800] =	vst v63  }
0x8f: {  	s31 =	simm.s32 $0x1480  }
0x90: {  	[spmem:s2] =	stream.indirect.scatter.add.f32 [tilespmem:s21], [sflag:$0x3], $0x80, s31, s19, $0xb8;
	[tilespmem:$0x1E800] =	vst v63  }
0x91: {  	_ =	swait.ge [sflag:s17], $0x4000  }
0x92: {  	s26 =	simm.s32 $0x400;
	[sflag:s17] =	ssyncset.done $0x0  }
.LBB2_6:
0x93: {  	p0 =	sne.s32 s26, $0x4800  }
0x94: {  	[sflag:s17] =	ssyncadd.s32 $0xFFFFC000;
	s28 =	smov.u32 s26;
	s26 =	sadd.s32 $0x400, s26  }
0x95: {  	_ = 	snop  }
0x96: {  	_ =	swait.ge [sflag:s20], $0x4000  }
0x97: {  	s28 =	sshra.s32 s28, $0x2;
	[sflag:s20] =	ssyncset.done $0x0  }
0x98: {  	s29 =	sadd.s32 $0x80, s28;
	[sflag:s20] =	ssyncadd.s32 $0xFFFFC000  }
0x99: {  	[tilespmem:s21], [sflag:$0x2] =	stream.indirect.gather [hbm4b:s4+s19], $0x80, s29, s19, $0xb8;
	[tilespmem:$0x1E800] =	vst v63  }
0x9a: {  	s29 =	sadd.s32 $0x1400, s28  }
0x9b: {  	[spmem:s2] =	stream.indirect.scatter.add.f32 [tilespmem:s16], [sflag:$0x3], $0x80, s29, s19, $0xb8;
	[tilespmem:$0x1E800] =	vst v63  }
0x9c: {  	_ =	swait.ge [sflag:s17], $0x4000  }
0x9d: {  	[sflag:s17] =	ssyncset.done $0x0  }
0x9e: {  	[sflag:s17] =	ssyncadd.s32 $0xFFFFC000  }
0x9f: {  	_ =	swait.ge [sflag:s22], $0x4000  }
0xa0: {  	[sflag:s22] =	ssyncset.done $0x0  }
0xa1: {  	s29 =	sadd.s32 $0x100, s28;
	[sflag:s22] =	ssyncadd.s32 $0xFFFFC000  }
0xa2: {  	[tilespmem:s16], [sflag:$0x1] =	stream.indirect.gather [hbm4b:s4+s19], $0x80, s29, s19, $0xb8;
	[tilespmem:$0x1E800] =	vst v63  }
.Ltmp2:
0xa3: {  	_ = 	snop;
	(pc) =	sbr.rel @p0 .LBB2_6-.Ltmp2, $4  }
0xa4: {  	s28 =	sadd.s32 $0x1480, s28  }
0xa5: {  	[spmem:s2] =	stream.indirect.scatter.add.f32 [tilespmem:s21], [sflag:$0x3], $0x80, s28, s19, $0xb8;
	[tilespmem:$0x1E800] =	vst v63  }
0xa6: {  	_ =	swait.ge [sflag:s17], $0x4000  }
0xa7: {  	[sflag:s17] =	ssyncset.done $0x0  }
0xa8: {  	[sflag:s17] =	ssyncadd.s32 $0xFFFFC000  }
0xa9: {  	_ =	swait.ge [sflag:s20], $0x4000  }
0xaa: {  	[sflag:s20] =	ssyncset.done $0x0  }
0xab: {  	[sflag:s20] =	ssyncadd.s32 $0xFFFFC000  }
0xac: {  	[tilespmem:s21], [sflag:$0x2] =	stream.indirect.gather [hbm4b:s4+s19], $0x80, s23, s19, $0xb8;
	[tilespmem:$0x1E800] =	vst v63  }
0xad: {  	_ = 	snop  }
0xae: {  	[spmem:s2] =	stream.indirect.scatter.add.f32 [tilespmem:s16], [sflag:$0x3], $0x80, s24, s19, $0xb8;
	[tilespmem:$0x1E800] =	vst v63  }
0xaf: {  	_ =	swait.ge [sflag:s17], $0x4000  }
0xb0: {  	[sflag:s17] =	ssyncset.done $0x0  }
0xb1: {  	[sflag:s17] =	ssyncadd.s32 $0xFFFFC000  }
0xb2: {  	_ =	swait.ge [sflag:s22], $0x4000  }
0xb3: {  	[sflag:s22] =	ssyncset.done $0x0  }
0xb4: {  	[sflag:s22] =	ssyncadd.s32 $0xFFFFC000  }
0xb5: {  	[spmem:s2] =	stream.indirect.scatter.add.f32 [tilespmem:s21], [sflag:$0x3], $0x80, s25, s19, $0xb8;
	[tilespmem:$0x1E800] =	vst v63  }
0xb6: {  	_ =	swait.ge [sflag:s17], $0x4000  }
0xb7: {  	s26 =	sshll.u32 s1, $0x6;
	s3 =	sadd.s32 $0x1, s3;
	[sflag:s17] =	ssyncset.done $0x0  }
0xb8: {  	s28 =	sshrl.u32 s5, $0x3;
	p0 =	sne.s32 s3, s15;
	[sflag:s17] =	ssyncadd.s32 $0xFFFFC000  }
.Ltmp3:
0xb9: {  	s26 =	sor.u32 $0x1C03, s26;
	[bflag:$0x0] =	sbarrier.arrive $0xFFFF;
	(pc) =	sbr.rel @p0 .LBB2_1-.Ltmp3, $4  }
0xba: {  	[hbm:s14], [sflag:s26] =	dma.local [spmem:s28], $0x2800  }
0xbb: {  	_ =	swait.ge [sflag:s17], $0x2800  }
0xbc: {  	[sflag:s17] =	ssyncset.done $0x0  }
0xbd: {  	[sflag:s17] =	ssyncadd.s32 $0xFFFFD800  }
0xbe: {  	_ =	sfence.sel $0x180000  }
0xbf: {  	[bflag:$0x0] =	sbarrier.arrive $0xFFFF  }
0xc0: {  	p0 =	sne.s32 s1, $0x0;
	_ =	strace $0x9000004A  }
0xc1: {  	s0 =	sadd.s32 @!p0 $0x100000, s0;
	[bflag:$0x2] =	sbarrier.arrive $0xFFFF  }
0xc2: {  	[sflag:s0] =	ssyncadd.tile.s32 @!p0 $0x1;
	_ =	shalt  }
.Lfunc_end2:
_tile_overlayer_lowered:
.L_overlay_start_2:
0xc3: {  	(tag) =	ssettag $0x2  }
0xc4: {  	s0 =	rddreg [dreg:$0x0];
	s2 =	stileid.u32  }
0xc5: {  	s1 =	rddreg [dreg:$0x1];
	p0 =	sne.s32 s2, $0x0  }
0xc6: {  	s3 =	rddreg [dreg:$0x2];
	[bflag:$0x3] =	sbarrier.arrive $0xFFFF;
	s2 =	simm.s32 @!p0 $0x1C03  }
0xc7: {  	[timem:s3], [sflag:s2] =	dma.local @!p0 [hbm:s0], s1  }
0xc8: {  	s0 =	simm.s32 @!p0 $0x3  }
0xc9: {  	_ =	swait.ge @!p0 [sflag:s0], s1  }
0xca: {  	s1 =	ssub.s32 @!p0 $0x0, s1;
	[sflag:s0] =	ssyncset.done @!p0 $0x0  }
0xcb: {  	[sflag:s0] =	ssyncadd.s32 @!p0 s1  }
0xcc: {  	[bflag:$0x3] =	sbarrier.arrive $0xFFFF  }
0xcd: {  	_ =	shalt  }

// kernel: kernel.16.cloned.1.call-start
scs
__scs_entry_jumppad:
0x0: {  	(pc) =	sbr.rel $0x88, $3  }
0x1: {  	(tag) =	ssettag $0x0;
	lr =	simm.s32 $0x1  }
0x2: {  	[smem:$0x3F99] =	sst lr;
	_ =	strace $0xD0000000  }
0x3: {  	_ = 	snop  }
0x4: {  	_ = 	snop  }
0x5: {  	_ = 	snop  }
0x6: {  	_ = 	snop  }
0x7: {  	_ = 	snop  }
__scs_overlays_trampoline_lowered:
0x8: {  	[smem:$0x3FA8] =	sst s0  }
0x9: {  	[smem:$0x3FA9] =	sst s1  }
0xa: {  	[smem:$0x3FAA] =	sst s2  }
0xb: {  	[smem:$0x3FAB] =	sst s3  }
0xc: {  	[smem:$0x3FAC] =	sst s4  }
0xd: {  	[smem:$0x3FAD] =	sst s5  }
0xe: {  	[smem:$0x3FAE] =	sst s6  }
0xf: {  	[smem:$0x3FAF] =	sst s7  }
0x10: {  	[smem:$0x3FB0] =	sst s8  }
0x11: {  	[smem:$0x3FB1] =	sst s9;
	s0 =	simm.s32 @!p0 $0x0  }
0x12: {  	s1 =	sld [smem:$0x3F97];
	s0 =	simm.s32 @p0 $0x1  }
0x13: {  	[smem:$0x3FB2] =	sst s0;
	s0 =	simm.s32 @!p1 $0x0  }
0x14: {  	s2 =	sld [smem:$0x3F96];
	s0 =	simm.s32 @p1 $0x1  }
0x15: {  	[smem:$0x3FB3] =	sst s0;
	s0 =	simm.s32 @!p2 $0x0  }
0x16: {  	s3 =	sld [smem:$0x3FDB];
	s0 =	simm.s32 @p2 $0x1  }
0x17: {  	s4 =	simm.s32 $0x1BF5;
	[smem:$0x3FB5] =	sst s0  }
0x18: {  	s0 =	sld [smem:$0x3F98];
	_ =	swait.ge [sflag:s4], $0x0  }
0x19: {  	s7 =	sld [smem:$0x3F99]  }
0x1a: {  	s8 =	sadd.s32 $0xFFFFE003, lr  }
0x1b: {  	s9 =	sadd.s32 $0xFFFFFEF7, lr;
	s5 =	simm.s32 $0xFFFFFFFF;
	p2 =	slt.u32 s8, $0xFFFFF086  }
0x1c: {  	p1 =	slt.u32 s9, $0xF7A;
	s5 =	simm.s32 @!p2 $0x0  }
0x1d: {  	s5 =	simm.s32 @p1 $0x1;
	p0 =	seq.s32 s7, s2  }
0x1e: {  	s7 =	smul.u32 @!p0 $0xF7A, s2;
	p2 =	seq.s32 @!p0 s5, $0x0  }
0x1f: {  	s9 =	smul.u32 $0xF7A, s1;
	s8 =	simm.s32 @!p0 $0x1BF5;
	p2 =	por !p2, p0  }
0x20: {  	[sflag:s8] =	ssyncset.s32 @!p0 $0xFFFFF086;
	s6 =	sadd.s32 @!p0 s3, s7;
	s7 =	simm.s32 @!p0 $0x108  }
0x21: {  	s3 =	sadd.s32 s3, s9;
	s6 =	sadd.s32 @!p0 $0x88, s6;
	s7 =	simm.s32 @p2 $0x1082  }
0x22: {  	[simem:s7], [sflag:s8] =	dma.local @!p0 [hbm:s6], $0xF7A  }
0x23: {  	s9 =	sor.u32 $0xD0000000, s2;
	s6 =	simm.s32 $0x108;
	_ =	swait.ge @!p0 [sflag:s8], $0x0  }
0x24: {  	s3 =	sadd.s32 $0x88, s3;
	s6 =	simm.s32 @!p1 $0x1082;
	[sflag:s4] =	ssyncset.s32 $0xFFFFF086  }
0x25: {  	[simem:s6], [sflag:s4] =	dma.local [hbm:s3], $0xF7A  }
0x26: {  	[smem:$0x3F99] =	sst s1;
	(tag) =	ssettag s2;
	_ =	strace s9  }
0x27: {  	s1 =	sld [smem:$0x3FA9]  }
0x28: {  	s2 =	sld [smem:$0x3FAA]  }
0x29: {  	s4 =	sld [smem:$0x3FAC]  }
0x2a: {  	p0 =	seq.s32 s5, $0x0;
	s5 =	sld [smem:$0x3FAD]  }
0x2b: {  	s6 =	sld [smem:$0x3FAE]  }
0x2c: {  	s7 =	sld [smem:$0x3FAF]  }
0x2d: {  	s3 =	simm.s32 $0x108;
	s8 =	sld [smem:$0x3FB0]  }
0x2e: {  	s3 =	simm.s32 @!p0 $0x1082;
	s9 =	sld [smem:$0x3FB1]  }
0x2f: {  	lr =	sadd.s32 s0, s3;
	s0 =	sld [smem:$0x3FA8]  }
0x30: {  	s3 =	sld [smem:$0x3FAB]  }
0x31: {  	[smem:$0x3FB4] =	sst s10  }
0x32: {  	s10 =	sld [smem:$0x3FB2];
	_ =	sdelay $0x3  }
0x33: {  	p0 =	seq.s32 s10, $0x1;
	s10 =	sld [smem:$0x3FB4];
	_ =	sdelay $0x3  }
0x34: {  	[smem:$0x3FB4] =	sst s10  }
0x35: {  	s10 =	sld [smem:$0x3FB3];
	_ =	sdelay $0x3  }
0x36: {  	p1 =	seq.s32 s10, $0x1;
	s10 =	sld [smem:$0x3FB4];
	_ =	sdelay $0x3  }
0x37: {  	[smem:$0x3FB4] =	sst s10  }
0x38: {  	s10 =	sld [smem:$0x3FB5]  }
0x39: {  	_ = 	snop;
	(pc) =	sbr.ind lr, $3  }
0x3a: {  	_ = 	snop  }
0x3b: {  	_ = 	snop  }
0x3c: {  	p2 =	seq.s32 s10, $0x1;
	s10 =	sld [smem:$0x3FB4]  }
0x3d: {  	_ =	shalt  }
0x3e: {  	_ =	shalt  }
0x3f: {  	_ =	shalt  }
0x40: {  	_ =	shalt  }
0x41: {  	_ =	shalt  }
0x42: {  	_ =	shalt  }
0x43: {  	_ =	shalt  }
0x44: {  	_ =	shalt  }
0x45: {  	_ =	shalt  }
0x46: {  	_ =	shalt  }
0x47: {  	_ =	shalt  }
0x48: {  	_ =	shalt  }
0x49: {  	_ =	shalt  }
0x4a: {  	_ =	shalt  }
0x4b: {  	_ =	shalt  }
0x4c: {  	_ =	shalt  }
0x4d: {  	_ =	shalt  }
0x4e: {  	_ =	shalt  }
0x4f: {  	_ =	shalt  }
0x50: {  	_ =	shalt  }
0x51: {  	_ =	shalt  }
0x52: {  	_ =	shalt  }
0x53: {  	_ =	shalt  }
0x54: {  	_ =	shalt  }
0x55: {  	_ =	shalt  }
0x56: {  	_ =	shalt  }
0x57: {  	_ =	shalt  }
0x58: {  	_ =	shalt  }
0x59: {  	_ =	shalt  }
0x5a: {  	_ =	shalt  }
0x5b: {  	_ =	shalt  }
0x5c: {  	_ =	shalt  }
0x5d: {  	_ =	shalt  }
0x5e: {  	_ =	shalt  }
0x5f: {  	_ =	shalt  }
0x60: {  	_ =	shalt  }
0x61: {  	_ =	shalt  }
0x62: {  	_ =	shalt  }
0x63: {  	_ =	shalt  }
0x64: {  	_ =	shalt  }
0x65: {  	_ =	shalt  }
0x66: {  	_ =	shalt  }
0x67: {  	_ =	shalt  }
0x68: {  	_ =	shalt  }
0x69: {  	_ =	shalt  }
0x6a: {  	_ =	shalt  }
0x6b: {  	_ =	shalt  }
0x6c: {  	_ =	shalt  }
0x6d: {  	_ =	shalt  }
0x6e: {  	_ =	shalt  }
0x6f: {  	_ =	shalt  }
0x70: {  	_ =	shalt  }
0x71: {  	_ =	shalt  }
0x72: {  	_ =	shalt  }
0x73: {  	_ =	shalt  }
0x74: {  	_ =	shalt  }
0x75: {  	_ =	shalt  }
0x76: {  	_ =	shalt  }
0x77: {  	_ =	shalt  }
0x78: {  	_ =	shalt  }
0x79: {  	_ =	shalt  }
0x7a: {  	_ =	shalt  }
0x7b: {  	_ =	shalt  }
0x7c: {  	_ =	shalt  }
0x7d: {  	_ =	shalt  }
0x7e: {  	_ =	shalt  }
0x7f: {  	_ =	shalt  }
0x80: {  	_ =	shalt  }
0x81: {  	_ =	shalt  }
0x82: {  	_ =	shalt  }
0x83: {  	_ =	shalt  }
0x84: {  	_ =	shalt  }
0x85: {  	_ =	shalt  }
0x86: {  	_ =	shalt  }
0x87: {  	_ =	shalt  }
.Lfunc_end0:
.L_simem_size_0:
called_computation.2_lowered:
.L_overlay_start_0:
0x88: {  	s2 =	sld [smem:$0x3FD9]  }
0x89: {  	s3 =	sld [smem:$0x3FFE];
	_ =	sdelay $0x1  }
0x8a: {  	s1 =	srdreg.scid  }
0x8b: {  	s0 =	sand.u32 $0x1, s1  }
0x8c: {  	s17 =	sshll.u32 s0, $0xA;
	s2 =	sadd.s32 s3, s2  }
0x8d: {  	s2 =	sadd.s32 s2, s17  }
0x8e: {  	[smem:$0x3FC0] =	sst s2  }
0x8f: {  	_ = 	snop  }
0x90: {  	s2 =	sld [smem:$0x3FD0];
	(tm) =	ssettm $0x1  }
0x91: {  	s18 =	sld [smem:$0x3FFB];
	_ =	sdelay $0x3  }
0x92: {  	_ =	strace s18  }
0x93: {  	s3 =	sld [smem:$0x3FFC];
	_ =	sdelay $0x3  }
0x94: {  	_ =	strace s3  }
0x95: {  	s3 =	sld [smem:$0x3FFD];
	_ =	sdelay $0x3  }
0x96: {  	_ =	strace s3  }
0x97: {  	_ =	strace $0x8FFFFFFF  }
0x98: {  	s19 =	sld [smem:$0x3FDB];
	_ =	sdelay $0x1  }
0x99: {  	s4 =	simm.s32 $_scs_section_size  }
0x9a: {  	s5 =	simm.s32 $_size__tile_overlayer_lowered;
	s6 =	simm.s32 $_tile_overlayer_lowered  }
0x9b: {  	s22 =	simm.s32 $0x1BFF;
	s21 =	sshll.u32 s6, $0x1;
	s3 =	sadd.s32 s4, s19  }
0x9c: {  	s7 =	simm.s32 $0x0;
	s20 =	sshll.u32 s5, $0x1;
	s5 =	sadd.s32 s21, s3  }
0x9d: {  	[timem:s7], [sflag:s22] =	dma.local [hbm:s5], s20  }
0x9e: {  	_ =	swait.ge [sflag:s22], s20  }
0x9f: {  	s4 =	ssub.s32 $0x0, s20;
	[sflag:s22] =	ssyncset.done $0x0  }
0xa0: {  	[sflag:s22] =	ssyncadd.s32 s4;
	_ =	sdelay $0x1  }
0xa1: {  	s23 =	simm.s32 $0x1B8B  }
0xa2: {  	_ =	swait.ge [sflag:s23], $0x1  }
0xa3: {  	[sflag:s23] =	ssyncset.done $0x0  }
0xa4: {  	s25 =	simm.s32 $0x1B8E;
	s24 =	sld [smem:$0x3FFE];
	[sflag:s23] =	ssyncadd.s32 $0xFFFFFFFF  }
0xa5: {  	s26 =	simm.s32 $execute0_lowered;
	[smem:$0x3FD2] =	sst s25  }
0xa6: {  	s5 =	sshll.u32 s26, $0x1;
	_ =	strace $0x8000004C;
	[dreg:$0x1] =	wrdreg $0xFFFFFFFF  }
0xa7: {  	s28 =	simm.s32 $_size_execute0_lowered;
	s3 =	sadd.s32 s3, s5;
	[dreg:$0x0] =	wrdreg $0x0  }
0xa8: {  	s5 =	sshll.u32 s28, $0x1;
	[dreg:$0x2] =	wrdreg s3  }
0xa9: {  	[dreg:$0x3] =	wrdreg s5  }
0xaa: {  	[dreg:$0x4] =	wrdreg $0xC0  }
0xab: {  	_ =	task [dreg:s7], $0x5FFFF  }
0xac: {  	[dreg:$0x1] =	wrdreg $0xFFFFFFFF  }
0xad: {  	[dreg:$0x0] =	wrdreg $0x60  }
0xae: {  	[dreg:$0x2] =	wrdreg s24  }
0xaf: {  	[dreg:$0x3] =	wrdreg s2  }
0xb0: {  	[dreg:$0x4] =	wrdreg $0x28000  }
0xb1: {  	[dreg:$0x5] =	wrdreg $0x9  }
0xb2: {  	_ =	task.clear_ibuf [dreg:s7], $0x6FFFF;
	_ =	strace $0x9000004C  }
0xb3: {  	s29 =	simm.s32 $0x9;
	_ =	strace $0x8000004E  }
0xb4: {  	_ =	swait.ge [sflag:s29], $0x1  }
0xb5: {  	[sflag:s29] =	ssyncadd.s32 $0xFFFFFFFF  }
0xb6: {  	_ =	strace $0x9000004E  }
0xb7: {  	_ =	sfence  }
0xb8: {  	s30 =	sld [smem:$0x0];
	_ =	sdelay $0x2  }
0xb9: {  	s31 =	sshll.u32 s1, $0xD;
	s1 =	sshrl.u32 s1, $0x2  }
0xba: {  	s3 =	sand.u32 $0x4000, s31;
	s1 =	sadd.s32 s1, s30  }
0xbb: {  	s0 =	sor.u32 s3, s0;
	s1 =	sshll.u32 s1, $0x11  }
0xbc: {  	s0 =	sor.u32 s1, s0  }
0xbd: {  	s0 =	sadd.s32 $0x8F2B, s0  }
0xbe: {  	[sflag:s0] =	ssyncadd.remote.s32 $0x1  }
0xbf: {  	_ =	sfence.sel $0xFFFF  }
0xc0: {  	[dreg:$0x0] =	wrdreg $0xFFFFFFFF;
	(pc) =	sbr.abs _section_cstart, $3  }
0xc1: {  	[dreg:$0x1] =	wrdreg $0xFFFFFFFF  }
0xc2: {  	_ =	task.clear_ibuf [dreg:s7], $0x2FFFF;
	_ =	strace $0x9FFFFFFF  }
0xc3: {  	(tm) =	ssettm $0x7FFFFFFF  }
tec
execute0_lowered:
.L_overlay_start_1:
0x0: {  	(tag) =	ssettag $0x1  }
0x1: {  	s5 =	rddreg [dreg:$0x0]  }
0x2: {  	s13 =	rddreg [dreg:$0x1]  }
0x3: {  	s0 =	srdreg.scid;
	s2 =	rddreg [dreg:$0x2]  }
0x4: {  	s1 =	stileid.u32;
	s3 =	simm.s32 $0x0;
	s17 =	simm.s32 $0x3  }
0x5: {  	s18 =	simm.s32 $0x1400;
	s19 =	simm.s32 $0x80;
	s20 =	simm.s32 $0x1  }
0x6: {  	s21 =	simm.s32 $0x1A800;
	s22 =	simm.s32 $0x2;
	s23 =	simm.s32 $0x1380  }
0x7: {  	s24 =	simm.s32 $0x2700;
	s6 =	sand.u32 $0x1, s0;
	s0 =	rddreg [dreg:$0x3]  }
0x8: {  	s25 =	simm.s32 $0x2780;
	s7 =	smul.u32 $0x14000, s1;
	[smem:$0x7FF] =	sst s3  }
0x9: {  	s8 =	smul.u32 $0x50000, s1;
	s12 =	sadd.s32 $0x3600, s5;
	s28 =	sshll.u32 s1, $0x1  }
0xa: {  	s4 =	smul.u32 $0x140000, s6;
	_ =	strace $0x8000004D;
	s9 =	sor.u32 s6, s28  }
0xb: {  	s29 =	ssub.s32 $0x2, s6;
	s30 =	sshrl.u32 s8, $0x2;
	s10 =	smul.u32 $0x2800, s9  }
0xc: {  	s31 =	sshrl.u32 s29, $0x1;
	s11 =	smul.u32 $0x500, s9;
	s7 =	sadd.s32 s7, s4  }
0xd: {  	s4 =	sadd.s32 $0xD600, s5;
	s15 =	ssub.s32 s29, s31;
	s7 =	sshrl.u32 s7, $0x3  }
0xe: {  	s16 =	sshrl.u32 s10, $0x3;
	s10 =	sadd.s32 s12, s11;
	s11 =	sadd.s32 s13, s11  }
0xf: {  	s15 =	smax.u32 s15, $0x1;
	s14 =	sadd.s32 s7, s5;
	s5 =	sadd.s32 s30, s2  }
0x10: {  	s16 =	sadd.s32 $0x280, s16;
	s6 =	sadd.s32 $0x4000, s5;
	s7 =	sadd.s32 $0x8000, s5  }
0x11: {  	s8 =	sadd.s32 $0xC000, s5;
	s9 =	sadd.s32 $0x10000, s5;
	s12 =	sadd.s32 s12, s16  }
0x12: {  	v0 =	vimm.f32 $0.0e+00;
	s13 =	sadd.s32 s13, s16;
	s14 =	sadd.s32 $0x35600, s14;
	s16 =	simm.s32 $0x16800  }
.LBB2_1:
0x13: {  	s26 =	simm.s32 $0x0;
	s28 =	simm.s32 $0x200  }
.LBB2_2:
0x14: {  	p0 =	sne.s32 s28, $0xFE00;
	[tilespmem:s26+$0x16870] =	vst v0  }
0x15: {  	[tilespmem:s26+$0x16800] =	vst v0  }
0x16: {  	[tilespmem:s26+$0x16810] =	vst v0  }
.Ltmp0:
0x17: {  	[tilespmem:s26+$0x16820] =	vst v0;
	(pc) =	sbr.rel @p0 .LBB2_2-.Ltmp0, $4  }
0x18: {  	[tilespmem:s26+$0x16830] =	vst v0  }
0x19: {  	[tilespmem:s26+$0x16840] =	vst v0  }
0x1a: {  	[tilespmem:s26+$0x16850] =	vst v0  }
0x1b: {  	[tilespmem:s26+$0x16860] =	vst v0;
	s26 =	sshra.s32 s28, $0x2;
	s28 =	sadd.s32 $0x200, s28  }
0x1c: {  	[tilespmem:s26+$0x16870] =	vst v0  }
0x1d: {  	[tilespmem:s26+$0x16800] =	vst v0  }
0x1e: {  	[tilespmem:s26+$0x16810] =	vst v0  }
0x1f: {  	[tilespmem:s26+$0x16820] =	vst v0  }
0x20: {  	[tilespmem:s26+$0x16830] =	vst v0  }
0x21: {  	[tilespmem:s26+$0x16840] =	vst v0  }
0x22: {  	[tilespmem:s26+$0x16850] =	vst v0  }
0x23: {  	[tilespmem:s26+$0x16860] =	vst v0  }
0x24: {  	[spmem:s5] =	stream.linear.scatter [tilespmem:s16], [sflag:$0x3], $0x4000, $0x38;
	[tilespmem:$0x1E800] =	vst v63  }
0x25: {  	_ =	swait.ge [sflag:s17], $0x4000  }
0x26: {  	[sflag:s17] =	ssyncset.done $0x0  }
0x27: {  	[sflag:s17] =	ssyncadd.s32 $0xFFFFC000  }
0x28: {  	[spmem:s6] =	stream.linear.scatter [tilespmem:s16], [sflag:$0x3], $0x4000, $0x38;
	[tilespmem:$0x1E800] =	vst v63  }
0x29: {  	_ =	swait.ge [sflag:s17], $0x4000  }
0x2a: {  	[sflag:s17] =	ssyncset.done $0x0  }
0x2b: {  	[sflag:s17] =	ssyncadd.s32 $0xFFFFC000  }
0x2c: {  	[spmem:s7] =	stream.linear.scatter [tilespmem:s16], [sflag:$0x3], $0x4000, $0x38;
	[tilespmem:$0x1E800] =	vst v63  }
0x2d: {  	_ =	swait.ge [sflag:s17], $0x4000  }
0x2e: {  	[sflag:s17] =	ssyncset.done $0x0  }
0x2f: {  	[sflag:s17] =	ssyncadd.s32 $0xFFFFC000  }
0x30: {  	[spmem:s8] =	stream.linear.scatter [tilespmem:s16], [sflag:$0x3], $0x4000, $0x38;
	[tilespmem:$0x1E800] =	vst v63  }
0x31: {  	_ =	swait.ge [sflag:s17], $0x4000  }
0x32: {  	[sflag:s17] =	ssyncset.done $0x0  }
0x33: {  	[sflag:s17] =	ssyncadd.s32 $0xFFFFC000  }
0x34: {  	[spmem:s9] =	stream.linear.scatter [tilespmem:s16], [sflag:$0x3], $0x4000, $0x38;
	[tilespmem:$0x1E800] =	vst v63  }
0x35: {  	_ =	swait.ge [sflag:s17], $0x4000  }
0x36: {  	[sflag:s17] =	ssyncset.done $0x0  }
0x37: {  	[sflag:s17] =	ssyncadd.s32 $0xFFFFC000  }
0x38: {  	s31 =	simm.s32 $0x0;
	[bflag:$0x0] =	sbarrier.arrive $0xFFFF  }
0x39: {  	[tilespmem:s31], [sflag:$0x3] =	stream.linear.gather [hbm4b:s10+s31], $0x1400, $0x38;
	[tilespmem:$0x1E800] =	vst v63  }
0x3a: {  	_ =	swait.ge [sflag:s17], $0x1400  }
0x3b: {  	[sflag:s17] =	ssyncset.done $0x0  }
0x3c: {  	[sflag:s17] =	ssyncadd.s32 $0xFFFFEC00  }
0x3d: {  	[tilespmem:s18], [sflag:$0x3] =	stream.linear.gather [hbm4b:s11+s31], $0x1400, $0x38;
	[tilespmem:$0x1E800] =	vst v63  }
0x3e: {  	_ =	swait.ge [sflag:s17], $0x1400  }
0x3f: {  	[sflag:s17] =	ssyncset.done $0x0  }
0x40: {  	[sflag:s17] =	ssyncadd.s32 $0xFFFFEC00  }
0x41: {  	[tilespmem:s16], [sflag:$0x1] =	stream.indirect.gather [hbm4b:s4+s19], $0x80, s31, s19, $0xb8;
	[tilespmem:$0x1E800] =	vst v63  }
0x42: {  	_ =	swait.ge [sflag:s20], $0x4000  }
0x43: {  	[sflag:s20] =	ssyncset.done $0x0  }
0x44: {  	s28 =	simm.s32 $0x80;
	[sflag:s20] =	ssyncadd.s32 $0xFFFFC000  }
0x45: {  	[tilespmem:s21], [sflag:$0x2] =	stream.indirect.gather [hbm4b:s4+s19], $0x80, s28, s19, $0xb8;
	[tilespmem:$0x1E800] =	vst v63  }
0x46: {  	s29 =	simm.s32 $0x1400  }
0x47: {  	[spmem:s2] =	stream.indirect.scatter.add.f32 [tilespmem:s16], [sflag:$0x3], $0x80, s29, s19, $0xb8;
	[tilespmem:$0x1E800] =	vst v63  }
0x48: {  	_ =	swait.ge [sflag:s17], $0x4000  }
0x49: {  	[sflag:s17] =	ssyncset.done $0x0  }
0x4a: {  	[sflag:s17] =	ssyncadd.s32 $0xFFFFC000  }
0x4b: {  	_ =	swait.ge [sflag:s22], $0x4000  }
0x4c: {  	[sflag:s22] =	ssyncset.done $0x0  }
0x4d: {  	s30 =	simm.s32 $0x100;
	[sflag:s22] =	ssyncadd.s32 $0xFFFFC000  }
0x4e: {  	[tilespmem:s16], [sflag:$0x1] =	stream.indirect.gather [hbm4b:s4+s19], $0x80, s30, s19, $0xb8;
	[tilespmem:$0x1E800] =	vst v63  }
0x4f: {  	s31 =	simm.s32 $0x1480  }
0x50: {  	[spmem:s2] =	stream.indirect.scatter.add.f32 [tilespmem:s21], [sflag:$0x3], $0x80, s31, s19, $0xb8;
	[tilespmem:$0x1E800] =	vst v63  }
0x51: {  	_ =	swait.ge [sflag:s17], $0x4000  }
0x52: {  	s26 =	simm.s32 $0x400;
	[sflag:s17] =	ssyncset.done $0x0  }
.LBB2_4:
0x53: {  	p0 =	sne.s32 s26, $0x4800  }
0x54: {  	[sflag:s17] =	ssyncadd.s32 $0xFFFFC000;
	s28 =	smov.u32 s26;
	s26 =	sadd.s32 $0x400, s26  }
0x55: {  	_ = 	snop  }
0x56: {  	_ =	swait.ge [sflag:s20], $0x4000  }
0x57: {  	s28 =	sshra.s32 s28, $0x2;
	[sflag:s20] =	ssyncset.done $0x0  }
0x58: {  	s29 =	sadd.s32 $0x80, s28;
	[sflag:s20] =	ssyncadd.s32 $0xFFFFC000  }
0x59: {  	[tilespmem:s21], [sflag:$0x2] =	stream.indirect.gather [hbm4b:s4+s19], $0x80, s29, s19, $0xb8;
	[tilespmem:$0x1E800] =	vst v63  }
0x5a: {  	s29 =	sadd.s32 $0x1400, s28  }
0x5b: {  	[spmem:s2] =	stream.indirect.scatter.add.f32 [tilespmem:s16], [sflag:$0x3], $0x80, s29, s19, $0xb8;
	[tilespmem:$0x1E800] =	vst v63  }
0x5c: {  	_ =	swait.ge [sflag:s17], $0x4000  }
0x5d: {  	[sflag:s17] =	ssyncset.done $0x0  }
0x5e: {  	[sflag:s17] =	ssyncadd.s32 $0xFFFFC000  }
0x5f: {  	_ =	swait.ge [sflag:s22], $0x4000  }
0x60: {  	[sflag:s22] =	ssyncset.done $0x0  }
0x61: {  	s29 =	sadd.s32 $0x100, s28;
	[sflag:s22] =	ssyncadd.s32 $0xFFFFC000  }
0x62: {  	[tilespmem:s16], [sflag:$0x1] =	stream.indirect.gather [hbm4b:s4+s19], $0x80, s29, s19, $0xb8;
	[tilespmem:$0x1E800] =	vst v63  }
.Ltmp1:
0x63: {  	_ = 	snop;
	(pc) =	sbr.rel @p0 .LBB2_4-.Ltmp1, $4  }
0x64: {  	s28 =	sadd.s32 $0x1480, s28  }
0x65: {  	[spmem:s2] =	stream.indirect.scatter.add.f32 [tilespmem:s21], [sflag:$0x3], $0x80, s28, s19, $0xb8;
	[tilespmem:$0x1E800] =	vst v63  }
0x66: {  	_ =	swait.ge [sflag:s17], $0x4000  }
0x67: {  	[sflag:s17] =	ssyncset.done $0x0  }
0x68: {  	[sflag:s17] =	ssyncadd.s32 $0xFFFFC000  }
0x69: {  	_ =	swait.ge [sflag:s20], $0x4000  }
0x6a: {  	[sflag:s20] =	ssyncset.done $0x0  }
0x6b: {  	[sflag:s20] =	ssyncadd.s32 $0xFFFFC000  }
0x6c: {  	[tilespmem:s21], [sflag:$0x2] =	stream.indirect.gather [hbm4b:s4+s19], $0x80, s23, s19, $0xb8;
	[tilespmem:$0x1E800] =	vst v63  }
0x6d: {  	_ = 	snop  }
0x6e: {  	[spmem:s2] =	stream.indirect.scatter.add.f32 [tilespmem:s16], [sflag:$0x3], $0x80, s24, s19, $0xb8;
	[tilespmem:$0x1E800] =	vst v63  }
0x6f: {  	_ =	swait.ge [sflag:s17], $0x4000  }
0x70: {  	[sflag:s17] =	ssyncset.done $0x0  }
0x71: {  	[sflag:s17] =	ssyncadd.s32 $0xFFFFC000  }
0x72: {  	_ =	swait.ge [sflag:s22], $0x4000  }
0x73: {  	[sflag:s22] =	ssyncset.done $0x0  }
0x74: {  	[sflag:s22] =	ssyncadd.s32 $0xFFFFC000  }
0x75: {  	[spmem:s2] =	stream.indirect.scatter.add.f32 [tilespmem:s21], [sflag:$0x3], $0x80, s25, s19, $0xb8;
	[tilespmem:$0x1E800] =	vst v63  }
0x76: {  	_ =	swait.ge [sflag:s17], $0x4000  }
0x77: {  	[sflag:s17] =	ssyncset.done $0x0  }
0x78: {  	s26 =	simm.s32 $0x0;
	[sflag:s17] =	ssyncadd.s32 $0xFFFFC000  }
0x79: {  	[tilespmem:s26], [sflag:$0x3] =	stream.linear.gather [hbm4b:s12+s26], $0x1400, $0x38;
	[tilespmem:$0x1E800] =	vst v63  }
0x7a: {  	_ =	swait.ge [sflag:s17], $0x1400  }
0x7b: {  	[sflag:s17] =	ssyncset.done $0x0  }
0x7c: {  	[sflag:s17] =	ssyncadd.s32 $0xFFFFEC00  }
0x7d: {  	[tilespmem:s18], [sflag:$0x3] =	stream.linear.gather [hbm4b:s13+s26], $0x1400, $0x38;
	[tilespmem:$0x1E800] =	vst v63  }
0x7e: {  	_ =	swait.ge [sflag:s17], $0x1400  }
0x7f: {  	[sflag:s17] =	ssyncset.done $0x0  }
0x80: {  	[sflag:s17] =	ssyncadd.s32 $0xFFFFEC00  }
0x81: {  	[tilespmem:s16], [sflag:$0x1] =	stream.indirect.gather [hbm4b:s4+s19], $0x80, s26, s19, $0xb8;
	[tilespmem:$0x1E800] =	vst v63  }
0x82: {  	_ =	swait.ge [sflag:s20], $0x4000  }
0x83: {  	[sflag:s20] =	ssyncset.done $0x0  }
0x84: {  	s28 =	simm.s32 $0x80;
	[sflag:s20] =	ssyncadd.s32 $0xFFFFC000  }
0x85: {  	[tilespmem:s21], [sflag:$0x2] =	stream.indirect.gather [hbm4b:s4+s19], $0x80, s28, s19, $0xb8;
	[tilespmem:$0x1E800] =	vst v63  }
0x86: {  	s29 =	simm.s32 $0x1400  }
0x87: {  	[spmem:s2] =	stream.indirect.scatter.add.f32 [tilespmem:s16], [sflag:$0x3], $0x80, s29, s19, $0xb8;
	[tilespmem:$0x1E800] =	vst v63  }
0x88: {  	_ =	swait.ge [sflag:s17], $0x4000  }
0x89: {  	[sflag:s17] =	ssyncset.done $0x0  }
0x8a: {  	[sflag:s17] =	ssyncadd.s32 $0xFFFFC000  }
0x8b: {  	_ =	swait.ge [sflag:s22], $0x4000  }
0x8c: {  	[sflag:s22] =	ssyncset.done $0x0  }
0x8d: {  	s30 =	simm.s32 $0x100;
	[sflag:s22] =	ssyncadd.s32 $0xFFFFC000  }
0x8e: {  	[tilespmem:s16], [sflag:$0x1] =	stream.indirect.gather [hbm4b:s4+s19], $0x80, s30, s19, $0xb8;
	[tilespmem:$0x1E800] =	vst v63  }
0x8f: {  	s31 =	simm.s32 $0x1480  }
0x90: {  	[spmem:s2] =	stream.indirect.scatter.add.f32 [tilespmem:s21], [sflag:$0x3], $0x80, s31, s19, $0xb8;
	[tilespmem:$0x1E800] =	vst v63  }
0x91: {  	_ =	swait.ge [sflag:s17], $0x4000  }
0x92: {  	s26 =	simm.s32 $0x400;
	[sflag:s17] =	ssyncset.done $0x0  }
.LBB2_6:
0x93: {  	p0 =	sne.s32 s26, $0x4800  }
0x94: {  	[sflag:s17] =	ssyncadd.s32 $0xFFFFC000;
	s28 =	smov.u32 s26;
	s26 =	sadd.s32 $0x400, s26  }
0x95: {  	_ = 	snop  }
0x96: {  	_ =	swait.ge [sflag:s20], $0x4000  }
0x97: {  	s28 =	sshra.s32 s28, $0x2;
	[sflag:s20] =	ssyncset.done $0x0  }
0x98: {  	s29 =	sadd.s32 $0x80, s28;
	[sflag:s20] =	ssyncadd.s32 $0xFFFFC000  }
0x99: {  	[tilespmem:s21], [sflag:$0x2] =	stream.indirect.gather [hbm4b:s4+s19], $0x80, s29, s19, $0xb8;
	[tilespmem:$0x1E800] =	vst v63  }
0x9a: {  	s29 =	sadd.s32 $0x1400, s28  }
0x9b: {  	[spmem:s2] =	stream.indirect.scatter.add.f32 [tilespmem:s16], [sflag:$0x3], $0x80, s29, s19, $0xb8;
	[tilespmem:$0x1E800] =	vst v63  }
0x9c: {  	_ =	swait.ge [sflag:s17], $0x4000  }
0x9d: {  	[sflag:s17] =	ssyncset.done $0x0  }
0x9e: {  	[sflag:s17] =	ssyncadd.s32 $0xFFFFC000  }
0x9f: {  	_ =	swait.ge [sflag:s22], $0x4000  }
0xa0: {  	[sflag:s22] =	ssyncset.done $0x0  }
0xa1: {  	s29 =	sadd.s32 $0x100, s28;
	[sflag:s22] =	ssyncadd.s32 $0xFFFFC000  }
0xa2: {  	[tilespmem:s16], [sflag:$0x1] =	stream.indirect.gather [hbm4b:s4+s19], $0x80, s29, s19, $0xb8;
	[tilespmem:$0x1E800] =	vst v63  }
.Ltmp2:
0xa3: {  	_ = 	snop;
	(pc) =	sbr.rel @p0 .LBB2_6-.Ltmp2, $4  }
0xa4: {  	s28 =	sadd.s32 $0x1480, s28  }
0xa5: {  	[spmem:s2] =	stream.indirect.scatter.add.f32 [tilespmem:s21], [sflag:$0x3], $0x80, s28, s19, $0xb8;
	[tilespmem:$0x1E800] =	vst v63  }
0xa6: {  	_ =	swait.ge [sflag:s17], $0x4000  }
0xa7: {  	[sflag:s17] =	ssyncset.done $0x0  }
0xa8: {  	[sflag:s17] =	ssyncadd.s32 $0xFFFFC000  }
0xa9: {  	_ =	swait.ge [sflag:s20], $0x4000  }
0xaa: {  	[sflag:s20] =	ssyncset.done $0x0  }
0xab: {  	[sflag:s20] =	ssyncadd.s32 $0xFFFFC000  }
0xac: {  	[tilespmem:s21], [sflag:$0x2] =	stream.indirect.gather [hbm4b:s4+s19], $0x80, s23, s19, $0xb8;
	[tilespmem:$0x1E800] =	vst v63  }
0xad: {  	_ = 	snop  }
0xae: {  	[spmem:s2] =	stream.indirect.scatter.add.f32 [tilespmem:s16], [sflag:$0x3], $0x80, s24, s19, $0xb8;
	[tilespmem:$0x1E800] =	vst v63  }
0xaf: {  	_ =	swait.ge [sflag:s17], $0x4000  }
0xb0: {  	[sflag:s17] =	ssyncset.done $0x0  }
0xb1: {  	[sflag:s17] =	ssyncadd.s32 $0xFFFFC000  }
0xb2: {  	_ =	swait.ge [sflag:s22], $0x4000  }
0xb3: {  	[sflag:s22] =	ssyncset.done $0x0  }
0xb4: {  	[sflag:s22] =	ssyncadd.s32 $0xFFFFC000  }
0xb5: {  	[spmem:s2] =	stream.indirect.scatter.add.f32 [tilespmem:s21], [sflag:$0x3], $0x80, s25, s19, $0xb8;
	[tilespmem:$0x1E800] =	vst v63  }
0xb6: {  	_ =	swait.ge [sflag:s17], $0x4000  }
0xb7: {  	s26 =	sshll.u32 s1, $0x6;
	s3 =	sadd.s32 $0x1, s3;
	[sflag:s17] =	ssyncset.done $0x0  }
0xb8: {  	s28 =	sshrl.u32 s5, $0x3;
	p0 =	sne.s32 s3, s15;
	[sflag:s17] =	ssyncadd.s32 $0xFFFFC000  }
.Ltmp3:
0xb9: {  	s26 =	sor.u32 $0x1C03, s26;
	[bflag:$0x0] =	sbarrier.arrive $0xFFFF;
	(pc) =	sbr.rel @p0 .LBB2_1-.Ltmp3, $4  }
0xba: {  	[hbm:s14], [sflag:s26] =	dma.local [spmem:s28], $0x2800  }
0xbb: {  	_ =	swait.ge [sflag:s17], $0x2800  }
0xbc: {  	[sflag:s17] =	ssyncset.done $0x0  }
0xbd: {  	[sflag:s17] =	ssyncadd.s32 $0xFFFFD800  }
0xbe: {  	_ =	sfence.sel $0x180000  }
0xbf: {  	[bflag:$0x0] =	sbarrier.arrive $0xFFFF  }
0xc0: {  	p0 =	sne.s32 s1, $0x0;
	_ =	strace $0x9000004D  }
0xc1: {  	s0 =	sadd.s32 @!p0 $0x100000, s0;
	[bflag:$0x2] =	sbarrier.arrive $0xFFFF  }
0xc2: {  	[sflag:s0] =	ssyncadd.tile.s32 @!p0 $0x1;
	_ =	shalt  }
.Lfunc_end2:
_tile_overlayer_lowered:
.L_overlay_start_2:
0xc3: {  	(tag) =	ssettag $0x2  }
0xc4: {  	s0 =	rddreg [dreg:$0x0];
	s2 =	stileid.u32  }
0xc5: {  	s1 =	rddreg [dreg:$0x1];
	p0 =	sne.s32 s2, $0x0  }
0xc6: {  	s3 =	rddreg [dreg:$0x2];
	[bflag:$0x3] =	sbarrier.arrive $0xFFFF;
	s2 =	simm.s32 @!p0 $0x1C03  }
0xc7: {  	[timem:s3], [sflag:s2] =	dma.local @!p0 [hbm:s0], s1  }
0xc8: {  	s0 =	simm.s32 @!p0 $0x3  }
0xc9: {  	_ =	swait.ge @!p0 [sflag:s0], s1  }
0xca: {  	s1 =	ssub.s32 @!p0 $0x0, s1;
	[sflag:s0] =	ssyncset.done @!p0 $0x0  }
0xcb: {  	[sflag:s0] =	ssyncadd.s32 @!p0 s1  }
0xcc: {  	[bflag:$0x3] =	sbarrier.arrive $0xFFFF  }
0xcd: {  	_ =	shalt  }

// kernel: kernel.19.cloned.1.call-start
scs
__scs_entry_jumppad:
0x0: {  	(pc) =	sbr.rel $0x88, $3  }
0x1: {  	(tag) =	ssettag $0x0;
	lr =	simm.s32 $0x1  }
0x2: {  	[smem:$0x3F99] =	sst lr;
	_ =	strace $0xD0000000  }
0x3: {  	_ = 	snop  }
0x4: {  	_ = 	snop  }
0x5: {  	_ = 	snop  }
0x6: {  	_ = 	snop  }
0x7: {  	_ = 	snop  }
__scs_overlays_trampoline_lowered:
0x8: {  	[smem:$0x3FA8] =	sst s0  }
0x9: {  	[smem:$0x3FA9] =	sst s1  }
0xa: {  	[smem:$0x3FAA] =	sst s2  }
0xb: {  	[smem:$0x3FAB] =	sst s3  }
0xc: {  	[smem:$0x3FAC] =	sst s4  }
0xd: {  	[smem:$0x3FAD] =	sst s5  }
0xe: {  	[smem:$0x3FAE] =	sst s6  }
0xf: {  	[smem:$0x3FAF] =	sst s7  }
0x10: {  	[smem:$0x3FB0] =	sst s8  }
0x11: {  	[smem:$0x3FB1] =	sst s9;
	s0 =	simm.s32 @!p0 $0x0  }
0x12: {  	s1 =	sld [smem:$0x3F97];
	s0 =	simm.s32 @p0 $0x1  }
0x13: {  	[smem:$0x3FB2] =	sst s0;
	s0 =	simm.s32 @!p1 $0x0  }
0x14: {  	s2 =	sld [smem:$0x3F96];
	s0 =	simm.s32 @p1 $0x1  }
0x15: {  	[smem:$0x3FB3] =	sst s0;
	s0 =	simm.s32 @!p2 $0x0  }
0x16: {  	s3 =	sld [smem:$0x3FDB];
	s0 =	simm.s32 @p2 $0x1  }
0x17: {  	s4 =	simm.s32 $0x1BF5;
	[smem:$0x3FB5] =	sst s0  }
0x18: {  	s0 =	sld [smem:$0x3F98];
	_ =	swait.ge [sflag:s4], $0x0  }
0x19: {  	s7 =	sld [smem:$0x3F99]  }
0x1a: {  	s8 =	sadd.s32 $0xFFFFE003, lr  }
0x1b: {  	s9 =	sadd.s32 $0xFFFFFEF7, lr;
	s5 =	simm.s32 $0xFFFFFFFF;
	p2 =	slt.u32 s8, $0xFFFFF086  }
0x1c: {  	p1 =	slt.u32 s9, $0xF7A;
	s5 =	simm.s32 @!p2 $0x0  }
0x1d: {  	s5 =	simm.s32 @p1 $0x1;
	p0 =	seq.s32 s7, s2  }
0x1e: {  	s7 =	smul.u32 @!p0 $0xF7A, s2;
	p2 =	seq.s32 @!p0 s5, $0x0  }
0x1f: {  	s9 =	smul.u32 $0xF7A, s1;
	s8 =	simm.s32 @!p0 $0x1BF5;
	p2 =	por !p2, p0  }
0x20: {  	[sflag:s8] =	ssyncset.s32 @!p0 $0xFFFFF086;
	s6 =	sadd.s32 @!p0 s3, s7;
	s7 =	simm.s32 @!p0 $0x108  }
0x21: {  	s3 =	sadd.s32 s3, s9;
	s6 =	sadd.s32 @!p0 $0x88, s6;
	s7 =	simm.s32 @p2 $0x1082  }
0x22: {  	[simem:s7], [sflag:s8] =	dma.local @!p0 [hbm:s6], $0xF7A  }
0x23: {  	s9 =	sor.u32 $0xD0000000, s2;
	s6 =	simm.s32 $0x108;
	_ =	swait.ge @!p0 [sflag:s8], $0x0  }
0x24: {  	s3 =	sadd.s32 $0x88, s3;
	s6 =	simm.s32 @!p1 $0x1082;
	[sflag:s4] =	ssyncset.s32 $0xFFFFF086  }
0x25: {  	[simem:s6], [sflag:s4] =	dma.local [hbm:s3], $0xF7A  }
0x26: {  	[smem:$0x3F99] =	sst s1;
	(tag) =	ssettag s2;
	_ =	strace s9  }
0x27: {  	s1 =	sld [smem:$0x3FA9]  }
0x28: {  	s2 =	sld [smem:$0x3FAA]  }
0x29: {  	s4 =	sld [smem:$0x3FAC]  }
0x2a: {  	p0 =	seq.s32 s5, $0x0;
	s5 =	sld [smem:$0x3FAD]  }
0x2b: {  	s6 =	sld [smem:$0x3FAE]  }
0x2c: {  	s7 =	sld [smem:$0x3FAF]  }
0x2d: {  	s3 =	simm.s32 $0x108;
	s8 =	sld [smem:$0x3FB0]  }
0x2e: {  	s3 =	simm.s32 @!p0 $0x1082;
	s9 =	sld [smem:$0x3FB1]  }
0x2f: {  	lr =	sadd.s32 s0, s3;
	s0 =	sld [smem:$0x3FA8]  }
0x30: {  	s3 =	sld [smem:$0x3FAB]  }
0x31: {  	[smem:$0x3FB4] =	sst s10  }
0x32: {  	s10 =	sld [smem:$0x3FB2];
	_ =	sdelay $0x3  }
0x33: {  	p0 =	seq.s32 s10, $0x1;
	s10 =	sld [smem:$0x3FB4];
	_ =	sdelay $0x3  }
0x34: {  	[smem:$0x3FB4] =	sst s10  }
0x35: {  	s10 =	sld [smem:$0x3FB3];
	_ =	sdelay $0x3  }
0x36: {  	p1 =	seq.s32 s10, $0x1;
	s10 =	sld [smem:$0x3FB4];
	_ =	sdelay $0x3  }
0x37: {  	[smem:$0x3FB4] =	sst s10  }
0x38: {  	s10 =	sld [smem:$0x3FB5]  }
0x39: {  	_ = 	snop;
	(pc) =	sbr.ind lr, $3  }
0x3a: {  	_ = 	snop  }
0x3b: {  	_ = 	snop  }
0x3c: {  	p2 =	seq.s32 s10, $0x1;
	s10 =	sld [smem:$0x3FB4]  }
0x3d: {  	_ =	shalt  }
0x3e: {  	_ =	shalt  }
0x3f: {  	_ =	shalt  }
0x40: {  	_ =	shalt  }
0x41: {  	_ =	shalt  }
0x42: {  	_ =	shalt  }
0x43: {  	_ =	shalt  }
0x44: {  	_ =	shalt  }
0x45: {  	_ =	shalt  }
0x46: {  	_ =	shalt  }
0x47: {  	_ =	shalt  }
0x48: {  	_ =	shalt  }
0x49: {  	_ =	shalt  }
0x4a: {  	_ =	shalt  }
0x4b: {  	_ =	shalt  }
0x4c: {  	_ =	shalt  }
0x4d: {  	_ =	shalt  }
0x4e: {  	_ =	shalt  }
0x4f: {  	_ =	shalt  }
0x50: {  	_ =	shalt  }
0x51: {  	_ =	shalt  }
0x52: {  	_ =	shalt  }
0x53: {  	_ =	shalt  }
0x54: {  	_ =	shalt  }
0x55: {  	_ =	shalt  }
0x56: {  	_ =	shalt  }
0x57: {  	_ =	shalt  }
0x58: {  	_ =	shalt  }
0x59: {  	_ =	shalt  }
0x5a: {  	_ =	shalt  }
0x5b: {  	_ =	shalt  }
0x5c: {  	_ =	shalt  }
0x5d: {  	_ =	shalt  }
0x5e: {  	_ =	shalt  }
0x5f: {  	_ =	shalt  }
0x60: {  	_ =	shalt  }
0x61: {  	_ =	shalt  }
0x62: {  	_ =	shalt  }
0x63: {  	_ =	shalt  }
0x64: {  	_ =	shalt  }
0x65: {  	_ =	shalt  }
0x66: {  	_ =	shalt  }
0x67: {  	_ =	shalt  }
0x68: {  	_ =	shalt  }
0x69: {  	_ =	shalt  }
0x6a: {  	_ =	shalt  }
0x6b: {  	_ =	shalt  }
0x6c: {  	_ =	shalt  }
0x6d: {  	_ =	shalt  }
0x6e: {  	_ =	shalt  }
0x6f: {  	_ =	shalt  }
0x70: {  	_ =	shalt  }
0x71: {  	_ =	shalt  }
0x72: {  	_ =	shalt  }
0x73: {  	_ =	shalt  }
0x74: {  	_ =	shalt  }
0x75: {  	_ =	shalt  }
0x76: {  	_ =	shalt  }
0x77: {  	_ =	shalt  }
0x78: {  	_ =	shalt  }
0x79: {  	_ =	shalt  }
0x7a: {  	_ =	shalt  }
0x7b: {  	_ =	shalt  }
0x7c: {  	_ =	shalt  }
0x7d: {  	_ =	shalt  }
0x7e: {  	_ =	shalt  }
0x7f: {  	_ =	shalt  }
0x80: {  	_ =	shalt  }
0x81: {  	_ =	shalt  }
0x82: {  	_ =	shalt  }
0x83: {  	_ =	shalt  }
0x84: {  	_ =	shalt  }
0x85: {  	_ =	shalt  }
0x86: {  	_ =	shalt  }
0x87: {  	_ =	shalt  }
.Lfunc_end0:
.L_simem_size_0:
called_computation.3_lowered:
.L_overlay_start_0:
0x88: {  	s2 =	sld [smem:$0x3FD9]  }
0x89: {  	s3 =	sld [smem:$0x3FFE];
	_ =	sdelay $0x1  }
0x8a: {  	s1 =	srdreg.scid  }
0x8b: {  	s0 =	sand.u32 $0x1, s1  }
0x8c: {  	s17 =	sshll.u32 s0, $0xA;
	s2 =	sadd.s32 s3, s2  }
0x8d: {  	s2 =	sadd.s32 s2, s17  }
0x8e: {  	[smem:$0x3FC0] =	sst s2  }
0x8f: {  	_ = 	snop  }
0x90: {  	s2 =	sld [smem:$0x3FD0];
	(tm) =	ssettm $0x1  }
0x91: {  	s18 =	sld [smem:$0x3FFB];
	_ =	sdelay $0x3  }
0x92: {  	_ =	strace s18  }
0x93: {  	s3 =	sld [smem:$0x3FFC];
	_ =	sdelay $0x3  }
0x94: {  	_ =	strace s3  }
0x95: {  	s3 =	sld [smem:$0x3FFD];
	_ =	sdelay $0x3  }
0x96: {  	_ =	strace s3  }
0x97: {  	_ =	strace $0x8FFFFFFF  }
0x98: {  	s19 =	sld [smem:$0x3FDB];
	_ =	sdelay $0x1  }
0x99: {  	s4 =	simm.s32 $_scs_section_size  }
0x9a: {  	s5 =	simm.s32 $_size__tile_overlayer_lowered;
	s6 =	simm.s32 $_tile_overlayer_lowered  }
0x9b: {  	s22 =	simm.s32 $0x1BFF;
	s21 =	sshll.u32 s6, $0x1;
	s3 =	sadd.s32 s4, s19  }
0x9c: {  	s7 =	simm.s32 $0x0;
	s20 =	sshll.u32 s5, $0x1;
	s5 =	sadd.s32 s21, s3  }
0x9d: {  	[timem:s7], [sflag:s22] =	dma.local [hbm:s5], s20  }
0x9e: {  	_ =	swait.ge [sflag:s22], s20  }
0x9f: {  	s4 =	ssub.s32 $0x0, s20;
	[sflag:s22] =	ssyncset.done $0x0  }
0xa0: {  	[sflag:s22] =	ssyncadd.s32 s4;
	_ =	sdelay $0x1  }
0xa1: {  	s23 =	simm.s32 $0x1B8B  }
0xa2: {  	_ =	swait.ge [sflag:s23], $0x1  }
0xa3: {  	[sflag:s23] =	ssyncset.done $0x0  }
0xa4: {  	s25 =	simm.s32 $0x1B8E;
	s24 =	sld [smem:$0x3FFE];
	[sflag:s23] =	ssyncadd.s32 $0xFFFFFFFF  }
0xa5: {  	s26 =	simm.s32 $execute0_lowered;
	[smem:$0x3FD2] =	sst s25  }
0xa6: {  	s5 =	sshll.u32 s26, $0x1;
	_ =	strace $0x8000004F;
	[dreg:$0x1] =	wrdreg $0xFFFFFFFF  }
0xa7: {  	s28 =	simm.s32 $_size_execute0_lowered;
	s3 =	sadd.s32 s3, s5;
	[dreg:$0x0] =	wrdreg $0x0  }
0xa8: {  	s5 =	sshll.u32 s28, $0x1;
	[dreg:$0x2] =	wrdreg s3  }
0xa9: {  	[dreg:$0x3] =	wrdreg s5  }
0xaa: {  	[dreg:$0x4] =	wrdreg $0xC0  }
0xab: {  	_ =	task [dreg:s7], $0x5FFFF  }
0xac: {  	[dreg:$0x1] =	wrdreg $0xFFFFFFFF  }
0xad: {  	[dreg:$0x0] =	wrdreg $0x60  }
0xae: {  	[dreg:$0x2] =	wrdreg s24  }
0xaf: {  	[dreg:$0x3] =	wrdreg s2  }
0xb0: {  	[dreg:$0x4] =	wrdreg $0x28000  }
0xb1: {  	[dreg:$0x5] =	wrdreg $0x9  }
0xb2: {  	_ =	task.clear_ibuf [dreg:s7], $0x6FFFF;
	_ =	strace $0x9000004F  }
0xb3: {  	s29 =	simm.s32 $0x9;
	_ =	strace $0x80000051  }
0xb4: {  	_ =	swait.ge [sflag:s29], $0x1  }
0xb5: {  	[sflag:s29] =	ssyncadd.s32 $0xFFFFFFFF  }
0xb6: {  	_ =	strace $0x90000051  }
0xb7: {  	_ =	sfence  }
0xb8: {  	s30 =	sld [smem:$0x0];
	_ =	sdelay $0x2  }
0xb9: {  	s31 =	sshll.u32 s1, $0xD;
	s1 =	sshrl.u32 s1, $0x2  }
0xba: {  	s3 =	sand.u32 $0x4000, s31;
	s1 =	sadd.s32 s1, s30  }
0xbb: {  	s0 =	sor.u32 s3, s0;
	s1 =	sshll.u32 s1, $0x11  }
0xbc: {  	s0 =	sor.u32 s1, s0  }
0xbd: {  	s0 =	sadd.s32 $0x8F2B, s0  }
0xbe: {  	[sflag:s0] =	ssyncadd.remote.s32 $0x1  }
0xbf: {  	_ =	sfence.sel $0xFFFF  }
0xc0: {  	[dreg:$0x0] =	wrdreg $0xFFFFFFFF;
	(pc) =	sbr.abs _section_cstart, $3  }
0xc1: {  	[dreg:$0x1] =	wrdreg $0xFFFFFFFF  }
0xc2: {  	_ =	task.clear_ibuf [dreg:s7], $0x2FFFF;
	_ =	strace $0x9FFFFFFF  }
0xc3: {  	(tm) =	ssettm $0x7FFFFFFF  }
tec
execute0_lowered:
.L_overlay_start_1:
0x0: {  	(tag) =	ssettag $0x1  }
0x1: {  	s5 =	rddreg [dreg:$0x0]  }
0x2: {  	s13 =	rddreg [dreg:$0x1]  }
0x3: {  	s0 =	srdreg.scid;
	s2 =	rddreg [dreg:$0x2]  }
0x4: {  	s1 =	stileid.u32;
	s3 =	simm.s32 $0x0;
	s17 =	simm.s32 $0x3  }
0x5: {  	s18 =	simm.s32 $0x1400;
	s19 =	simm.s32 $0x80;
	s20 =	simm.s32 $0x1  }
0x6: {  	s21 =	simm.s32 $0x1A800;
	s22 =	simm.s32 $0x2;
	s23 =	simm.s32 $0x1380  }
0x7: {  	s24 =	simm.s32 $0x2700;
	s6 =	sand.u32 $0x1, s0;
	s0 =	rddreg [dreg:$0x3]  }
0x8: {  	s25 =	simm.s32 $0x2780;
	s7 =	smul.u32 $0x14000, s1;
	[smem:$0x7FF] =	sst s3  }
0x9: {  	s8 =	smul.u32 $0x50000, s1;
	s12 =	sadd.s32 $0x3600, s5;
	s28 =	sshll.u32 s1, $0x1  }
0xa: {  	s4 =	smul.u32 $0x140000, s6;
	_ =	strace $0x80000050;
	s9 =	sor.u32 s6, s28  }
0xb: {  	s29 =	ssub.s32 $0x2, s6;
	s30 =	sshrl.u32 s8, $0x2;
	s10 =	smul.u32 $0x2800, s9  }
0xc: {  	s31 =	sshrl.u32 s29, $0x1;
	s11 =	smul.u32 $0x500, s9;
	s7 =	sadd.s32 s7, s4  }
0xd: {  	s4 =	sadd.s32 $0xD600, s5;
	s15 =	ssub.s32 s29, s31;
	s7 =	sshrl.u32 s7, $0x3  }
0xe: {  	s16 =	sshrl.u32 s10, $0x3;
	s10 =	sadd.s32 s12, s11;
	s11 =	sadd.s32 s13, s11  }
0xf: {  	s15 =	smax.u32 s15, $0x1;
	s14 =	sadd.s32 s7, s5;
	s5 =	sadd.s32 s30, s2  }
0x10: {  	s16 =	sadd.s32 $0x280, s16;
	s6 =	sadd.s32 $0x4000, s5;
	s7 =	sadd.s32 $0x8000, s5  }
0x11: {  	s8 =	sadd.s32 $0xC000, s5;
	s9 =	sadd.s32 $0x10000, s5;
	s12 =	sadd.s32 s12, s16  }
0x12: {  	v0 =	vimm.f32 $0.0e+00;
	s13 =	sadd.s32 s13, s16;
	s14 =	sadd.s32 $0x35600, s14;
	s16 =	simm.s32 $0x16800  }
.LBB2_1:
0x13: {  	s26 =	simm.s32 $0x0;
	s28 =	simm.s32 $0x200  }
.LBB2_2:
0x14: {  	p0 =	sne.s32 s28, $0xFE00;
	[tilespmem:s26+$0x16870] =	vst v0  }
0x15: {  	[tilespmem:s26+$0x16800] =	vst v0  }
0x16: {  	[tilespmem:s26+$0x16810] =	vst v0  }
.Ltmp0:
0x17: {  	[tilespmem:s26+$0x16820] =	vst v0;
	(pc) =	sbr.rel @p0 .LBB2_2-.Ltmp0, $4  }
0x18: {  	[tilespmem:s26+$0x16830] =	vst v0  }
0x19: {  	[tilespmem:s26+$0x16840] =	vst v0  }
0x1a: {  	[tilespmem:s26+$0x16850] =	vst v0  }
0x1b: {  	[tilespmem:s26+$0x16860] =	vst v0;
	s26 =	sshra.s32 s28, $0x2;
	s28 =	sadd.s32 $0x200, s28  }
0x1c: {  	[tilespmem:s26+$0x16870] =	vst v0  }
0x1d: {  	[tilespmem:s26+$0x16800] =	vst v0  }
0x1e: {  	[tilespmem:s26+$0x16810] =	vst v0  }
0x1f: {  	[tilespmem:s26+$0x16820] =	vst v0  }
0x20: {  	[tilespmem:s26+$0x16830] =	vst v0  }
0x21: {  	[tilespmem:s26+$0x16840] =	vst v0  }
0x22: {  	[tilespmem:s26+$0x16850] =	vst v0  }
0x23: {  	[tilespmem:s26+$0x16860] =	vst v0  }
0x24: {  	[spmem:s5] =	stream.linear.scatter [tilespmem:s16], [sflag:$0x3], $0x4000, $0x38;
	[tilespmem:$0x1E800] =	vst v63  }
0x25: {  	_ =	swait.ge [sflag:s17], $0x4000  }
0x26: {  	[sflag:s17] =	ssyncset.done $0x0  }
0x27: {  	[sflag:s17] =	ssyncadd.s32 $0xFFFFC000  }
0x28: {  	[spmem:s6] =	stream.linear.scatter [tilespmem:s16], [sflag:$0x3], $0x4000, $0x38;
	[tilespmem:$0x1E800] =	vst v63  }
0x29: {  	_ =	swait.ge [sflag:s17], $0x4000  }
0x2a: {  	[sflag:s17] =	ssyncset.done $0x0  }
0x2b: {  	[sflag:s17] =	ssyncadd.s32 $0xFFFFC000  }
0x2c: {  	[spmem:s7] =	stream.linear.scatter [tilespmem:s16], [sflag:$0x3], $0x4000, $0x38;
	[tilespmem:$0x1E800] =	vst v63  }
0x2d: {  	_ =	swait.ge [sflag:s17], $0x4000  }
0x2e: {  	[sflag:s17] =	ssyncset.done $0x0  }
0x2f: {  	[sflag:s17] =	ssyncadd.s32 $0xFFFFC000  }
0x30: {  	[spmem:s8] =	stream.linear.scatter [tilespmem:s16], [sflag:$0x3], $0x4000, $0x38;
	[tilespmem:$0x1E800] =	vst v63  }
0x31: {  	_ =	swait.ge [sflag:s17], $0x4000  }
0x32: {  	[sflag:s17] =	ssyncset.done $0x0  }
0x33: {  	[sflag:s17] =	ssyncadd.s32 $0xFFFFC000  }
0x34: {  	[spmem:s9] =	stream.linear.scatter [tilespmem:s16], [sflag:$0x3], $0x4000, $0x38;
	[tilespmem:$0x1E800] =	vst v63  }
0x35: {  	_ =	swait.ge [sflag:s17], $0x4000  }
0x36: {  	[sflag:s17] =	ssyncset.done $0x0  }
0x37: {  	[sflag:s17] =	ssyncadd.s32 $0xFFFFC000  }
0x38: {  	s31 =	simm.s32 $0x0;
	[bflag:$0x0] =	sbarrier.arrive $0xFFFF  }
0x39: {  	[tilespmem:s31], [sflag:$0x3] =	stream.linear.gather [hbm4b:s10+s31], $0x1400, $0x38;
	[tilespmem:$0x1E800] =	vst v63  }
0x3a: {  	_ =	swait.ge [sflag:s17], $0x1400  }
0x3b: {  	[sflag:s17] =	ssyncset.done $0x0  }
0x3c: {  	[sflag:s17] =	ssyncadd.s32 $0xFFFFEC00  }
0x3d: {  	[tilespmem:s18], [sflag:$0x3] =	stream.linear.gather [hbm4b:s11+s31], $0x1400, $0x38;
	[tilespmem:$0x1E800] =	vst v63  }
0x3e: {  	_ =	swait.ge [sflag:s17], $0x1400  }
0x3f: {  	[sflag:s17] =	ssyncset.done $0x0  }
0x40: {  	[sflag:s17] =	ssyncadd.s32 $0xFFFFEC00  }
0x41: {  	[tilespmem:s16], [sflag:$0x1] =	stream.indirect.gather [hbm4b:s4+s19], $0x80, s31, s19, $0xb8;
	[tilespmem:$0x1E800] =	vst v63  }
0x42: {  	_ =	swait.ge [sflag:s20], $0x4000  }
0x43: {  	[sflag:s20] =	ssyncset.done $0x0  }
0x44: {  	s28 =	simm.s32 $0x80;
	[sflag:s20] =	ssyncadd.s32 $0xFFFFC000  }
0x45: {  	[tilespmem:s21], [sflag:$0x2] =	stream.indirect.gather [hbm4b:s4+s19], $0x80, s28, s19, $0xb8;
	[tilespmem:$0x1E800] =	vst v63  }
0x46: {  	s29 =	simm.s32 $0x1400  }
0x47: {  	[spmem:s2] =	stream.indirect.scatter.add.f32 [tilespmem:s16], [sflag:$0x3], $0x80, s29, s19, $0xb8;
	[tilespmem:$0x1E800] =	vst v63  }
0x48: {  	_ =	swait.ge [sflag:s17], $0x4000  }
0x49: {  	[sflag:s17] =	ssyncset.done $0x0  }
0x4a: {  	[sflag:s17] =	ssyncadd.s32 $0xFFFFC000  }
0x4b: {  	_ =	swait.ge [sflag:s22], $0x4000  }
0x4c: {  	[sflag:s22] =	ssyncset.done $0x0  }
0x4d: {  	s30 =	simm.s32 $0x100;
	[sflag:s22] =	ssyncadd.s32 $0xFFFFC000  }
0x4e: {  	[tilespmem:s16], [sflag:$0x1] =	stream.indirect.gather [hbm4b:s4+s19], $0x80, s30, s19, $0xb8;
	[tilespmem:$0x1E800] =	vst v63  }
0x4f: {  	s31 =	simm.s32 $0x1480  }
0x50: {  	[spmem:s2] =	stream.indirect.scatter.add.f32 [tilespmem:s21], [sflag:$0x3], $0x80, s31, s19, $0xb8;
	[tilespmem:$0x1E800] =	vst v63  }
0x51: {  	_ =	swait.ge [sflag:s17], $0x4000  }
0x52: {  	s26 =	simm.s32 $0x400;
	[sflag:s17] =	ssyncset.done $0x0  }
.LBB2_4:
0x53: {  	p0 =	sne.s32 s26, $0x4800  }
0x54: {  	[sflag:s17] =	ssyncadd.s32 $0xFFFFC000;
	s28 =	smov.u32 s26;
	s26 =	sadd.s32 $0x400, s26  }
0x55: {  	_ = 	snop  }
0x56: {  	_ =	swait.ge [sflag:s20], $0x4000  }
0x57: {  	s28 =	sshra.s32 s28, $0x2;
	[sflag:s20] =	ssyncset.done $0x0  }
0x58: {  	s29 =	sadd.s32 $0x80, s28;
	[sflag:s20] =	ssyncadd.s32 $0xFFFFC000  }
0x59: {  	[tilespmem:s21], [sflag:$0x2] =	stream.indirect.gather [hbm4b:s4+s19], $0x80, s29, s19, $0xb8;
	[tilespmem:$0x1E800] =	vst v63  }
0x5a: {  	s29 =	sadd.s32 $0x1400, s28  }
0x5b: {  	[spmem:s2] =	stream.indirect.scatter.add.f32 [tilespmem:s16], [sflag:$0x3], $0x80, s29, s19, $0xb8;
	[tilespmem:$0x1E800] =	vst v63  }
0x5c: {  	_ =	swait.ge [sflag:s17], $0x4000  }
0x5d: {  	[sflag:s17] =	ssyncset.done $0x0  }
0x5e: {  	[sflag:s17] =	ssyncadd.s32 $0xFFFFC000  }
0x5f: {  	_ =	swait.ge [sflag:s22], $0x4000  }
0x60: {  	[sflag:s22] =	ssyncset.done $0x0  }
0x61: {  	s29 =	sadd.s32 $0x100, s28;
	[sflag:s22] =	ssyncadd.s32 $0xFFFFC000  }
0x62: {  	[tilespmem:s16], [sflag:$0x1] =	stream.indirect.gather [hbm4b:s4+s19], $0x80, s29, s19, $0xb8;
	[tilespmem:$0x1E800] =	vst v63  }
.Ltmp1:
0x63: {  	_ = 	snop;
	(pc) =	sbr.rel @p0 .LBB2_4-.Ltmp1, $4  }
0x64: {  	s28 =	sadd.s32 $0x1480, s28  }
0x65: {  	[spmem:s2] =	stream.indirect.scatter.add.f32 [tilespmem:s21], [sflag:$0x3], $0x80, s28, s19, $0xb8;
	[tilespmem:$0x1E800] =	vst v63  }
0x66: {  	_ =	swait.ge [sflag:s17], $0x4000  }
0x67: {  	[sflag:s17] =	ssyncset.done $0x0  }
0x68: {  	[sflag:s17] =	ssyncadd.s32 $0xFFFFC000  }
0x69: {  	_ =	swait.ge [sflag:s20], $0x4000  }
0x6a: {  	[sflag:s20] =	ssyncset.done $0x0  }
0x6b: {  	[sflag:s20] =	ssyncadd.s32 $0xFFFFC000  }
0x6c: {  	[tilespmem:s21], [sflag:$0x2] =	stream.indirect.gather [hbm4b:s4+s19], $0x80, s23, s19, $0xb8;
	[tilespmem:$0x1E800] =	vst v63  }
0x6d: {  	_ = 	snop  }
0x6e: {  	[spmem:s2] =	stream.indirect.scatter.add.f32 [tilespmem:s16], [sflag:$0x3], $0x80, s24, s19, $0xb8;
	[tilespmem:$0x1E800] =	vst v63  }
0x6f: {  	_ =	swait.ge [sflag:s17], $0x4000  }
0x70: {  	[sflag:s17] =	ssyncset.done $0x0  }
0x71: {  	[sflag:s17] =	ssyncadd.s32 $0xFFFFC000  }
0x72: {  	_ =	swait.ge [sflag:s22], $0x4000  }
0x73: {  	[sflag:s22] =	ssyncset.done $0x0  }
0x74: {  	[sflag:s22] =	ssyncadd.s32 $0xFFFFC000  }
0x75: {  	[spmem:s2] =	stream.indirect.scatter.add.f32 [tilespmem:s21], [sflag:$0x3], $0x80, s25, s19, $0xb8;
	[tilespmem:$0x1E800] =	vst v63  }
0x76: {  	_ =	swait.ge [sflag:s17], $0x4000  }
0x77: {  	[sflag:s17] =	ssyncset.done $0x0  }
0x78: {  	s26 =	simm.s32 $0x0;
	[sflag:s17] =	ssyncadd.s32 $0xFFFFC000  }
0x79: {  	[tilespmem:s26], [sflag:$0x3] =	stream.linear.gather [hbm4b:s12+s26], $0x1400, $0x38;
	[tilespmem:$0x1E800] =	vst v63  }
0x7a: {  	_ =	swait.ge [sflag:s17], $0x1400  }
0x7b: {  	[sflag:s17] =	ssyncset.done $0x0  }
0x7c: {  	[sflag:s17] =	ssyncadd.s32 $0xFFFFEC00  }
0x7d: {  	[tilespmem:s18], [sflag:$0x3] =	stream.linear.gather [hbm4b:s13+s26], $0x1400, $0x38;
	[tilespmem:$0x1E800] =	vst v63  }
0x7e: {  	_ =	swait.ge [sflag:s17], $0x1400  }
0x7f: {  	[sflag:s17] =	ssyncset.done $0x0  }
0x80: {  	[sflag:s17] =	ssyncadd.s32 $0xFFFFEC00  }
0x81: {  	[tilespmem:s16], [sflag:$0x1] =	stream.indirect.gather [hbm4b:s4+s19], $0x80, s26, s19, $0xb8;
	[tilespmem:$0x1E800] =	vst v63  }
0x82: {  	_ =	swait.ge [sflag:s20], $0x4000  }
0x83: {  	[sflag:s20] =	ssyncset.done $0x0  }
0x84: {  	s28 =	simm.s32 $0x80;
	[sflag:s20] =	ssyncadd.s32 $0xFFFFC000  }
0x85: {  	[tilespmem:s21], [sflag:$0x2] =	stream.indirect.gather [hbm4b:s4+s19], $0x80, s28, s19, $0xb8;
	[tilespmem:$0x1E800] =	vst v63  }
0x86: {  	s29 =	simm.s32 $0x1400  }
0x87: {  	[spmem:s2] =	stream.indirect.scatter.add.f32 [tilespmem:s16], [sflag:$0x3], $0x80, s29, s19, $0xb8;
	[tilespmem:$0x1E800] =	vst v63  }
0x88: {  	_ =	swait.ge [sflag:s17], $0x4000  }
0x89: {  	[sflag:s17] =	ssyncset.done $0x0  }
0x8a: {  	[sflag:s17] =	ssyncadd.s32 $0xFFFFC000  }
0x8b: {  	_ =	swait.ge [sflag:s22], $0x4000  }
0x8c: {  	[sflag:s22] =	ssyncset.done $0x0  }
0x8d: {  	s30 =	simm.s32 $0x100;
	[sflag:s22] =	ssyncadd.s32 $0xFFFFC000  }
0x8e: {  	[tilespmem:s16], [sflag:$0x1] =	stream.indirect.gather [hbm4b:s4+s19], $0x80, s30, s19, $0xb8;
	[tilespmem:$0x1E800] =	vst v63  }
0x8f: {  	s31 =	simm.s32 $0x1480  }
0x90: {  	[spmem:s2] =	stream.indirect.scatter.add.f32 [tilespmem:s21], [sflag:$0x3], $0x80, s31, s19, $0xb8;
	[tilespmem:$0x1E800] =	vst v63  }
0x91: {  	_ =	swait.ge [sflag:s17], $0x4000  }
0x92: {  	s26 =	simm.s32 $0x400;
	[sflag:s17] =	ssyncset.done $0x0  }
.LBB2_6:
0x93: {  	p0 =	sne.s32 s26, $0x4800  }
0x94: {  	[sflag:s17] =	ssyncadd.s32 $0xFFFFC000;
	s28 =	smov.u32 s26;
	s26 =	sadd.s32 $0x400, s26  }
0x95: {  	_ = 	snop  }
0x96: {  	_ =	swait.ge [sflag:s20], $0x4000  }
0x97: {  	s28 =	sshra.s32 s28, $0x2;
	[sflag:s20] =	ssyncset.done $0x0  }
0x98: {  	s29 =	sadd.s32 $0x80, s28;
	[sflag:s20] =	ssyncadd.s32 $0xFFFFC000  }
0x99: {  	[tilespmem:s21], [sflag:$0x2] =	stream.indirect.gather [hbm4b:s4+s19], $0x80, s29, s19, $0xb8;
	[tilespmem:$0x1E800] =	vst v63  }
0x9a: {  	s29 =	sadd.s32 $0x1400, s28  }
0x9b: {  	[spmem:s2] =	stream.indirect.scatter.add.f32 [tilespmem:s16], [sflag:$0x3], $0x80, s29, s19, $0xb8;
	[tilespmem:$0x1E800] =	vst v63  }
0x9c: {  	_ =	swait.ge [sflag:s17], $0x4000  }
0x9d: {  	[sflag:s17] =	ssyncset.done $0x0  }
0x9e: {  	[sflag:s17] =	ssyncadd.s32 $0xFFFFC000  }
0x9f: {  	_ =	swait.ge [sflag:s22], $0x4000  }
0xa0: {  	[sflag:s22] =	ssyncset.done $0x0  }
0xa1: {  	s29 =	sadd.s32 $0x100, s28;
	[sflag:s22] =	ssyncadd.s32 $0xFFFFC000  }
0xa2: {  	[tilespmem:s16], [sflag:$0x1] =	stream.indirect.gather [hbm4b:s4+s19], $0x80, s29, s19, $0xb8;
	[tilespmem:$0x1E800] =	vst v63  }
.Ltmp2:
0xa3: {  	_ = 	snop;
	(pc) =	sbr.rel @p0 .LBB2_6-.Ltmp2, $4  }
0xa4: {  	s28 =	sadd.s32 $0x1480, s28  }
0xa5: {  	[spmem:s2] =	stream.indirect.scatter.add.f32 [tilespmem:s21], [sflag:$0x3], $0x80, s28, s19, $0xb8;
	[tilespmem:$0x1E800] =	vst v63  }
0xa6: {  	_ =	swait.ge [sflag:s17], $0x4000  }
0xa7: {  	[sflag:s17] =	ssyncset.done $0x0  }
0xa8: {  	[sflag:s17] =	ssyncadd.s32 $0xFFFFC000  }
0xa9: {  	_ =	swait.ge [sflag:s20], $0x4000  }
0xaa: {  	[sflag:s20] =	ssyncset.done $0x0  }
0xab: {  	[sflag:s20] =	ssyncadd.s32 $0xFFFFC000  }
0xac: {  	[tilespmem:s21], [sflag:$0x2] =	stream.indirect.gather [hbm4b:s4+s19], $0x80, s23, s19, $0xb8;
	[tilespmem:$0x1E800] =	vst v63  }
0xad: {  	_ = 	snop  }
0xae: {  	[spmem:s2] =	stream.indirect.scatter.add.f32 [tilespmem:s16], [sflag:$0x3], $0x80, s24, s19, $0xb8;
	[tilespmem:$0x1E800] =	vst v63  }
0xaf: {  	_ =	swait.ge [sflag:s17], $0x4000  }
0xb0: {  	[sflag:s17] =	ssyncset.done $0x0  }
0xb1: {  	[sflag:s17] =	ssyncadd.s32 $0xFFFFC000  }
0xb2: {  	_ =	swait.ge [sflag:s22], $0x4000  }
0xb3: {  	[sflag:s22] =	ssyncset.done $0x0  }
0xb4: {  	[sflag:s22] =	ssyncadd.s32 $0xFFFFC000  }
0xb5: {  	[spmem:s2] =	stream.indirect.scatter.add.f32 [tilespmem:s21], [sflag:$0x3], $0x80, s25, s19, $0xb8;
	[tilespmem:$0x1E800] =	vst v63  }
0xb6: {  	_ =	swait.ge [sflag:s17], $0x4000  }
0xb7: {  	s26 =	sshll.u32 s1, $0x6;
	s3 =	sadd.s32 $0x1, s3;
	[sflag:s17] =	ssyncset.done $0x0  }
0xb8: {  	s28 =	sshrl.u32 s5, $0x3;
	p0 =	sne.s32 s3, s15;
	[sflag:s17] =	ssyncadd.s32 $0xFFFFC000  }
.Ltmp3:
0xb9: {  	s26 =	sor.u32 $0x1C03, s26;
	[bflag:$0x0] =	sbarrier.arrive $0xFFFF;
	(pc) =	sbr.rel @p0 .LBB2_1-.Ltmp3, $4  }
0xba: {  	[hbm:s14], [sflag:s26] =	dma.local [spmem:s28], $0x2800  }
0xbb: {  	_ =	swait.ge [sflag:s17], $0x2800  }
0xbc: {  	[sflag:s17] =	ssyncset.done $0x0  }
0xbd: {  	[sflag:s17] =	ssyncadd.s32 $0xFFFFD800  }
0xbe: {  	_ =	sfence.sel $0x180000  }
0xbf: {  	[bflag:$0x0] =	sbarrier.arrive $0xFFFF  }
0xc0: {  	p0 =	sne.s32 s1, $0x0;
	_ =	strace $0x90000050  }
0xc1: {  	s0 =	sadd.s32 @!p0 $0x100000, s0;
	[bflag:$0x2] =	sbarrier.arrive $0xFFFF  }
0xc2: {  	[sflag:s0] =	ssyncadd.tile.s32 @!p0 $0x1;
	_ =	shalt  }
.Lfunc_end2:
_tile_overlayer_lowered:
.L_overlay_start_2:
0xc3: {  	(tag) =	ssettag $0x2  }
0xc4: {  	s0 =	rddreg [dreg:$0x0];
	s2 =	stileid.u32  }
0xc5: {  	s1 =	rddreg [dreg:$0x1];
	p0 =	sne.s32 s2, $0x0  }
0xc6: {  	s3 =	rddreg [dreg:$0x2];
	[bflag:$0x3] =	sbarrier.arrive $0xFFFF;
	s2 =	simm.s32 @!p0 $0x1C03  }
0xc7: {  	[timem:s3], [sflag:s2] =	dma.local @!p0 [hbm:s0], s1  }
0xc8: {  	s0 =	simm.s32 @!p0 $0x3  }
0xc9: {  	_ =	swait.ge @!p0 [sflag:s0], s1  }
0xca: {  	s1 =	ssub.s32 @!p0 $0x0, s1;
	[sflag:s0] =	ssyncset.done @!p0 $0x0  }
0xcb: {  	[sflag:s0] =	ssyncadd.s32 @!p0 s1  }
0xcc: {  	[bflag:$0x3] =	sbarrier.arrive $0xFFFF  }
0xcd: {  	_ =	shalt  }

</sc_bundles>
